<compile_context>
chip_gen: v7x
topology: tpu7x:2x2x1
jax: 0.10.2.dev20260603
libtpu: 0.0.44.dev20260713+nightly
codegen_flags: <defaults>
</compile_context>

<pallas_src>
import functools

import jax
import jax.numpy as jnp
from jax import lax
from jax.experimental import pallas as pl
from jax.experimental.pallas import tpu as pltpu
from jax.experimental.pallas import tpu_sc as plsc

_K = 64
_GAMMA = 1.0
_N = 10000
_D = 256
_A = 1024
_TN = 2048
_NPAD = 10240
_TA = 128
_NI = _A // _TA
_NJ = _NPAD // _TN


def _sc_gather(t1, t2, i1, i2):
    info = plsc.get_sparse_core_info()
    nc, ns = info.num_cores, info.num_subcores
    nw = nc * ns
    bpw = _A // nw
    mesh = plsc.VectorSubcoreMesh(core_axis_name="c", subcore_axis_name="s")

    @functools.partial(
        pl.kernel,
        mesh=mesh,
        out_type=[
            jax.ShapeDtypeStruct((_A, _D), jnp.float32),
            jax.ShapeDtypeStruct((_A, _D), jnp.float32),
        ],
        scratch_types=[
            pltpu.VMEM((bpw,), jnp.int32),
            pltpu.VMEM((bpw, _D), jnp.float32),
            pltpu.SemaphoreType.DMA,
        ],
    )
    def gk(t1_hbm, t2_hbm, i1_hbm, i2_hbm, o1_hbm, o2_hbm, idx_v, rows_v, sem):
        wid = lax.axis_index("s") * nc + lax.axis_index("c")
        base = wid * bpw
        pltpu.sync_copy(i1_hbm.at[pl.ds(base, bpw)], idx_v)
        pltpu.async_copy(t1_hbm.at[idx_v], rows_v, sem).wait()
        pltpu.sync_copy(rows_v, o1_hbm.at[pl.ds(base, bpw)])
        pltpu.sync_copy(i2_hbm.at[pl.ds(base, bpw)], idx_v)
        pltpu.async_copy(t2_hbm.at[idx_v], rows_v, sem).wait()
        pltpu.sync_copy(rows_v, o2_hbm.at[pl.ds(base, bpw)])

    return gk(t1, t2, i1, i2)


_NSC = 512


def _tc_body(ct_ref, aet_ref, ae1_ref, ae2_ref, out_ref, dist_ref, acs_ref):
    j = pl.program_id(2)

    @pl.when(j == 0)
    def _extract_anchor_cols():
        at = aet_ref[0]

        def ex_body(grp, carry):
            for kk in range(8):
                row_iota = lax.broadcasted_iota(jnp.int32, (_TA, 1), 0)
                oh = (row_iota == grp * 8 + kk).astype(jnp.float32)
                col = lax.dot_general(
                    at, oh, (((1,), (0,)), ((), ())),
                    preferred_element_type=jnp.float32,
                )
                acs_ref[pl.ds(grp * 8 + kk, 1)] = col[None]
            return carry

        lax.fori_loop(0, _TA // 8, ex_body, 0)

    def grp_body(grp, carry):
        def nc_body(nc, carry2):
            nbase = j * _TN + nc * _NSC
            accs = [jnp.zeros((8, _NSC), jnp.float32) for _ in range(8)]
            for dt in range(_D // 8):
                ct_chunk = ct_ref[0, dt * 8:(dt + 1) * 8,
                                  pl.ds(nc * _NSC, _NSC)]
                for kk in range(8):
                    ac = acs_ref[grp * 8 + kk,
                                 dt * 8:(dt + 1) * 8, :]
                    accs[kk] = accs[kk] + jnp.abs(ct_chunk - ac)
            rows = [jnp.sum(a, axis=0, keepdims=True) for a in accs]
            blk = jnp.concatenate(rows, axis=0)
            dist_ref[pl.ds(pl.multiple_of(grp * 8, 8), 8),
                     pl.ds(nbase, _NSC)] = blk
            return carry2

        lax.fori_loop(0, _TN // _NSC, nc_body, 0)
        return carry

    lax.fori_loop(0, _TA // 8, grp_body, 0)

    @pl.when(j == _NJ - 1)
    def _select_and_reduce():
        dvec = _GAMMA + jnp.sum(
            jnp.abs(ae1_ref[...] - ae2_ref[...]), axis=1, keepdims=True
        )

        def _di():
            return lax.bitcast_convert_type(dist_ref[...], jnp.int32)

        lo0 = jnp.min(_di(), axis=1, keepdims=True)
        hi0 = jnp.max(_di(), axis=1, keepdims=True)

        def bs_cond(lo_hi):
            lo, hi = lo_hi
            return jnp.any(lo < hi)

        def bs_body(lo_hi):
            lo, hi = lo_hi
            mid = lo + lax.shift_right_arithmetic(hi - lo, 1)
            cnt = jnp.sum((_di() <= mid).astype(jnp.int32),
                          axis=1, keepdims=True)
            ge = cnt >= _K
            return jnp.where(ge, lo, mid + 1), jnp.where(ge, mid, hi)

        tau_i, _ = lax.while_loop(bs_cond, bs_body, (lo0, hi0))
        tau_f = lax.bitcast_convert_type(tau_i, jnp.float32)

        d_f = dist_ref[...]
        below = _di() < tau_i
        c = jnp.sum(below.astype(jnp.int32), axis=1, keepdims=True)
        contrib = jnp.where(below, jnp.maximum(dvec - d_f, 0.0), 0.0)
        s = jnp.sum(contrib, axis=1, keepdims=True)
        total = s + (_K - c).astype(jnp.float32) * jnp.maximum(dvec - tau_f, 0.0)
        out_ref[...] = total


def _run_tc(ct, aet, ae1, ae2, interpret=False):
    return pl.pallas_call(
        _tc_body,
        grid=(2, _NI, _NJ),
        in_specs=[
            pl.BlockSpec((1, _D, _TN), lambda g, i, j: (g, 0, j)),
            pl.BlockSpec((1, _D, _TA), lambda g, i, j: (g, 0, i)),
            pl.BlockSpec((_TA, _D), lambda g, i, j: (i, 0)),
            pl.BlockSpec((_TA, _D), lambda g, i, j: (i, 0)),
        ],
        out_specs=pl.BlockSpec((_TA, 1), lambda g, i, j: (g * _NI + i, 0)),
        out_shape=jax.ShapeDtypeStruct((2 * _A, 1), jnp.float32),
        scratch_shapes=[pltpu.VMEM((_TA, _NPAD), jnp.float32),
                        pltpu.VMEM((_TA, _D, 1), jnp.float32)],
        interpret=interpret,
    )(ct, aet, ae1, ae2)


def kernel(out1, out2, anchor1, anchor2):
    ae1, ae2 = _sc_gather(
        out1, out2, anchor1.astype(jnp.int32), anchor2.astype(jnp.int32)
    )
    pad = jnp.full((_NPAD - _N, _D), jnp.inf, jnp.float32)
    c2 = jnp.concatenate([out2, pad], axis=0)
    c1 = jnp.concatenate([out1, pad], axis=0)
    ct = jnp.stack([c2.T, c1.T])
    aet = jnp.stack([ae1.T, ae2.T])
    partial = _run_tc(ct, aet, ae1, ae2)
    return jnp.sum(partial) / (_A * _K)

# --- scband reference (transcript-rebuilt; emitter-appended) ---
"""Pipeline reference for scband-ranking-loss-l1-17746804867499 (READ-ONLY COPY).

The authoritative reference and input builder live on the scoring server;
editing this copy changes nothing except your own understanding.
"""

import jax, jax.numpy as jnp
import numpy as np

K = 64
GAMMA = 1.0
N_NODES = 10000
D_FEAT = 256
N_ANCHORS = 1024


def setup_inputs(seed: int = 0) -> dict:
    key = jax.random.key(seed)
    k1, k2, k3, k4 = jax.random.split(key, 4)
    out1 = jax.random.normal(k1, (N_NODES, D_FEAT), dtype=jnp.float32)
    out2 = jax.random.normal(k2, (N_NODES, D_FEAT), dtype=jnp.float32)
    anchor1 = jax.random.randint(k3, (N_ANCHORS,), 0, N_NODES, dtype=jnp.int64 if jax.config.read('jax_enable_x64') else jnp.int32)
    anchor2 = jax.random.randint(k4, (N_ANCHORS,), 0, N_NODES, dtype=jnp.int64 if jax.config.read('jax_enable_x64') else jnp.int32)
    return {"out1": out1, "out2": out2, "anchor1": anchor1, "anchor2": anchor2}


def _cdist_l1(a, b):
    # a: [A, d], b: [N, d] -> [A, N] cityblock distances, row-chunked to bound memory
    def row(av):
        return jnp.sum(jnp.abs(b - av[None, :]), axis=1)
    return jax.lax.map(row, a)


def reference(out1, out2, anchor1, anchor2):
    anchor_embeddings_1 = out1[anchor1]
    anchor_embeddings_2 = out2[anchor2]

    # negative sampling: k nearest (smallest L1 distance) candidates
    distances_1 = _cdist_l1(anchor_embeddings_1, out2)
    neg_samples_1 = jax.lax.top_k(-distances_1, K)[1]
    distances_2 = _cdist_l1(anchor_embeddings_2, out1)
    neg_samples_2 = jax.lax.top_k(-distances_2, K)[1]

    neg_embeddings_1 = out2[neg_samples_1]  # [A, K, d]
    neg_embeddings_2 = out1[neg_samples_2]  # [A, K, d]

    A = jnp.sum(jnp.abs(anchor_embeddings_1 - anchor_embeddings_2), axis=1)
    D = A + GAMMA
    B1 = -jnp.sum(jnp.abs(anchor_embeddings_1[:, None, :] - neg_embeddings_1), axis=2)
    L1 = jnp.sum(jax.nn.relu(D[:, None] + B1))
    B2 = -jnp.sum(jnp.abs(anchor_embeddings_2[:, None, :] - neg_embeddings_2), axis=2)
    L2 = jnp.sum(jax.nn.relu(D[:, None] + B2))
    return (L1 + L2) / (anchor1.shape[0] * K)

if __name__ == "__main__":
    import jax
    _d = setup_inputs()
    print(jax.jit(kernel)(*tuple(_d.values())))

</pallas_src>

<mosaic_0001>
#map = affine_map<(d0, d1) -> (0, 0)>
#map1 = affine_map<(d0, d1) -> (0)>
module attributes {stable_mosaic.version = 14 : i64} {
  func.func @gk(%arg0: i32, %arg1: i32, %arg2: memref<10000x256xf32, #tpu.memory_space<hbm>>, %arg3: memref<10000x256xf32, #tpu.memory_space<hbm>>, %arg4: memref<1024xi32, #tpu.memory_space<hbm>>, %arg5: memref<1024xi32, #tpu.memory_space<hbm>>, %arg6: memref<1024x256xf32, #tpu.memory_space<hbm>>, %arg7: memref<1024x256xf32, #tpu.memory_space<hbm>>, %arg8: memref<32xi32, #tpu.memory_space<vmem>>, %arg9: memref<32x256xf32, #tpu.memory_space<vmem>>, %arg10: memref<!tpu.dma_semaphore, #tpu.memory_space<semaphore_mem>>) attributes {dimension_semantics = [#tpu.dimension_semantics<core_parallel>, #tpu.dimension_semantics<subcore_parallel>], iteration_bounds = array<i64: 2, 16>, scalar_prefetch = 0 : i64, scratch_operands = 3 : i64, tpu.core_type = #tpu.core_type<sc_vector_subcore>, window_params = [{transform_indices = #map}, {transform_indices = #map}, {transform_indices = #map1}, {transform_indices = #map1}, {transform_indices = #map}, {transform_indices = #map}]} {
    %mul3A = arith.constant 2 : i32
    %mul3A_0 = arith.muli %arg1, %mul3A : i32
    %add3A = arith.addi %mul3A_0, %arg0 : i32
    %mul3A_1 = arith.constant 32 : i32
    %mul3A_2 = arith.muli %add3A, %mul3A_1 : i32
    "tpu.region"() ({
      %run_scoped3A = tpu.sem_alloc : memref<!tpu.dma_semaphore, #tpu.memory_space<semaphore_mem>>
      %dma_start3A_13 = tpu.memref_slice %arg4[%mul3A_2] : memref<1024xi32, #tpu.memory_space<hbm>> -> memref<32xi32, #tpu.memory_space<hbm>>
      %dma_start3A_14 = tpu.memref_slice %arg4[%mul3A_2] : memref<1024xi32, #tpu.memory_space<hbm>> -> memref<32xi32, #tpu.memory_space<hbm>>
      tpu.enqueue_dma source(%dma_start3A_14 : memref<32xi32, #tpu.memory_space<hbm>>) target(%arg8 : memref<32xi32, #tpu.memory_space<vmem>>) target_semaphore(%run_scoped3A : memref<!tpu.dma_semaphore, #tpu.memory_space<semaphore_mem>>)
      %dma_wait3A_15 = tpu.memref_slice %arg4[%mul3A_2] : memref<1024xi32, #tpu.memory_space<hbm>> -> memref<32xi32, #tpu.memory_space<hbm>>
      %dma_wait3A_16 = tpu.memref_slice %arg4[%mul3A_2] : memref<1024xi32, #tpu.memory_space<hbm>> -> memref<32xi32, #tpu.memory_space<hbm>>
      tpu.wait_dma2 semaphore(%run_scoped3A : memref<!tpu.dma_semaphore, #tpu.memory_space<semaphore_mem>>) src(%dma_wait3A_16 : memref<32xi32, #tpu.memory_space<hbm>>) dst(%arg8 : memref<32xi32, #tpu.memory_space<vmem>>)
      tpu.yield
    }) : () -> ()
    %dma_start3A = arith.constant 0 : i32
    %dma_start3A_3 = arith.constant 0 : i32
    %dma_start3A_4 = tpu.memref_slice %arg2[%dma_start3A, %dma_start3A_3] : memref<10000x256xf32, #tpu.memory_space<hbm>> -> memref<10000x256xf32, #tpu.memory_space<hbm>>
    tpu.enqueue_indirect_dma source(%dma_start3A_4 : memref<10000x256xf32, #tpu.memory_space<hbm>>) target(%arg9 : memref<32x256xf32, #tpu.memory_space<vmem>>) offsets(%arg8 : memref<32xi32, #tpu.memory_space<vmem>>) semaphore(%arg10 : memref<!tpu.dma_semaphore, #tpu.memory_space<semaphore_mem>>)
    %dma_wait3A = arith.constant 0 : i32
    %dma_wait3A_5 = arith.constant 0 : i32
    %dma_wait3A_6 = tpu.memref_slice %arg2[%dma_wait3A, %dma_wait3A_5] : memref<10000x256xf32, #tpu.memory_space<hbm>> -> memref<10000x256xf32, #tpu.memory_space<hbm>>
    tpu.wait_indirect_dma semaphore(%arg10 : memref<!tpu.dma_semaphore, #tpu.memory_space<semaphore_mem>>) src(%dma_wait3A_6 : memref<10000x256xf32, #tpu.memory_space<hbm>>) dst(%arg9 : memref<32x256xf32, #tpu.memory_space<vmem>>)
    "tpu.region"() ({
      %run_scoped3A = tpu.sem_alloc : memref<!tpu.dma_semaphore, #tpu.memory_space<semaphore_mem>>
      %dma_start3A_13 = arith.constant 0 : i32
      %dma_start3A_14 = tpu.memref_slice %arg6[%mul3A_2, %dma_start3A_13] : memref<1024x256xf32, #tpu.memory_space<hbm>> -> memref<32x256xf32, #tpu.memory_space<hbm>>
      %dma_start3A_15 = arith.constant 0 : i32
      %dma_start3A_16 = tpu.memref_slice %arg6[%mul3A_2, %dma_start3A_15] : memref<1024x256xf32, #tpu.memory_space<hbm>> -> memref<32x256xf32, #tpu.memory_space<hbm>>
      tpu.enqueue_dma source(%arg9 : memref<32x256xf32, #tpu.memory_space<vmem>>) target(%dma_start3A_16 : memref<32x256xf32, #tpu.memory_space<hbm>>) target_semaphore(%run_scoped3A : memref<!tpu.dma_semaphore, #tpu.memory_space<semaphore_mem>>)
      %dma_wait3A_17 = arith.constant 0 : i32
      %dma_wait3A_18 = tpu.memref_slice %arg6[%mul3A_2, %dma_wait3A_17] : memref<1024x256xf32, #tpu.memory_space<hbm>> -> memref<32x256xf32, #tpu.memory_space<hbm>>
      %dma_wait3A_19 = arith.constant 0 : i32
      %dma_wait3A_20 = tpu.memref_slice %arg6[%mul3A_2, %dma_wait3A_19] : memref<1024x256xf32, #tpu.memory_space<hbm>> -> memref<32x256xf32, #tpu.memory_space<hbm>>
      tpu.wait_dma2 semaphore(%run_scoped3A : memref<!tpu.dma_semaphore, #tpu.memory_space<semaphore_mem>>) src(%arg9 : memref<32x256xf32, #tpu.memory_space<vmem>>) dst(%dma_wait3A_20 : memref<32x256xf32, #tpu.memory_space<hbm>>)
      tpu.yield
    }) : () -> ()
    "tpu.region"() ({
      %run_scoped3A = tpu.sem_alloc : memref<!tpu.dma_semaphore, #tpu.memory_space<semaphore_mem>>
      %dma_start3A_13 = tpu.memref_slice %arg5[%mul3A_2] : memref<1024xi32, #tpu.memory_space<hbm>> -> memref<32xi32, #tpu.memory_space<hbm>>
      %dma_start3A_14 = tpu.memref_slice %arg5[%mul3A_2] : memref<1024xi32, #tpu.memory_space<hbm>> -> memref<32xi32, #tpu.memory_space<hbm>>
      tpu.enqueue_dma source(%dma_start3A_14 : memref<32xi32, #tpu.memory_space<hbm>>) target(%arg8 : memref<32xi32, #tpu.memory_space<vmem>>) target_semaphore(%run_scoped3A : memref<!tpu.dma_semaphore, #tpu.memory_space<semaphore_mem>>)
      %dma_wait3A_15 = tpu.memref_slice %arg5[%mul3A_2] : memref<1024xi32, #tpu.memory_space<hbm>> -> memref<32xi32, #tpu.memory_space<hbm>>
      %dma_wait3A_16 = tpu.memref_slice %arg5[%mul3A_2] : memref<1024xi32, #tpu.memory_space<hbm>> -> memref<32xi32, #tpu.memory_space<hbm>>
      tpu.wait_dma2 semaphore(%run_scoped3A : memref<!tpu.dma_semaphore, #tpu.memory_space<semaphore_mem>>) src(%dma_wait3A_16 : memref<32xi32, #tpu.memory_space<hbm>>) dst(%arg8 : memref<32xi32, #tpu.memory_space<vmem>>)
      tpu.yield
    }) : () -> ()
    %dma_start3A_7 = arith.constant 0 : i32
    %dma_start3A_8 = arith.constant 0 : i32
    %dma_start3A_9 = tpu.memref_slice %arg3[%dma_start3A_7, %dma_start3A_8] : memref<10000x256xf32, #tpu.memory_space<hbm>> -> memref<10000x256xf32, #tpu.memory_space<hbm>>
    tpu.enqueue_indirect_dma source(%dma_start3A_9 : memref<10000x256xf32, #tpu.memory_space<hbm>>) target(%arg9 : memref<32x256xf32, #tpu.memory_space<vmem>>) offsets(%arg8 : memref<32xi32, #tpu.memory_space<vmem>>) semaphore(%arg10 : memref<!tpu.dma_semaphore, #tpu.memory_space<semaphore_mem>>)
    %dma_wait3A_10 = arith.constant 0 : i32
    %dma_wait3A_11 = arith.constant 0 : i32
    %dma_wait3A_12 = tpu.memref_slice %arg3[%dma_wait3A_10, %dma_wait3A_11] : memref<10000x256xf32, #tpu.memory_space<hbm>> -> memref<10000x256xf32, #tpu.memory_space<hbm>>
    tpu.wait_indirect_dma semaphore(%arg10 : memref<!tpu.dma_semaphore, #tpu.memory_space<semaphore_mem>>) src(%dma_wait3A_12 : memref<10000x256xf32, #tpu.memory_space<hbm>>) dst(%arg9 : memref<32x256xf32, #tpu.memory_space<vmem>>)
    "tpu.region"() ({
      %run_scoped3A = tpu.sem_alloc : memref<!tpu.dma_semaphore, #tpu.memory_space<semaphore_mem>>
      %dma_start3A_13 = arith.constant 0 : i32
      %dma_start3A_14 = tpu.memref_slice %arg7[%mul3A_2, %dma_start3A_13] : memref<1024x256xf32, #tpu.memory_space<hbm>> -> memref<32x256xf32, #tpu.memory_space<hbm>>
      %dma_start3A_15 = arith.constant 0 : i32
      %dma_start3A_16 = tpu.memref_slice %arg7[%mul3A_2, %dma_start3A_15] : memref<1024x256xf32, #tpu.memory_space<hbm>> -> memref<32x256xf32, #tpu.memory_space<hbm>>
      tpu.enqueue_dma source(%arg9 : memref<32x256xf32, #tpu.memory_space<vmem>>) target(%dma_start3A_16 : memref<32x256xf32, #tpu.memory_space<hbm>>) target_semaphore(%run_scoped3A : memref<!tpu.dma_semaphore, #tpu.memory_space<semaphore_mem>>)
      %dma_wait3A_17 = arith.constant 0 : i32
      %dma_wait3A_18 = tpu.memref_slice %arg7[%mul3A_2, %dma_wait3A_17] : memref<1024x256xf32, #tpu.memory_space<hbm>> -> memref<32x256xf32, #tpu.memory_space<hbm>>
      %dma_wait3A_19 = arith.constant 0 : i32
      %dma_wait3A_20 = tpu.memref_slice %arg7[%mul3A_2, %dma_wait3A_19] : memref<1024x256xf32, #tpu.memory_space<hbm>> -> memref<32x256xf32, #tpu.memory_space<hbm>>
      tpu.wait_dma2 semaphore(%run_scoped3A : memref<!tpu.dma_semaphore, #tpu.memory_space<semaphore_mem>>) src(%arg9 : memref<32x256xf32, #tpu.memory_space<vmem>>) dst(%dma_wait3A_20 : memref<32x256xf32, #tpu.memory_space<hbm>>)
      tpu.yield
    }) : () -> ()
    return
  }
}

module attributes {stable_mosaic.version = 14 : i64} {
  func.func @_tc_body(%arg0: i32, %arg1: i32, %arg2: i32, %arg3: memref<1x256x2048xf32, #tpu.memory_space<vmem>>, %arg4: memref<1x256x128xf32, #tpu.memory_space<vmem>>, %arg5: memref<128x256xf32, #tpu.memory_space<vmem>>, %arg6: memref<128x256xf32, #tpu.memory_space<vmem>>, %arg7: memref<128x1xf32, #tpu.memory_space<vmem>>, %arg8: memref<128x10240xf32, #tpu.memory_space<vmem>>, %arg9: memref<128x256x1xf32, #tpu.memory_space<vmem>>) attributes {dimension_semantics = [#tpu.dimension_semantics<arbitrary>, #tpu.dimension_semantics<arbitrary>, #tpu.dimension_semantics<arbitrary>], iteration_bounds = array<i64: 2, 8, 5>, scalar_prefetch = 0 : i64, scratch_operands = 2 : i64, tpu.core_type = #tpu.core_type<tc>, window_params = [{transform_indices = @transform_0, window_bounds = array<i64: 1, 256, 2048>}, {transform_indices = @transform_1, window_bounds = array<i64: 1, 256, 128>}, {transform_indices = @transform_2, window_bounds = array<i64: 128, 256>}, {transform_indices = @transform_3, window_bounds = array<i64: 128, 256>}, {transform_indices = @transform_4, window_bounds = array<i64: 128, 1>}]} {
    %eq3A = arith.constant 0 : i32
    %eq3A_0 = arith.cmpi eq, %arg2, %eq3A : i32
    %convert_element_type3A = arith.extui %eq3A_0 : i1 to i32
    %cond3A = arith.constant 0 : i32
    %cond3A_1 = arith.cmpi ne, %convert_element_type3A, %cond3A : i32
    scf.if %cond3A_1 {
      %get3A = arith.constant 0 : index
      %get3A_11 = arith.constant 0 : index
      %get3A_12 = arith.constant 0 : index
      %get3A_13 = vector.load %arg4[%get3A, %get3A_11, %get3A_12] : memref<1x256x128xf32, #tpu.memory_space<vmem>>, vector<1x256x128xf32>
      %get3A_14 = vector.shape_cast %get3A_13 : vector<1x256x128xf32> to vector<256x128xf32>
      %scan3A_15 = arith.constant 0 : i32
      %scan3A_16 = arith.constant 16 : i32
      %scan3A_17 = arith.addi %scan3A_15, %scan3A_16 : i32
      %scan3A_18 = arith.constant 1 : i32
      scf.for %scan3A_20 = %scan3A_15 to %scan3A_17 step %scan3A_18  : i32 {
        %iota3A = tpu.iota {dimensions = array<i32: 0>} : vector<128x1xi32>
        %mul3A = arith.constant 8 : i32
        %mul3A_21 = arith.muli %scan3A_20, %mul3A : i32
        %add3A = arith.constant 0 : i32
        %add3A_22 = arith.addi %mul3A_21, %add3A : i32
        %eq3A_23 = vector.broadcast %add3A_22 : i32 to vector<128x1xi32>
        %eq3A_24 = arith.cmpi eq, %iota3A, %eq3A_23 : vector<128x1xi32>
        %convert_element_type3A_25 = arith.extui %eq3A_24 : vector<128x1xi1> to vector<128x1xi32>
        %convert_element_type3A_26 = arith.sitofp %convert_element_type3A_25 : vector<128x1xi32> to vector<128x1xf32>
        %dot_general3A = arith.constant dense<0.000000e+00> : vector<256x1xf32>
        %dot_general3A_27 = tpu.matmul %get3A_14, %convert_element_type3A_26, %dot_general3A {dimension_numbers = #tpu.dot_dimension_numbers<[1], [0], [0], [1], [0, 0, 1, 1], [], []>, transpose_lhs_hint = false} : vector<256x128xf32>, vector<128x1xf32>, vector<256x1xf32> -> vector<256x1xf32>
        %broadcast_in_dim3A = vector.shape_cast %dot_general3A_27 : vector<256x1xf32> to vector<1x256x1xf32>
        %mul3A_28 = arith.constant 8 : i32
        %mul3A_29 = arith.muli %scan3A_20, %mul3A_28 : i32
        %add3A_30 = arith.constant 0 : i32
        %add3A_31 = arith.addi %mul3A_29, %add3A_30 : i32
        %swap3A = arith.index_cast %add3A_31 : i32 to index
        %swap3A_32 = arith.constant 0 : index
        %swap3A_33 = arith.constant 0 : index
        %swap3A_34 = vector.load %arg9[%swap3A, %swap3A_32, %swap3A_33] : memref<128x256x1xf32, #tpu.memory_space<vmem>>, vector<1x256x1xf32>
        tpu.vector_store %arg9[%swap3A, %swap3A_32, %swap3A_33], %broadcast_in_dim3A {strides = array<i32>} : memref<128x256x1xf32, #tpu.memory_space<vmem>>, vector<1x256x1xf32>,
        %iota3A_35 = tpu.iota {dimensions = array<i32: 0>} : vector<128x1xi32>
        %mul3A_36 = arith.constant 8 : i32
        %mul3A_37 = arith.muli %scan3A_20, %mul3A_36 : i32
        %add3A_38 = arith.constant 1 : i32
        %add3A_39 = arith.addi %mul3A_37, %add3A_38 : i32
        %eq3A_40 = vector.broadcast %add3A_39 : i32 to vector<128x1xi32>
        %eq3A_41 = arith.cmpi eq, %iota3A_35, %eq3A_40 : vector<128x1xi32>
        %convert_element_type3A_42 = arith.extui %eq3A_41 : vector<128x1xi1> to vector<128x1xi32>
        %convert_element_type3A_43 = arith.sitofp %convert_element_type3A_42 : vector<128x1xi32> to vector<128x1xf32>
        %dot_general3A_44 = arith.constant dense<0.000000e+00> : vector<256x1xf32>
        %dot_general3A_45 = tpu.matmul %get3A_14, %convert_element_type3A_43, %dot_general3A_44 {dimension_numbers = #tpu.dot_dimension_numbers<[1], [0], [0], [1], [0, 0, 1, 1], [], []>, transpose_lhs_hint = false} : vector<256x128xf32>, vector<128x1xf32>, vector<256x1xf32> -> vector<256x1xf32>
        %broadcast_in_dim3A_46 = vector.shape_cast %dot_general3A_45 : vector<256x1xf32> to vector<1x256x1xf32>
        %mul3A_47 = arith.constant 8 : i32
        %mul3A_48 = arith.muli %scan3A_20, %mul3A_47 : i32
        %add3A_49 = arith.constant 1 : i32
        %add3A_50 = arith.addi %mul3A_48, %add3A_49 : i32
        %swap3A_51 = arith.index_cast %add3A_50 : i32 to index
        %swap3A_52 = arith.constant 0 : index
        %swap3A_53 = arith.constant 0 : index
        %swap3A_54 = vector.load %arg9[%swap3A_51, %swap3A_52, %swap3A_53] : memref<128x256x1xf32, #tpu.memory_space<vmem>>, vector<1x256x1xf32>
        tpu.vector_store %arg9[%swap3A_51, %swap3A_52, %swap3A_53], %broadcast_in_dim3A_46 {strides = array<i32>} : memref<128x256x1xf32, #tpu.memory_space<vmem>>, vector<1x256x1xf32>,
        %iota3A_55 = tpu.iota {dimensions = array<i32: 0>} : vector<128x1xi32>
        %mul3A_56 = arith.constant 8 : i32
        %mul3A_57 = arith.muli %scan3A_20, %mul3A_56 : i32
        %add3A_58 = arith.constant 2 : i32
        %add3A_59 = arith.addi %mul3A_57, %add3A_58 : i32
        %eq3A_60 = vector.broadcast %add3A_59 : i32 to vector<128x1xi32>
        %eq3A_61 = arith.cmpi eq, %iota3A_55, %eq3A_60 : vector<128x1xi32>
        %convert_element_type3A_62 = arith.extui %eq3A_61 : vector<128x1xi1> to vector<128x1xi32>
        %convert_element_type3A_63 = arith.sitofp %convert_element_type3A_62 : vector<128x1xi32> to vector<128x1xf32>
        %dot_general3A_64 = arith.constant dense<0.000000e+00> : vector<256x1xf32>
        %dot_general3A_65 = tpu.matmul %get3A_14, %convert_element_type3A_63, %dot_general3A_64 {dimension_numbers = #tpu.dot_dimension_numbers<[1], [0], [0], [1], [0, 0, 1, 1], [], []>, transpose_lhs_hint = false} : vector<256x128xf32>, vector<128x1xf32>, vector<256x1xf32> -> vector<256x1xf32>
        %broadcast_in_dim3A_66 = vector.shape_cast %dot_general3A_65 : vector<256x1xf32> to vector<1x256x1xf32>
        %mul3A_67 = arith.constant 8 : i32
        %mul3A_68 = arith.muli %scan3A_20, %mul3A_67 : i32
        %add3A_69 = arith.constant 2 : i32
        %add3A_70 = arith.addi %mul3A_68, %add3A_69 : i32
        %swap3A_71 = arith.index_cast %add3A_70 : i32 to index
        %swap3A_72 = arith.constant 0 : index
        %swap3A_73 = arith.constant 0 : index
        %swap3A_74 = vector.load %arg9[%swap3A_71, %swap3A_72, %swap3A_73] : memref<128x256x1xf32, #tpu.memory_space<vmem>>, vector<1x256x1xf32>
        tpu.vector_store %arg9[%swap3A_71, %swap3A_72, %swap3A_73], %broadcast_in_dim3A_66 {strides = array<i32>} : memref<128x256x1xf32, #tpu.memory_space<vmem>>, vector<1x256x1xf32>,
        %iota3A_75 = tpu.iota {dimensions = array<i32: 0>} : vector<128x1xi32>
        %mul3A_76 = arith.constant 8 : i32
        %mul3A_77 = arith.muli %scan3A_20, %mul3A_76 : i32
        %add3A_78 = arith.constant 3 : i32
        %add3A_79 = arith.addi %mul3A_77, %add3A_78 : i32
        %eq3A_80 = vector.broadcast %add3A_79 : i32 to vector<128x1xi32>
        %eq3A_81 = arith.cmpi eq, %iota3A_75, %eq3A_80 : vector<128x1xi32>
        %convert_element_type3A_82 = arith.extui %eq3A_81 : vector<128x1xi1> to vector<128x1xi32>
        %convert_element_type3A_83 = arith.sitofp %convert_element_type3A_82 : vector<128x1xi32> to vector<128x1xf32>
        %dot_general3A_84 = arith.constant dense<0.000000e+00> : vector<256x1xf32>
        %dot_general3A_85 = tpu.matmul %get3A_14, %convert_element_type3A_83, %dot_general3A_84 {dimension_numbers = #tpu.dot_dimension_numbers<[1], [0], [0], [1], [0, 0, 1, 1], [], []>, transpose_lhs_hint = false} : vector<256x128xf32>, vector<128x1xf32>, vector<256x1xf32> -> vector<256x1xf32>
        %broadcast_in_dim3A_86 = vector.shape_cast %dot_general3A_85 : vector<256x1xf32> to vector<1x256x1xf32>
        %mul3A_87 = arith.constant 8 : i32
        %mul3A_88 = arith.muli %scan3A_20, %mul3A_87 : i32
        %add3A_89 = arith.constant 3 : i32
        %add3A_90 = arith.addi %mul3A_88, %add3A_89 : i32
        %swap3A_91 = arith.index_cast %add3A_90 : i32 to index
        %swap3A_92 = arith.constant 0 : index
        %swap3A_93 = arith.constant 0 : index
        %swap3A_94 = vector.load %arg9[%swap3A_91, %swap3A_92, %swap3A_93] : memref<128x256x1xf32, #tpu.memory_space<vmem>>, vector<1x256x1xf32>
        tpu.vector_store %arg9[%swap3A_91, %swap3A_92, %swap3A_93], %broadcast_in_dim3A_86 {strides = array<i32>} : memref<128x256x1xf32, #tpu.memory_space<vmem>>, vector<1x256x1xf32>,
        %iota3A_95 = tpu.iota {dimensions = array<i32: 0>} : vector<128x1xi32>
        %mul3A_96 = arith.constant 8 : i32
        %mul3A_97 = arith.muli %scan3A_20, %mul3A_96 : i32
        %add3A_98 = arith.constant 4 : i32
        %add3A_99 = arith.addi %mul3A_97, %add3A_98 : i32
        %eq3A_100 = vector.broadcast %add3A_99 : i32 to vector<128x1xi32>
        %eq3A_101 = arith.cmpi eq, %iota3A_95, %eq3A_100 : vector<128x1xi32>
        %convert_element_type3A_102 = arith.extui %eq3A_101 : vector<128x1xi1> to vector<128x1xi32>
        %convert_element_type3A_103 = arith.sitofp %convert_element_type3A_102 : vector<128x1xi32> to vector<128x1xf32>
        %dot_general3A_104 = arith.constant dense<0.000000e+00> : vector<256x1xf32>
        %dot_general3A_105 = tpu.matmul %get3A_14, %convert_element_type3A_103, %dot_general3A_104 {dimension_numbers = #tpu.dot_dimension_numbers<[1], [0], [0], [1], [0, 0, 1, 1], [], []>, transpose_lhs_hint = false} : vector<256x128xf32>, vector<128x1xf32>, vector<256x1xf32> -> vector<256x1xf32>
        %broadcast_in_dim3A_106 = vector.shape_cast %dot_general3A_105 : vector<256x1xf32> to vector<1x256x1xf32>
        %mul3A_107 = arith.constant 8 : i32
        %mul3A_108 = arith.muli %scan3A_20, %mul3A_107 : i32
        %add3A_109 = arith.constant 4 : i32
        %add3A_110 = arith.addi %mul3A_108, %add3A_109 : i32
        %swap3A_111 = arith.index_cast %add3A_110 : i32 to index
        %swap3A_112 = arith.constant 0 : index
        %swap3A_113 = arith.constant 0 : index
        %swap3A_114 = vector.load %arg9[%swap3A_111, %swap3A_112, %swap3A_113] : memref<128x256x1xf32, #tpu.memory_space<vmem>>, vector<1x256x1xf32>
        tpu.vector_store %arg9[%swap3A_111, %swap3A_112, %swap3A_113], %broadcast_in_dim3A_106 {strides = array<i32>} : memref<128x256x1xf32, #tpu.memory_space<vmem>>, vector<1x256x1xf32>,
        %iota3A_115 = tpu.iota {dimensions = array<i32: 0>} : vector<128x1xi32>
        %mul3A_116 = arith.constant 8 : i32
        %mul3A_117 = arith.muli %scan3A_20, %mul3A_116 : i32
        %add3A_118 = arith.constant 5 : i32
        %add3A_119 = arith.addi %mul3A_117, %add3A_118 : i32
        %eq3A_120 = vector.broadcast %add3A_119 : i32 to vector<128x1xi32>
        %eq3A_121 = arith.cmpi eq, %iota3A_115, %eq3A_120 : vector<128x1xi32>
        %convert_element_type3A_122 = arith.extui %eq3A_121 : vector<128x1xi1> to vector<128x1xi32>
        %convert_element_type3A_123 = arith.sitofp %convert_element_type3A_122 : vector<128x1xi32> to vector<128x1xf32>
        %dot_general3A_124 = arith.constant dense<0.000000e+00> : vector<256x1xf32>
        %dot_general3A_125 = tpu.matmul %get3A_14, %convert_element_type3A_123, %dot_general3A_124 {dimension_numbers = #tpu.dot_dimension_numbers<[1], [0], [0], [1], [0, 0, 1, 1], [], []>, transpose_lhs_hint = false} : vector<256x128xf32>, vector<128x1xf32>, vector<256x1xf32> -> vector<256x1xf32>
        %broadcast_in_dim3A_126 = vector.shape_cast %dot_general3A_125 : vector<256x1xf32> to vector<1x256x1xf32>
        %mul3A_127 = arith.constant 8 : i32
        %mul3A_128 = arith.muli %scan3A_20, %mul3A_127 : i32
        %add3A_129 = arith.constant 5 : i32
        %add3A_130 = arith.addi %mul3A_128, %add3A_129 : i32
        %swap3A_131 = arith.index_cast %add3A_130 : i32 to index
        %swap3A_132 = arith.constant 0 : index
        %swap3A_133 = arith.constant 0 : index
        %swap3A_134 = vector.load %arg9[%swap3A_131, %swap3A_132, %swap3A_133] : memref<128x256x1xf32, #tpu.memory_space<vmem>>, vector<1x256x1xf32>
        tpu.vector_store %arg9[%swap3A_131, %swap3A_132, %swap3A_133], %broadcast_in_dim3A_126 {strides = array<i32>} : memref<128x256x1xf32, #tpu.memory_space<vmem>>, vector<1x256x1xf32>,
        %iota3A_135 = tpu.iota {dimensions = array<i32: 0>} : vector<128x1xi32>
        %mul3A_136 = arith.constant 8 : i32
        %mul3A_137 = arith.muli %scan3A_20, %mul3A_136 : i32
        %add3A_138 = arith.constant 6 : i32
        %add3A_139 = arith.addi %mul3A_137, %add3A_138 : i32
        %eq3A_140 = vector.broadcast %add3A_139 : i32 to vector<128x1xi32>
        %eq3A_141 = arith.cmpi eq, %iota3A_135, %eq3A_140 : vector<128x1xi32>
        %convert_element_type3A_142 = arith.extui %eq3A_141 : vector<128x1xi1> to vector<128x1xi32>
        %convert_element_type3A_143 = arith.sitofp %convert_element_type3A_142 : vector<128x1xi32> to vector<128x1xf32>
        %dot_general3A_144 = arith.constant dense<0.000000e+00> : vector<256x1xf32>
        %dot_general3A_145 = tpu.matmul %get3A_14, %convert_element_type3A_143, %dot_general3A_144 {dimension_numbers = #tpu.dot_dimension_numbers<[1], [0], [0], [1], [0, 0, 1, 1], [], []>, transpose_lhs_hint = false} : vector<256x128xf32>, vector<128x1xf32>, vector<256x1xf32> -> vector<256x1xf32>
        %broadcast_in_dim3A_146 = vector.shape_cast %dot_general3A_145 : vector<256x1xf32> to vector<1x256x1xf32>
        %mul3A_147 = arith.constant 8 : i32
        %mul3A_148 = arith.muli %scan3A_20, %mul3A_147 : i32
        %add3A_149 = arith.constant 6 : i32
        %add3A_150 = arith.addi %mul3A_148, %add3A_149 : i32
        %swap3A_151 = arith.index_cast %add3A_150 : i32 to index
        %swap3A_152 = arith.constant 0 : index
        %swap3A_153 = arith.constant 0 : index
        %swap3A_154 = vector.load %arg9[%swap3A_151, %swap3A_152, %swap3A_153] : memref<128x256x1xf32, #tpu.memory_space<vmem>>, vector<1x256x1xf32>
        tpu.vector_store %arg9[%swap3A_151, %swap3A_152, %swap3A_153], %broadcast_in_dim3A_146 {strides = array<i32>} : memref<128x256x1xf32, #tpu.memory_space<vmem>>, vector<1x256x1xf32>,
        %iota3A_155 = tpu.iota {dimensions = array<i32: 0>} : vector<128x1xi32>
        %mul3A_156 = arith.constant 8 : i32
        %mul3A_157 = arith.muli %scan3A_20, %mul3A_156 : i32
        %add3A_158 = arith.constant 7 : i32
        %add3A_159 = arith.addi %mul3A_157, %add3A_158 : i32
        %eq3A_160 = vector.broadcast %add3A_159 : i32 to vector<128x1xi32>
        %eq3A_161 = arith.cmpi eq, %iota3A_155, %eq3A_160 : vector<128x1xi32>
        %convert_element_type3A_162 = arith.extui %eq3A_161 : vector<128x1xi1> to vector<128x1xi32>
        %convert_element_type3A_163 = arith.sitofp %convert_element_type3A_162 : vector<128x1xi32> to vector<128x1xf32>
        %dot_general3A_164 = arith.constant dense<0.000000e+00> : vector<256x1xf32>
        %dot_general3A_165 = tpu.matmul %get3A_14, %convert_element_type3A_163, %dot_general3A_164 {dimension_numbers = #tpu.dot_dimension_numbers<[1], [0], [0], [1], [0, 0, 1, 1], [], []>, transpose_lhs_hint = false} : vector<256x128xf32>, vector<128x1xf32>, vector<256x1xf32> -> vector<256x1xf32>
        %broadcast_in_dim3A_166 = vector.shape_cast %dot_general3A_165 : vector<256x1xf32> to vector<1x256x1xf32>
        %mul3A_167 = arith.constant 8 : i32
        %mul3A_168 = arith.muli %scan3A_20, %mul3A_167 : i32
        %add3A_169 = arith.constant 7 : i32
        %add3A_170 = arith.addi %mul3A_168, %add3A_169 : i32
        %swap3A_171 = arith.index_cast %add3A_170 : i32 to index
        %swap3A_172 = arith.constant 0 : index
        %swap3A_173 = arith.constant 0 : index
        %swap3A_174 = vector.load %arg9[%swap3A_171, %swap3A_172, %swap3A_173] : memref<128x256x1xf32, #tpu.memory_space<vmem>>, vector<1x256x1xf32>
        tpu.vector_store %arg9[%swap3A_171, %swap3A_172, %swap3A_173], %broadcast_in_dim3A_166 {strides = array<i32>} : memref<128x256x1xf32, #tpu.memory_space<vmem>>, vector<1x256x1xf32>,
      }
      %scan3A_19 = arith.constant 16 : i32
    } else {
    }
    %scan3A = arith.constant 0 : i32
    %scan3A_2 = arith.constant 16 : i32
    %scan3A_3 = arith.addi %scan3A, %scan3A_2 : i32
    %scan3A_4 = arith.constant 1 : i32
    scf.for %scan3A_11 = %scan3A to %scan3A_3 step %scan3A_4  : i32 {
      %scan3A_12 = arith.constant 0 : i32
      %scan3A_13 = arith.constant 4 : i32
      %scan3A_14 = arith.addi %scan3A_12, %scan3A_13 : i32
      %scan3A_15 = arith.constant 1 : i32
      scf.for %scan3A_17 = %scan3A_12 to %scan3A_14 step %scan3A_15  : i32 {
        %mul3A = arith.constant 2048 : i32
        %mul3A_18 = arith.muli %arg2, %mul3A : i32
        %mul3A_19 = arith.constant 512 : i32
        %mul3A_20 = arith.muli %scan3A_17, %mul3A_19 : i32
        %add3A = arith.addi %mul3A_18, %mul3A_20 : i32
        %broadcast_in_dim3A = arith.constant 0.000000e+00 : f32
        %broadcast_in_dim3A_21 = vector.broadcast %broadcast_in_dim3A : f32 to vector<8x512xf32>
        %broadcast_in_dim3A_22 = arith.constant 0.000000e+00 : f32
        %broadcast_in_dim3A_23 = vector.broadcast %broadcast_in_dim3A_22 : f32 to vector<8x512xf32>
        %broadcast_in_dim3A_24 = arith.constant 0.000000e+00 : f32
        %broadcast_in_dim3A_25 = vector.broadcast %broadcast_in_dim3A_24 : f32 to vector<8x512xf32>
        %broadcast_in_dim3A_26 = arith.constant 0.000000e+00 : f32
        %broadcast_in_dim3A_27 = vector.broadcast %broadcast_in_dim3A_26 : f32 to vector<8x512xf32>
        %broadcast_in_dim3A_28 = arith.constant 0.000000e+00 : f32
        %broadcast_in_dim3A_29 = vector.broadcast %broadcast_in_dim3A_28 : f32 to vector<8x512xf32>
        %broadcast_in_dim3A_30 = arith.constant 0.000000e+00 : f32
        %broadcast_in_dim3A_31 = vector.broadcast %broadcast_in_dim3A_30 : f32 to vector<8x512xf32>
        %broadcast_in_dim3A_32 = arith.constant 0.000000e+00 : f32
        %broadcast_in_dim3A_33 = vector.broadcast %broadcast_in_dim3A_32 : f32 to vector<8x512xf32>
        %broadcast_in_dim3A_34 = arith.constant 0.000000e+00 : f32
        %broadcast_in_dim3A_35 = vector.broadcast %broadcast_in_dim3A_34 : f32 to vector<8x512xf32>
        %mul3A_36 = arith.constant 512 : i32
        %mul3A_37 = arith.muli %scan3A_17, %mul3A_36 : i32
        %get3A = arith.constant 0 : index
        %get3A_38 = arith.constant 0 : index
        %get3A_39 = arith.index_cast %mul3A_37 : i32 to index
        %get3A_40 = vector.load %arg3[%get3A, %get3A_38, %get3A_39] : memref<1x256x2048xf32, #tpu.memory_space<vmem>>, vector<1x8x512xf32>
        %get3A_41 = vector.shape_cast %get3A_40 : vector<1x8x512xf32> to vector<8x512xf32>
        %mul3A_42 = arith.constant 8 : i32
        %mul3A_43 = arith.muli %scan3A_11, %mul3A_42 : i32
        %add3A_44 = arith.constant 0 : i32
        %add3A_45 = arith.addi %mul3A_43, %add3A_44 : i32
        %get3A_46 = arith.index_cast %add3A_45 : i32 to index
        %get3A_47 = arith.constant 0 : index
        %get3A_48 = arith.constant 0 : index
        %get3A_49 = vector.load %arg9[%get3A_46, %get3A_47, %get3A_48] : memref<128x256x1xf32, #tpu.memory_space<vmem>>, vector<1x8x1xf32>
        %get3A_50 = vector.shape_cast %get3A_49 : vector<1x8x1xf32> to vector<8x1xf32>
        %sub3A = vector.broadcast %get3A_50 : vector<8x1xf32> to vector<8x512xf32>
        %sub3A_51 = arith.subf %get3A_41, %sub3A : vector<8x512xf32>
        %abs3A = math.absf %sub3A_51 : vector<8x512xf32>
        %add3A_52 = arith.addf %broadcast_in_dim3A_21, %abs3A : vector<8x512xf32>
        %mul3A_53 = arith.constant 8 : i32
        %mul3A_54 = arith.muli %scan3A_11, %mul3A_53 : i32
        %add3A_55 = arith.constant 1 : i32
        %add3A_56 = arith.addi %mul3A_54, %add3A_55 : i32
        %get3A_57 = arith.index_cast %add3A_56 : i32 to index
        %get3A_58 = arith.constant 0 : index
        %get3A_59 = arith.constant 0 : index
        %get3A_60 = vector.load %arg9[%get3A_57, %get3A_58, %get3A_59] : memref<128x256x1xf32, #tpu.memory_space<vmem>>, vector<1x8x1xf32>
        %get3A_61 = vector.shape_cast %get3A_60 : vector<1x8x1xf32> to vector<8x1xf32>
        %sub3A_62 = vector.broadcast %get3A_61 : vector<8x1xf32> to vector<8x512xf32>
        %sub3A_63 = arith.subf %get3A_41, %sub3A_62 : vector<8x512xf32>
        %abs3A_64 = math.absf %sub3A_63 : vector<8x512xf32>
        %add3A_65 = arith.addf %broadcast_in_dim3A_23, %abs3A_64 : vector<8x512xf32>
        %mul3A_66 = arith.constant 8 : i32
        %mul3A_67 = arith.muli %scan3A_11, %mul3A_66 : i32
        %add3A_68 = arith.constant 2 : i32
        %add3A_69 = arith.addi %mul3A_67, %add3A_68 : i32
        %get3A_70 = arith.index_cast %add3A_69 : i32 to index
        %get3A_71 = arith.constant 0 : index
        %get3A_72 = arith.constant 0 : index
        %get3A_73 = vector.load %arg9[%get3A_70, %get3A_71, %get3A_72] : memref<128x256x1xf32, #tpu.memory_space<vmem>>, vector<1x8x1xf32>
        %get3A_74 = vector.shape_cast %get3A_73 : vector<1x8x1xf32> to vector<8x1xf32>
        %sub3A_75 = vector.broadcast %get3A_74 : vector<8x1xf32> to vector<8x512xf32>
        %sub3A_76 = arith.subf %get3A_41, %sub3A_75 : vector<8x512xf32>
        %abs3A_77 = math.absf %sub3A_76 : vector<8x512xf32>
        %add3A_78 = arith.addf %broadcast_in_dim3A_25, %abs3A_77 : vector<8x512xf32>
        %mul3A_79 = arith.constant 8 : i32
        %mul3A_80 = arith.muli %scan3A_11, %mul3A_79 : i32
        %add3A_81 = arith.constant 3 : i32
        %add3A_82 = arith.addi %mul3A_80, %add3A_81 : i32
        %get3A_83 = arith.index_cast %add3A_82 : i32 to index
        %get3A_84 = arith.constant 0 : index
        %get3A_85 = arith.constant 0 : index
        %get3A_86 = vector.load %arg9[%get3A_83, %get3A_84, %get3A_85] : memref<128x256x1xf32, #tpu.memory_space<vmem>>, vector<1x8x1xf32>
        %get3A_87 = vector.shape_cast %get3A_86 : vector<1x8x1xf32> to vector<8x1xf32>
        %sub3A_88 = vector.broadcast %get3A_87 : vector<8x1xf32> to vector<8x512xf32>
        %sub3A_89 = arith.subf %get3A_41, %sub3A_88 : vector<8x512xf32>
        %abs3A_90 = math.absf %sub3A_89 : vector<8x512xf32>
        %add3A_91 = arith.addf %broadcast_in_dim3A_27, %abs3A_90 : vector<8x512xf32>
        %mul3A_92 = arith.constant 8 : i32
        %mul3A_93 = arith.muli %scan3A_11, %mul3A_92 : i32
        %add3A_94 = arith.constant 4 : i32
        %add3A_95 = arith.addi %mul3A_93, %add3A_94 : i32
        %get3A_96 = arith.index_cast %add3A_95 : i32 to index
        %get3A_97 = arith.constant 0 : index
        %get3A_98 = arith.constant 0 : index
        %get3A_99 = vector.load %arg9[%get3A_96, %get3A_97, %get3A_98] : memref<128x256x1xf32, #tpu.memory_space<vmem>>, vector<1x8x1xf32>
        %get3A_100 = vector.shape_cast %get3A_99 : vector<1x8x1xf32> to vector<8x1xf32>
        %sub3A_101 = vector.broadcast %get3A_100 : vector<8x1xf32> to vector<8x512xf32>
        %sub3A_102 = arith.subf %get3A_41, %sub3A_101 : vector<8x512xf32>
        %abs3A_103 = math.absf %sub3A_102 : vector<8x512xf32>
        %add3A_104 = arith.addf %broadcast_in_dim3A_29, %abs3A_103 : vector<8x512xf32>
        %mul3A_105 = arith.constant 8 : i32
        %mul3A_106 = arith.muli %scan3A_11, %mul3A_105 : i32
        %add3A_107 = arith.constant 5 : i32
        %add3A_108 = arith.addi %mul3A_106, %add3A_107 : i32
        %get3A_109 = arith.index_cast %add3A_108 : i32 to index
        %get3A_110 = arith.constant 0 : index
        %get3A_111 = arith.constant 0 : index
        %get3A_112 = vector.load %arg9[%get3A_109, %get3A_110, %get3A_111] : memref<128x256x1xf32, #tpu.memory_space<vmem>>, vector<1x8x1xf32>
        %get3A_113 = vector.shape_cast %get3A_112 : vector<1x8x1xf32> to vector<8x1xf32>
        %sub3A_114 = vector.broadcast %get3A_113 : vector<8x1xf32> to vector<8x512xf32>
        %sub3A_115 = arith.subf %get3A_41, %sub3A_114 : vector<8x512xf32>
        %abs3A_116 = math.absf %sub3A_115 : vector<8x512xf32>
        %add3A_117 = arith.addf %broadcast_in_dim3A_31, %abs3A_116 : vector<8x512xf32>
        %mul3A_118 = arith.constant 8 : i32
        %mul3A_119 = arith.muli %scan3A_11, %mul3A_118 : i32
        %add3A_120 = arith.constant 6 : i32
        %add3A_121 = arith.addi %mul3A_119, %add3A_120 : i32
        %get3A_122 = arith.index_cast %add3A_121 : i32 to index
        %get3A_123 = arith.constant 0 : index
        %get3A_124 = arith.constant 0 : index
        %get3A_125 = vector.load %arg9[%get3A_122, %get3A_123, %get3A_124] : memref<128x256x1xf32, #tpu.memory_space<vmem>>, vector<1x8x1xf32>
        %get3A_126 = vector.shape_cast %get3A_125 : vector<1x8x1xf32> to vector<8x1xf32>
        %sub3A_127 = vector.broadcast %get3A_126 : vector<8x1xf32> to vector<8x512xf32>
        %sub3A_128 = arith.subf %get3A_41, %sub3A_127 : vector<8x512xf32>
        %abs3A_129 = math.absf %sub3A_128 : vector<8x512xf32>
        %add3A_130 = arith.addf %broadcast_in_dim3A_33, %abs3A_129 : vector<8x512xf32>
        %mul3A_131 = arith.constant 8 : i32
        %mul3A_132 = arith.muli %scan3A_11, %mul3A_131 : i32
        %add3A_133 = arith.constant 7 : i32
        %add3A_134 = arith.addi %mul3A_132, %add3A_133 : i32
        %get3A_135 = arith.index_cast %add3A_134 : i32 to index
        %get3A_136 = arith.constant 0 : index
        %get3A_137 = arith.constant 0 : index
        %get3A_138 = vector.load %arg9[%get3A_135, %get3A_136, %get3A_137] : memref<128x256x1xf32, #tpu.memory_space<vmem>>, vector<1x8x1xf32>
        %get3A_139 = vector.shape_cast %get3A_138 : vector<1x8x1xf32> to vector<8x1xf32>
        %sub3A_140 = vector.broadcast %get3A_139 : vector<8x1xf32> to vector<8x512xf32>
        %sub3A_141 = arith.subf %get3A_41, %sub3A_140 : vector<8x512xf32>
        %abs3A_142 = math.absf %sub3A_141 : vector<8x512xf32>
        %add3A_143 = arith.addf %broadcast_in_dim3A_35, %abs3A_142 : vector<8x512xf32>
        %mul3A_144 = arith.constant 512 : i32
        %mul3A_145 = arith.muli %scan3A_17, %mul3A_144 : i32
        %get3A_146 = arith.constant 0 : index
        %get3A_147 = arith.constant 8 : index
        %get3A_148 = arith.index_cast %mul3A_145 : i32 to index
        %get3A_149 = vector.load %arg3[%get3A_146, %get3A_147, %get3A_148] : memref<1x256x2048xf32, #tpu.memory_space<vmem>>, vector<1x8x512xf32>
        %get3A_150 = vector.shape_cast %get3A_149 : vector<1x8x512xf32> to vector<8x512xf32>
        %mul3A_151 = arith.constant 8 : i32
        %mul3A_152 = arith.muli %scan3A_11, %mul3A_151 : i32
        %add3A_153 = arith.constant 0 : i32
        %add3A_154 = arith.addi %mul3A_152, %add3A_153 : i32
        %get3A_155 = arith.index_cast %add3A_154 : i32 to index
        %get3A_156 = arith.constant 8 : index
        %get3A_157 = arith.constant 0 : index
        %get3A_158 = vector.load %arg9[%get3A_155, %get3A_156, %get3A_157] : memref<128x256x1xf32, #tpu.memory_space<vmem>>, vector<1x8x1xf32>
        %get3A_159 = vector.shape_cast %get3A_158 : vector<1x8x1xf32> to vector<8x1xf32>
        %sub3A_160 = vector.broadcast %get3A_159 : vector<8x1xf32> to vector<8x512xf32>
        %sub3A_161 = arith.subf %get3A_150, %sub3A_160 : vector<8x512xf32>
        %abs3A_162 = math.absf %sub3A_161 : vector<8x512xf32>
        %add3A_163 = arith.addf %add3A_52, %abs3A_162 : vector<8x512xf32>
        %mul3A_164 = arith.constant 8 : i32
        %mul3A_165 = arith.muli %scan3A_11, %mul3A_164 : i32
        %add3A_166 = arith.constant 1 : i32
        %add3A_167 = arith.addi %mul3A_165, %add3A_166 : i32
        %get3A_168 = arith.index_cast %add3A_167 : i32 to index
        %get3A_169 = arith.constant 8 : index
        %get3A_170 = arith.constant 0 : index
        %get3A_171 = vector.load %arg9[%get3A_168, %get3A_169, %get3A_170] : memref<128x256x1xf32, #tpu.memory_space<vmem>>, vector<1x8x1xf32>
        %get3A_172 = vector.shape_cast %get3A_171 : vector<1x8x1xf32> to vector<8x1xf32>
        %sub3A_173 = vector.broadcast %get3A_172 : vector<8x1xf32> to vector<8x512xf32>
        %sub3A_174 = arith.subf %get3A_150, %sub3A_173 : vector<8x512xf32>
        %abs3A_175 = math.absf %sub3A_174 : vector<8x512xf32>
        %add3A_176 = arith.addf %add3A_65, %abs3A_175 : vector<8x512xf32>
        %mul3A_177 = arith.constant 8 : i32
        %mul3A_178 = arith.muli %scan3A_11, %mul3A_177 : i32
        %add3A_179 = arith.constant 2 : i32
        %add3A_180 = arith.addi %mul3A_178, %add3A_179 : i32
        %get3A_181 = arith.index_cast %add3A_180 : i32 to index
        %get3A_182 = arith.constant 8 : index
        %get3A_183 = arith.constant 0 : index
        %get3A_184 = vector.load %arg9[%get3A_181, %get3A_182, %get3A_183] : memref<128x256x1xf32, #tpu.memory_space<vmem>>, vector<1x8x1xf32>
        %get3A_185 = vector.shape_cast %get3A_184 : vector<1x8x1xf32> to vector<8x1xf32>
        %sub3A_186 = vector.broadcast %get3A_185 : vector<8x1xf32> to vector<8x512xf32>
        %sub3A_187 = arith.subf %get3A_150, %sub3A_186 : vector<8x512xf32>
        %abs3A_188 = math.absf %sub3A_187 : vector<8x512xf32>
        %add3A_189 = arith.addf %add3A_78, %abs3A_188 : vector<8x512xf32>
        %mul3A_190 = arith.constant 8 : i32
        %mul3A_191 = arith.muli %scan3A_11, %mul3A_190 : i32
        %add3A_192 = arith.constant 3 : i32
        %add3A_193 = arith.addi %mul3A_191, %add3A_192 : i32
        %get3A_194 = arith.index_cast %add3A_193 : i32 to index
        %get3A_195 = arith.constant 8 : index
        %get3A_196 = arith.constant 0 : index
        %get3A_197 = vector.load %arg9[%get3A_194, %get3A_195, %get3A_196] : memref<128x256x1xf32, #tpu.memory_space<vmem>>, vector<1x8x1xf32>
        %get3A_198 = vector.shape_cast %get3A_197 : vector<1x8x1xf32> to vector<8x1xf32>
        %sub3A_199 = vector.broadcast %get3A_198 : vector<8x1xf32> to vector<8x512xf32>
        %sub3A_200 = arith.subf %get3A_150, %sub3A_199 : vector<8x512xf32>
        %abs3A_201 = math.absf %sub3A_200 : vector<8x512xf32>
        %add3A_202 = arith.addf %add3A_91, %abs3A_201 : vector<8x512xf32>
        %mul3A_203 = arith.constant 8 : i32
        %mul3A_204 = arith.muli %scan3A_11, %mul3A_203 : i32
        %add3A_205 = arith.constant 4 : i32
        %add3A_206 = arith.addi %mul3A_204, %add3A_205 : i32
        %get3A_207 = arith.index_cast %add3A_206 : i32 to index
        %get3A_208 = arith.constant 8 : index
        %get3A_209 = arith.constant 0 : index
        %get3A_210 = vector.load %arg9[%get3A_207, %get3A_208, %get3A_209] : memref<128x256x1xf32, #tpu.memory_space<vmem>>, vector<1x8x1xf32>
        %get3A_211 = vector.shape_cast %get3A_210 : vector<1x8x1xf32> to vector<8x1xf32>
        %sub3A_212 = vector.broadcast %get3A_211 : vector<8x1xf32> to vector<8x512xf32>
        %sub3A_213 = arith.subf %get3A_150, %sub3A_212 : vector<8x512xf32>
        %abs3A_214 = math.absf %sub3A_213 : vector<8x512xf32>
        %add3A_215 = arith.addf %add3A_104, %abs3A_214 : vector<8x512xf32>
        %mul3A_216 = arith.constant 8 : i32
        %mul3A_217 = arith.muli %scan3A_11, %mul3A_216 : i32
        %add3A_218 = arith.constant 5 : i32
        %add3A_219 = arith.addi %mul3A_217, %add3A_218 : i32
        %get3A_220 = arith.index_cast %add3A_219 : i32 to index
        %get3A_221 = arith.constant 8 : index
        %get3A_222 = arith.constant 0 : index
        %get3A_223 = vector.load %arg9[%get3A_220, %get3A_221, %get3A_222] : memref<128x256x1xf32, #tpu.memory_space<vmem>>, vector<1x8x1xf32>
        %get3A_224 = vector.shape_cast %get3A_223 : vector<1x8x1xf32> to vector<8x1xf32>
        %sub3A_225 = vector.broadcast %get3A_224 : vector<8x1xf32> to vector<8x512xf32>
        %sub3A_226 = arith.subf %get3A_150, %sub3A_225 : vector<8x512xf32>
        %abs3A_227 = math.absf %sub3A_226 : vector<8x512xf32>
        %add3A_228 = arith.addf %add3A_117, %abs3A_227 : vector<8x512xf32>
        %mul3A_229 = arith.constant 8 : i32
        %mul3A_230 = arith.muli %scan3A_11, %mul3A_229 : i32
        %add3A_231 = arith.constant 6 : i32
        %add3A_232 = arith.addi %mul3A_230, %add3A_231 : i32
        %get3A_233 = arith.index_cast %add3A_232 : i32 to index
        %get3A_234 = arith.constant 8 : index
        %get3A_235 = arith.constant 0 : index
        %get3A_236 = vector.load %arg9[%get3A_233, %get3A_234, %get3A_235] : memref<128x256x1xf32, #tpu.memory_space<vmem>>, vector<1x8x1xf32>
        %get3A_237 = vector.shape_cast %get3A_236 : vector<1x8x1xf32> to vector<8x1xf32>
        %sub3A_238 = vector.broadcast %get3A_237 : vector<8x1xf32> to vector<8x512xf32>
        %sub3A_239 = arith.subf %get3A_150, %sub3A_238 : vector<8x512xf32>
        %abs3A_240 = math.absf %sub3A_239 : vector<8x512xf32>
        %add3A_241 = arith.addf %add3A_130, %abs3A_240 : vector<8x512xf32>
        %mul3A_242 = arith.constant 8 : i32
        %mul3A_243 = arith.muli %scan3A_11, %mul3A_242 : i32
        %add3A_244 = arith.constant 7 : i32
        %add3A_245 = arith.addi %mul3A_243, %add3A_244 : i32
        %get3A_246 = arith.index_cast %add3A_245 : i32 to index
        %get3A_247 = arith.constant 8 : index
        %get3A_248 = arith.constant 0 : index
        %get3A_249 = vector.load %arg9[%get3A_246, %get3A_247, %get3A_248] : memref<128x256x1xf32, #tpu.memory_space<vmem>>, vector<1x8x1xf32>
        %get3A_250 = vector.shape_cast %get3A_249 : vector<1x8x1xf32> to vector<8x1xf32>
        %sub3A_251 = vector.broadcast %get3A_250 : vector<8x1xf32> to vector<8x512xf32>
        %sub3A_252 = arith.subf %get3A_150, %sub3A_251 : vector<8x512xf32>
        %abs3A_253 = math.absf %sub3A_252 : vector<8x512xf32>
        %add3A_254 = arith.addf %add3A_143, %abs3A_253 : vector<8x512xf32>
        %mul3A_255 = arith.constant 512 : i32
        %mul3A_256 = arith.muli %scan3A_17, %mul3A_255 : i32
        %get3A_257 = arith.constant 0 : index
        %get3A_258 = arith.constant 16 : index
        %get3A_259 = arith.index_cast %mul3A_256 : i32 to index
        %get3A_260 = vector.load %arg3[%get3A_257, %get3A_258, %get3A_259] : memref<1x256x2048xf32, #tpu.memory_space<vmem>>, vector<1x8x512xf32>
        %get3A_261 = vector.shape_cast %get3A_260 : vector<1x8x512xf32> to vector<8x512xf32>
        %mul3A_262 = arith.constant 8 : i32
        %mul3A_263 = arith.muli %scan3A_11, %mul3A_262 : i32
        %add3A_264 = arith.constant 0 : i32
        %add3A_265 = arith.addi %mul3A_263, %add3A_264 : i32
        %get3A_266 = arith.index_cast %add3A_265 : i32 to index
        %get3A_267 = arith.constant 16 : index
        %get3A_268 = arith.constant 0 : index
        %get3A_269 = vector.load %arg9[%get3A_266, %get3A_267, %get3A_268] : memref<128x256x1xf32, #tpu.memory_space<vmem>>, vector<1x8x1xf32>
        %get3A_270 = vector.shape_cast %get3A_269 : vector<1x8x1xf32> to vector<8x1xf32>
        %sub3A_271 = vector.broadcast %get3A_270 : vector<8x1xf32> to vector<8x512xf32>
        %sub3A_272 = arith.subf %get3A_261, %sub3A_271 : vector<8x512xf32>
        %abs3A_273 = math.absf %sub3A_272 : vector<8x512xf32>
        %add3A_274 = arith.addf %add3A_163, %abs3A_273 : vector<8x512xf32>
        %mul3A_275 = arith.constant 8 : i32
        %mul3A_276 = arith.muli %scan3A_11, %mul3A_275 : i32
        %add3A_277 = arith.constant 1 : i32
        %add3A_278 = arith.addi %mul3A_276, %add3A_277 : i32
        %get3A_279 = arith.index_cast %add3A_278 : i32 to index
        %get3A_280 = arith.constant 16 : index
        %get3A_281 = arith.constant 0 : index
        %get3A_282 = vector.load %arg9[%get3A_279, %get3A_280, %get3A_281] : memref<128x256x1xf32, #tpu.memory_space<vmem>>, vector<1x8x1xf32>
        %get3A_283 = vector.shape_cast %get3A_282 : vector<1x8x1xf32> to vector<8x1xf32>
        %sub3A_284 = vector.broadcast %get3A_283 : vector<8x1xf32> to vector<8x512xf32>
        %sub3A_285 = arith.subf %get3A_261, %sub3A_284 : vector<8x512xf32>
        %abs3A_286 = math.absf %sub3A_285 : vector<8x512xf32>
        %add3A_287 = arith.addf %add3A_176, %abs3A_286 : vector<8x512xf32>
        %mul3A_288 = arith.constant 8 : i32
        %mul3A_289 = arith.muli %scan3A_11, %mul3A_288 : i32
        %add3A_290 = arith.constant 2 : i32
        %add3A_291 = arith.addi %mul3A_289, %add3A_290 : i32
        %get3A_292 = arith.index_cast %add3A_291 : i32 to index
        %get3A_293 = arith.constant 16 : index
        %get3A_294 = arith.constant 0 : index
        %get3A_295 = vector.load %arg9[%get3A_292, %get3A_293, %get3A_294] : memref<128x256x1xf32, #tpu.memory_space<vmem>>, vector<1x8x1xf32>
        %get3A_296 = vector.shape_cast %get3A_295 : vector<1x8x1xf32> to vector<8x1xf32>
        %sub3A_297 = vector.broadcast %get3A_296 : vector<8x1xf32> to vector<8x512xf32>
        %sub3A_298 = arith.subf %get3A_261, %sub3A_297 : vector<8x512xf32>
        %abs3A_299 = math.absf %sub3A_298 : vector<8x512xf32>
        %add3A_300 = arith.addf %add3A_189, %abs3A_299 : vector<8x512xf32>
        %mul3A_301 = arith.constant 8 : i32
        %mul3A_302 = arith.muli %scan3A_11, %mul3A_301 : i32
        %add3A_303 = arith.constant 3 : i32
        %add3A_304 = arith.addi %mul3A_302, %add3A_303 : i32
        %get3A_305 = arith.index_cast %add3A_304 : i32 to index
        %get3A_306 = arith.constant 16 : index
        %get3A_307 = arith.constant 0 : index
        %get3A_308 = vector.load %arg9[%get3A_305, %get3A_306, %get3A_307] : memref<128x256x1xf32, #tpu.memory_space<vmem>>, vector<1x8x1xf32>
        %get3A_309 = vector.shape_cast %get3A_308 : vector<1x8x1xf32> to vector<8x1xf32>
        %sub3A_310 = vector.broadcast %get3A_309 : vector<8x1xf32> to vector<8x512xf32>
        %sub3A_311 = arith.subf %get3A_261, %sub3A_310 : vector<8x512xf32>
        %abs3A_312 = math.absf %sub3A_311 : vector<8x512xf32>
        %add3A_313 = arith.addf %add3A_202, %abs3A_312 : vector<8x512xf32>
        %mul3A_314 = arith.constant 8 : i32
        %mul3A_315 = arith.muli %scan3A_11, %mul3A_314 : i32
        %add3A_316 = arith.constant 4 : i32
        %add3A_317 = arith.addi %mul3A_315, %add3A_316 : i32
        %get3A_318 = arith.index_cast %add3A_317 : i32 to index
        %get3A_319 = arith.constant 16 : index
        %get3A_320 = arith.constant 0 : index
        %get3A_321 = vector.load %arg9[%get3A_318, %get3A_319, %get3A_320] : memref<128x256x1xf32, #tpu.memory_space<vmem>>, vector<1x8x1xf32>
        %get3A_322 = vector.shape_cast %get3A_321 : vector<1x8x1xf32> to vector<8x1xf32>
        %sub3A_323 = vector.broadcast %get3A_322 : vector<8x1xf32> to vector<8x512xf32>
        %sub3A_324 = arith.subf %get3A_261, %sub3A_323 : vector<8x512xf32>
        %abs3A_325 = math.absf %sub3A_324 : vector<8x512xf32>
        %add3A_326 = arith.addf %add3A_215, %abs3A_325 : vector<8x512xf32>
        %mul3A_327 = arith.constant 8 : i32
        %mul3A_328 = arith.muli %scan3A_11, %mul3A_327 : i32
        %add3A_329 = arith.constant 5 : i32
        %add3A_330 = arith.addi %mul3A_328, %add3A_329 : i32
        %get3A_331 = arith.index_cast %add3A_330 : i32 to index
        %get3A_332 = arith.constant 16 : index
        %get3A_333 = arith.constant 0 : index
        %get3A_334 = vector.load %arg9[%get3A_331, %get3A_332, %get3A_333] : memref<128x256x1xf32, #tpu.memory_space<vmem>>, vector<1x8x1xf32>
        %get3A_335 = vector.shape_cast %get3A_334 : vector<1x8x1xf32> to vector<8x1xf32>
        %sub3A_336 = vector.broadcast %get3A_335 : vector<8x1xf32> to vector<8x512xf32>
        %sub3A_337 = arith.subf %get3A_261, %sub3A_336 : vector<8x512xf32>
        %abs3A_338 = math.absf %sub3A_337 : vector<8x512xf32>
        %add3A_339 = arith.addf %add3A_228, %abs3A_338 : vector<8x512xf32>
        %mul3A_340 = arith.constant 8 : i32
        %mul3A_341 = arith.muli %scan3A_11, %mul3A_340 : i32
        %add3A_342 = arith.constant 6 : i32
        %add3A_343 = arith.addi %mul3A_341, %add3A_342 : i32
        %get3A_344 = arith.index_cast %add3A_343 : i32 to index
        %get3A_345 = arith.constant 16 : index
        %get3A_346 = arith.constant 0 : index
        %get3A_347 = vector.load %arg9[%get3A_344, %get3A_345, %get3A_346] : memref<128x256x1xf32, #tpu.memory_space<vmem>>, vector<1x8x1xf32>
        %get3A_348 = vector.shape_cast %get3A_347 : vector<1x8x1xf32> to vector<8x1xf32>
        %sub3A_349 = vector.broadcast %get3A_348 : vector<8x1xf32> to vector<8x512xf32>
        %sub3A_350 = arith.subf %get3A_261, %sub3A_349 : vector<8x512xf32>
        %abs3A_351 = math.absf %sub3A_350 : vector<8x512xf32>
        %add3A_352 = arith.addf %add3A_241, %abs3A_351 : vector<8x512xf32>
        %mul3A_353 = arith.constant 8 : i32
        %mul3A_354 = arith.muli %scan3A_11, %mul3A_353 : i32
        %add3A_355 = arith.constant 7 : i32
        %add3A_356 = arith.addi %mul3A_354, %add3A_355 : i32
        %get3A_357 = arith.index_cast %add3A_356 : i32 to index
        %get3A_358 = arith.constant 16 : index
        %get3A_359 = arith.constant 0 : index
        %get3A_360 = vector.load %arg9[%get3A_357, %get3A_358, %get3A_359] : memref<128x256x1xf32, #tpu.memory_space<vmem>>, vector<1x8x1xf32>
        %get3A_361 = vector.shape_cast %get3A_360 : vector<1x8x1xf32> to vector<8x1xf32>
        %sub3A_362 = vector.broadcast %get3A_361 : vector<8x1xf32> to vector<8x512xf32>
        %sub3A_363 = arith.subf %get3A_261, %sub3A_362 : vector<8x512xf32>
        %abs3A_364 = math.absf %sub3A_363 : vector<8x512xf32>
        %add3A_365 = arith.addf %add3A_254, %abs3A_364 : vector<8x512xf32>
        %mul3A_366 = arith.constant 512 : i32
        %mul3A_367 = arith.muli %scan3A_17, %mul3A_366 : i32
        %get3A_368 = arith.constant 0 : index
        %get3A_369 = arith.constant 24 : index
        %get3A_370 = arith.index_cast %mul3A_367 : i32 to index
        %get3A_371 = vector.load %arg3[%get3A_368, %get3A_369, %get3A_370] : memref<1x256x2048xf32, #tpu.memory_space<vmem>>, vector<1x8x512xf32>
        %get3A_372 = vector.shape_cast %get3A_371 : vector<1x8x512xf32> to vector<8x512xf32>
        %mul3A_373 = arith.constant 8 : i32
        %mul3A_374 = arith.muli %scan3A_11, %mul3A_373 : i32
        %add3A_375 = arith.constant 0 : i32
        %add3A_376 = arith.addi %mul3A_374, %add3A_375 : i32
        %get3A_377 = arith.index_cast %add3A_376 : i32 to index
        %get3A_378 = arith.constant 24 : index
        %get3A_379 = arith.constant 0 : index
        %get3A_380 = vector.load %arg9[%get3A_377, %get3A_378, %get3A_379] : memref<128x256x1xf32, #tpu.memory_space<vmem>>, vector<1x8x1xf32>
        %get3A_381 = vector.shape_cast %get3A_380 : vector<1x8x1xf32> to vector<8x1xf32>
        %sub3A_382 = vector.broadcast %get3A_381 : vector<8x1xf32> to vector<8x512xf32>
        %sub3A_383 = arith.subf %get3A_372, %sub3A_382 : vector<8x512xf32>
        %abs3A_384 = math.absf %sub3A_383 : vector<8x512xf32>
        %add3A_385 = arith.addf %add3A_274, %abs3A_384 : vector<8x512xf32>
        %mul3A_386 = arith.constant 8 : i32
        %mul3A_387 = arith.muli %scan3A_11, %mul3A_386 : i32
        %add3A_388 = arith.constant 1 : i32
        %add3A_389 = arith.addi %mul3A_387, %add3A_388 : i32
        %get3A_390 = arith.index_cast %add3A_389 : i32 to index
        %get3A_391 = arith.constant 24 : index
        %get3A_392 = arith.constant 0 : index
        %get3A_393 = vector.load %arg9[%get3A_390, %get3A_391, %get3A_392] : memref<128x256x1xf32, #tpu.memory_space<vmem>>, vector<1x8x1xf32>
        %get3A_394 = vector.shape_cast %get3A_393 : vector<1x8x1xf32> to vector<8x1xf32>
        %sub3A_395 = vector.broadcast %get3A_394 : vector<8x1xf32> to vector<8x512xf32>
        %sub3A_396 = arith.subf %get3A_372, %sub3A_395 : vector<8x512xf32>
        %abs3A_397 = math.absf %sub3A_396 : vector<8x512xf32>
        %add3A_398 = arith.addf %add3A_287, %abs3A_397 : vector<8x512xf32>
        %mul3A_399 = arith.constant 8 : i32
        %mul3A_400 = arith.muli %scan3A_11, %mul3A_399 : i32
        %add3A_401 = arith.constant 2 : i32
        %add3A_402 = arith.addi %mul3A_400, %add3A_401 : i32
        %get3A_403 = arith.index_cast %add3A_402 : i32 to index
        %get3A_404 = arith.constant 24 : index
        %get3A_405 = arith.constant 0 : index
        %get3A_406 = vector.load %arg9[%get3A_403, %get3A_404, %get3A_405] : memref<128x256x1xf32, #tpu.memory_space<vmem>>, vector<1x8x1xf32>
        %get3A_407 = vector.shape_cast %get3A_406 : vector<1x8x1xf32> to vector<8x1xf32>
        %sub3A_408 = vector.broadcast %get3A_407 : vector<8x1xf32> to vector<8x512xf32>
        %sub3A_409 = arith.subf %get3A_372, %sub3A_408 : vector<8x512xf32>
        %abs3A_410 = math.absf %sub3A_409 : vector<8x512xf32>
        %add3A_411 = arith.addf %add3A_300, %abs3A_410 : vector<8x512xf32>
        %mul3A_412 = arith.constant 8 : i32
        %mul3A_413 = arith.muli %scan3A_11, %mul3A_412 : i32
        %add3A_414 = arith.constant 3 : i32
        %add3A_415 = arith.addi %mul3A_413, %add3A_414 : i32
        %get3A_416 = arith.index_cast %add3A_415 : i32 to index
        %get3A_417 = arith.constant 24 : index
        %get3A_418 = arith.constant 0 : index
        %get3A_419 = vector.load %arg9[%get3A_416, %get3A_417, %get3A_418] : memref<128x256x1xf32, #tpu.memory_space<vmem>>, vector<1x8x1xf32>
        %get3A_420 = vector.shape_cast %get3A_419 : vector<1x8x1xf32> to vector<8x1xf32>
        %sub3A_421 = vector.broadcast %get3A_420 : vector<8x1xf32> to vector<8x512xf32>
        %sub3A_422 = arith.subf %get3A_372, %sub3A_421 : vector<8x512xf32>
        %abs3A_423 = math.absf %sub3A_422 : vector<8x512xf32>
        %add3A_424 = arith.addf %add3A_313, %abs3A_423 : vector<8x512xf32>
        %mul3A_425 = arith.constant 8 : i32
        %mul3A_426 = arith.muli %scan3A_11, %mul3A_425 : i32
        %add3A_427 = arith.constant 4 : i32
        %add3A_428 = arith.addi %mul3A_426, %add3A_427 : i32
        %get3A_429 = arith.index_cast %add3A_428 : i32 to index
        %get3A_430 = arith.constant 24 : index
        %get3A_431 = arith.constant 0 : index
        %get3A_432 = vector.load %arg9[%get3A_429, %get3A_430, %get3A_431] : memref<128x256x1xf32, #tpu.memory_space<vmem>>, vector<1x8x1xf32>
        %get3A_433 = vector.shape_cast %get3A_432 : vector<1x8x1xf32> to vector<8x1xf32>
        %sub3A_434 = vector.broadcast %get3A_433 : vector<8x1xf32> to vector<8x512xf32>
        %sub3A_435 = arith.subf %get3A_372, %sub3A_434 : vector<8x512xf32>
        %abs3A_436 = math.absf %sub3A_435 : vector<8x512xf32>
        %add3A_437 = arith.addf %add3A_326, %abs3A_436 : vector<8x512xf32>
        %mul3A_438 = arith.constant 8 : i32
        %mul3A_439 = arith.muli %scan3A_11, %mul3A_438 : i32
        %add3A_440 = arith.constant 5 : i32
        %add3A_441 = arith.addi %mul3A_439, %add3A_440 : i32
        %get3A_442 = arith.index_cast %add3A_441 : i32 to index
        %get3A_443 = arith.constant 24 : index
        %get3A_444 = arith.constant 0 : index
        %get3A_445 = vector.load %arg9[%get3A_442, %get3A_443, %get3A_444] : memref<128x256x1xf32, #tpu.memory_space<vmem>>, vector<1x8x1xf32>
        %get3A_446 = vector.shape_cast %get3A_445 : vector<1x8x1xf32> to vector<8x1xf32>
        %sub3A_447 = vector.broadcast %get3A_446 : vector<8x1xf32> to vector<8x512xf32>
        %sub3A_448 = arith.subf %get3A_372, %sub3A_447 : vector<8x512xf32>
        %abs3A_449 = math.absf %sub3A_448 : vector<8x512xf32>
        %add3A_450 = arith.addf %add3A_339, %abs3A_449 : vector<8x512xf32>
        %mul3A_451 = arith.constant 8 : i32
        %mul3A_452 = arith.muli %scan3A_11, %mul3A_451 : i32
        %add3A_453 = arith.constant 6 : i32
        %add3A_454 = arith.addi %mul3A_452, %add3A_453 : i32
        %get3A_455 = arith.index_cast %add3A_454 : i32 to index
        %get3A_456 = arith.constant 24 : index
        %get3A_457 = arith.constant 0 : index
        %get3A_458 = vector.load %arg9[%get3A_455, %get3A_456, %get3A_457] : memref<128x256x1xf32, #tpu.memory_space<vmem>>, vector<1x8x1xf32>
        %get3A_459 = vector.shape_cast %get3A_458 : vector<1x8x1xf32> to vector<8x1xf32>
        %sub3A_460 = vector.broadcast %get3A_459 : vector<8x1xf32> to vector<8x512xf32>
        %sub3A_461 = arith.subf %get3A_372, %sub3A_460 : vector<8x512xf32>
        %abs3A_462 = math.absf %sub3A_461 : vector<8x512xf32>
        %add3A_463 = arith.addf %add3A_352, %abs3A_462 : vector<8x512xf32>
        %mul3A_464 = arith.constant 8 : i32
        %mul3A_465 = arith.muli %scan3A_11, %mul3A_464 : i32
        %add3A_466 = arith.constant 7 : i32
        %add3A_467 = arith.addi %mul3A_465, %add3A_466 : i32
        %get3A_468 = arith.index_cast %add3A_467 : i32 to index
        %get3A_469 = arith.constant 24 : index
        %get3A_470 = arith.constant 0 : index
        %get3A_471 = vector.load %arg9[%get3A_468, %get3A_469, %get3A_470] : memref<128x256x1xf32, #tpu.memory_space<vmem>>, vector<1x8x1xf32>
        %get3A_472 = vector.shape_cast %get3A_471 : vector<1x8x1xf32> to vector<8x1xf32>
        %sub3A_473 = vector.broadcast %get3A_472 : vector<8x1xf32> to vector<8x512xf32>
        %sub3A_474 = arith.subf %get3A_372, %sub3A_473 : vector<8x512xf32>
        %abs3A_475 = math.absf %sub3A_474 : vector<8x512xf32>
        %add3A_476 = arith.addf %add3A_365, %abs3A_475 : vector<8x512xf32>
        %mul3A_477 = arith.constant 512 : i32
        %mul3A_478 = arith.muli %scan3A_17, %mul3A_477 : i32
        %get3A_479 = arith.constant 0 : index
        %get3A_480 = arith.constant 32 : index
        %get3A_481 = arith.index_cast %mul3A_478 : i32 to index
        %get3A_482 = vector.load %arg3[%get3A_479, %get3A_480, %get3A_481] : memref<1x256x2048xf32, #tpu.memory_space<vmem>>, vector<1x8x512xf32>
        %get3A_483 = vector.shape_cast %get3A_482 : vector<1x8x512xf32> to vector<8x512xf32>
        %mul3A_484 = arith.constant 8 : i32
        %mul3A_485 = arith.muli %scan3A_11, %mul3A_484 : i32
        %add3A_486 = arith.constant 0 : i32
        %add3A_487 = arith.addi %mul3A_485, %add3A_486 : i32
        %get3A_488 = arith.index_cast %add3A_487 : i32 to index
        %get3A_489 = arith.constant 32 : index
        %get3A_490 = arith.constant 0 : index
        %get3A_491 = vector.load %arg9[%get3A_488, %get3A_489, %get3A_490] : memref<128x256x1xf32, #tpu.memory_space<vmem>>, vector<1x8x1xf32>
        %get3A_492 = vector.shape_cast %get3A_491 : vector<1x8x1xf32> to vector<8x1xf32>
        %sub3A_493 = vector.broadcast %get3A_492 : vector<8x1xf32> to vector<8x512xf32>
        %sub3A_494 = arith.subf %get3A_483, %sub3A_493 : vector<8x512xf32>
        %abs3A_495 = math.absf %sub3A_494 : vector<8x512xf32>
        %add3A_496 = arith.addf %add3A_385, %abs3A_495 : vector<8x512xf32>
        %mul3A_497 = arith.constant 8 : i32
        %mul3A_498 = arith.muli %scan3A_11, %mul3A_497 : i32
        %add3A_499 = arith.constant 1 : i32
        %add3A_500 = arith.addi %mul3A_498, %add3A_499 : i32
        %get3A_501 = arith.index_cast %add3A_500 : i32 to index
        %get3A_502 = arith.constant 32 : index
        %get3A_503 = arith.constant 0 : index
        %get3A_504 = vector.load %arg9[%get3A_501, %get3A_502, %get3A_503] : memref<128x256x1xf32, #tpu.memory_space<vmem>>, vector<1x8x1xf32>
        %get3A_505 = vector.shape_cast %get3A_504 : vector<1x8x1xf32> to vector<8x1xf32>
        %sub3A_506 = vector.broadcast %get3A_505 : vector<8x1xf32> to vector<8x512xf32>
        %sub3A_507 = arith.subf %get3A_483, %sub3A_506 : vector<8x512xf32>
        %abs3A_508 = math.absf %sub3A_507 : vector<8x512xf32>
        %add3A_509 = arith.addf %add3A_398, %abs3A_508 : vector<8x512xf32>
        %mul3A_510 = arith.constant 8 : i32
        %mul3A_511 = arith.muli %scan3A_11, %mul3A_510 : i32
        %add3A_512 = arith.constant 2 : i32
        %add3A_513 = arith.addi %mul3A_511, %add3A_512 : i32
        %get3A_514 = arith.index_cast %add3A_513 : i32 to index
        %get3A_515 = arith.constant 32 : index
        %get3A_516 = arith.constant 0 : index
        %get3A_517 = vector.load %arg9[%get3A_514, %get3A_515, %get3A_516] : memref<128x256x1xf32, #tpu.memory_space<vmem>>, vector<1x8x1xf32>
        %get3A_518 = vector.shape_cast %get3A_517 : vector<1x8x1xf32> to vector<8x1xf32>
        %sub3A_519 = vector.broadcast %get3A_518 : vector<8x1xf32> to vector<8x512xf32>
        %sub3A_520 = arith.subf %get3A_483, %sub3A_519 : vector<8x512xf32>
        %abs3A_521 = math.absf %sub3A_520 : vector<8x512xf32>
        %add3A_522 = arith.addf %add3A_411, %abs3A_521 : vector<8x512xf32>
        %mul3A_523 = arith.constant 8 : i32
        %mul3A_524 = arith.muli %scan3A_11, %mul3A_523 : i32
        %add3A_525 = arith.constant 3 : i32
        %add3A_526 = arith.addi %mul3A_524, %add3A_525 : i32
        %get3A_527 = arith.index_cast %add3A_526 : i32 to index
        %get3A_528 = arith.constant 32 : index
        %get3A_529 = arith.constant 0 : index
        %get3A_530 = vector.load %arg9[%get3A_527, %get3A_528, %get3A_529] : memref<128x256x1xf32, #tpu.memory_space<vmem>>, vector<1x8x1xf32>
        %get3A_531 = vector.shape_cast %get3A_530 : vector<1x8x1xf32> to vector<8x1xf32>
        %sub3A_532 = vector.broadcast %get3A_531 : vector<8x1xf32> to vector<8x512xf32>
        %sub3A_533 = arith.subf %get3A_483, %sub3A_532 : vector<8x512xf32>
        %abs3A_534 = math.absf %sub3A_533 : vector<8x512xf32>
        %add3A_535 = arith.addf %add3A_424, %abs3A_534 : vector<8x512xf32>
        %mul3A_536 = arith.constant 8 : i32
        %mul3A_537 = arith.muli %scan3A_11, %mul3A_536 : i32
        %add3A_538 = arith.constant 4 : i32
        %add3A_539 = arith.addi %mul3A_537, %add3A_538 : i32
        %get3A_540 = arith.index_cast %add3A_539 : i32 to index
        %get3A_541 = arith.constant 32 : index
        %get3A_542 = arith.constant 0 : index
        %get3A_543 = vector.load %arg9[%get3A_540, %get3A_541, %get3A_542] : memref<128x256x1xf32, #tpu.memory_space<vmem>>, vector<1x8x1xf32>
        %get3A_544 = vector.shape_cast %get3A_543 : vector<1x8x1xf32> to vector<8x1xf32>
        %sub3A_545 = vector.broadcast %get3A_544 : vector<8x1xf32> to vector<8x512xf32>
        %sub3A_546 = arith.subf %get3A_483, %sub3A_545 : vector<8x512xf32>
        %abs3A_547 = math.absf %sub3A_546 : vector<8x512xf32>
        %add3A_548 = arith.addf %add3A_437, %abs3A_547 : vector<8x512xf32>
        %mul3A_549 = arith.constant 8 : i32
        %mul3A_550 = arith.muli %scan3A_11, %mul3A_549 : i32
        %add3A_551 = arith.constant 5 : i32
        %add3A_552 = arith.addi %mul3A_550, %add3A_551 : i32
        %get3A_553 = arith.index_cast %add3A_552 : i32 to index
        %get3A_554 = arith.constant 32 : index
        %get3A_555 = arith.constant 0 : index
        %get3A_556 = vector.load %arg9[%get3A_553, %get3A_554, %get3A_555] : memref<128x256x1xf32, #tpu.memory_space<vmem>>, vector<1x8x1xf32>
        %get3A_557 = vector.shape_cast %get3A_556 : vector<1x8x1xf32> to vector<8x1xf32>
        %sub3A_558 = vector.broadcast %get3A_557 : vector<8x1xf32> to vector<8x512xf32>
        %sub3A_559 = arith.subf %get3A_483, %sub3A_558 : vector<8x512xf32>
        %abs3A_560 = math.absf %sub3A_559 : vector<8x512xf32>
        %add3A_561 = arith.addf %add3A_450, %abs3A_560 : vector<8x512xf32>
        %mul3A_562 = arith.constant 8 : i32
        %mul3A_563 = arith.muli %scan3A_11, %mul3A_562 : i32
        %add3A_564 = arith.constant 6 : i32
        %add3A_565 = arith.addi %mul3A_563, %add3A_564 : i32
        %get3A_566 = arith.index_cast %add3A_565 : i32 to index
        %get3A_567 = arith.constant 32 : index
        %get3A_568 = arith.constant 0 : index
        %get3A_569 = vector.load %arg9[%get3A_566, %get3A_567, %get3A_568] : memref<128x256x1xf32, #tpu.memory_space<vmem>>, vector<1x8x1xf32>
        %get3A_570 = vector.shape_cast %get3A_569 : vector<1x8x1xf32> to vector<8x1xf32>
        %sub3A_571 = vector.broadcast %get3A_570 : vector<8x1xf32> to vector<8x512xf32>
        %sub3A_572 = arith.subf %get3A_483, %sub3A_571 : vector<8x512xf32>
        %abs3A_573 = math.absf %sub3A_572 : vector<8x512xf32>
        %add3A_574 = arith.addf %add3A_463, %abs3A_573 : vector<8x512xf32>
        %mul3A_575 = arith.constant 8 : i32
        %mul3A_576 = arith.muli %scan3A_11, %mul3A_575 : i32
        %add3A_577 = arith.constant 7 : i32
        %add3A_578 = arith.addi %mul3A_576, %add3A_577 : i32
        %get3A_579 = arith.index_cast %add3A_578 : i32 to index
        %get3A_580 = arith.constant 32 : index
        %get3A_581 = arith.constant 0 : index
        %get3A_582 = vector.load %arg9[%get3A_579, %get3A_580, %get3A_581] : memref<128x256x1xf32, #tpu.memory_space<vmem>>, vector<1x8x1xf32>
        %get3A_583 = vector.shape_cast %get3A_582 : vector<1x8x1xf32> to vector<8x1xf32>
        %sub3A_584 = vector.broadcast %get3A_583 : vector<8x1xf32> to vector<8x512xf32>
        %sub3A_585 = arith.subf %get3A_483, %sub3A_584 : vector<8x512xf32>
        %abs3A_586 = math.absf %sub3A_585 : vector<8x512xf32>
        %add3A_587 = arith.addf %add3A_476, %abs3A_586 : vector<8x512xf32>
        %mul3A_588 = arith.constant 512 : i32
        %mul3A_589 = arith.muli %scan3A_17, %mul3A_588 : i32
        %get3A_590 = arith.constant 0 : index
        %get3A_591 = arith.constant 40 : index
        %get3A_592 = arith.index_cast %mul3A_589 : i32 to index
        %get3A_593 = vector.load %arg3[%get3A_590, %get3A_591, %get3A_592] : memref<1x256x2048xf32, #tpu.memory_space<vmem>>, vector<1x8x512xf32>
        %get3A_594 = vector.shape_cast %get3A_593 : vector<1x8x512xf32> to vector<8x512xf32>
        %mul3A_595 = arith.constant 8 : i32
        %mul3A_596 = arith.muli %scan3A_11, %mul3A_595 : i32
        %add3A_597 = arith.constant 0 : i32
        %add3A_598 = arith.addi %mul3A_596, %add3A_597 : i32
        %get3A_599 = arith.index_cast %add3A_598 : i32 to index
        %get3A_600 = arith.constant 40 : index
        %get3A_601 = arith.constant 0 : index
        %get3A_602 = vector.load %arg9[%get3A_599, %get3A_600, %get3A_601] : memref<128x256x1xf32, #tpu.memory_space<vmem>>, vector<1x8x1xf32>
        %get3A_603 = vector.shape_cast %get3A_602 : vector<1x8x1xf32> to vector<8x1xf32>
        %sub3A_604 = vector.broadcast %get3A_603 : vector<8x1xf32> to vector<8x512xf32>
        %sub3A_605 = arith.subf %get3A_594, %sub3A_604 : vector<8x512xf32>
        %abs3A_606 = math.absf %sub3A_605 : vector<8x512xf32>
        %add3A_607 = arith.addf %add3A_496, %abs3A_606 : vector<8x512xf32>
        %mul3A_608 = arith.constant 8 : i32
        %mul3A_609 = arith.muli %scan3A_11, %mul3A_608 : i32
        %add3A_610 = arith.constant 1 : i32
        %add3A_611 = arith.addi %mul3A_609, %add3A_610 : i32
        %get3A_612 = arith.index_cast %add3A_611 : i32 to index
        %get3A_613 = arith.constant 40 : index
        %get3A_614 = arith.constant 0 : index
        %get3A_615 = vector.load %arg9[%get3A_612, %get3A_613, %get3A_614] : memref<128x256x1xf32, #tpu.memory_space<vmem>>, vector<1x8x1xf32>
        %get3A_616 = vector.shape_cast %get3A_615 : vector<1x8x1xf32> to vector<8x1xf32>
        %sub3A_617 = vector.broadcast %get3A_616 : vector<8x1xf32> to vector<8x512xf32>
        %sub3A_618 = arith.subf %get3A_594, %sub3A_617 : vector<8x512xf32>
        %abs3A_619 = math.absf %sub3A_618 : vector<8x512xf32>
        %add3A_620 = arith.addf %add3A_509, %abs3A_619 : vector<8x512xf32>
        %mul3A_621 = arith.constant 8 : i32
        %mul3A_622 = arith.muli %scan3A_11, %mul3A_621 : i32
        %add3A_623 = arith.constant 2 : i32
        %add3A_624 = arith.addi %mul3A_622, %add3A_623 : i32
        %get3A_625 = arith.index_cast %add3A_624 : i32 to index
        %get3A_626 = arith.constant 40 : index
        %get3A_627 = arith.constant 0 : index
        %get3A_628 = vector.load %arg9[%get3A_625, %get3A_626, %get3A_627] : memref<128x256x1xf32, #tpu.memory_space<vmem>>, vector<1x8x1xf32>
        %get3A_629 = vector.shape_cast %get3A_628 : vector<1x8x1xf32> to vector<8x1xf32>
        %sub3A_630 = vector.broadcast %get3A_629 : vector<8x1xf32> to vector<8x512xf32>
        %sub3A_631 = arith.subf %get3A_594, %sub3A_630 : vector<8x512xf32>
        %abs3A_632 = math.absf %sub3A_631 : vector<8x512xf32>
        %add3A_633 = arith.addf %add3A_522, %abs3A_632 : vector<8x512xf32>
        %mul3A_634 = arith.constant 8 : i32
        %mul3A_635 = arith.muli %scan3A_11, %mul3A_634 : i32
        %add3A_636 = arith.constant 3 : i32
        %add3A_637 = arith.addi %mul3A_635, %add3A_636 : i32
        %get3A_638 = arith.index_cast %add3A_637 : i32 to index
        %get3A_639 = arith.constant 40 : index
        %get3A_640 = arith.constant 0 : index
        %get3A_641 = vector.load %arg9[%get3A_638, %get3A_639, %get3A_640] : memref<128x256x1xf32, #tpu.memory_space<vmem>>, vector<1x8x1xf32>
        %get3A_642 = vector.shape_cast %get3A_641 : vector<1x8x1xf32> to vector<8x1xf32>
        %sub3A_643 = vector.broadcast %get3A_642 : vector<8x1xf32> to vector<8x512xf32>
        %sub3A_644 = arith.subf %get3A_594, %sub3A_643 : vector<8x512xf32>
        %abs3A_645 = math.absf %sub3A_644 : vector<8x512xf32>
        %add3A_646 = arith.addf %add3A_535, %abs3A_645 : vector<8x512xf32>
        %mul3A_647 = arith.constant 8 : i32
        %mul3A_648 = arith.muli %scan3A_11, %mul3A_647 : i32
        %add3A_649 = arith.constant 4 : i32
        %add3A_650 = arith.addi %mul3A_648, %add3A_649 : i32
        %get3A_651 = arith.index_cast %add3A_650 : i32 to index
        %get3A_652 = arith.constant 40 : index
        %get3A_653 = arith.constant 0 : index
        %get3A_654 = vector.load %arg9[%get3A_651, %get3A_652, %get3A_653] : memref<128x256x1xf32, #tpu.memory_space<vmem>>, vector<1x8x1xf32>
        %get3A_655 = vector.shape_cast %get3A_654 : vector<1x8x1xf32> to vector<8x1xf32>
        %sub3A_656 = vector.broadcast %get3A_655 : vector<8x1xf32> to vector<8x512xf32>
        %sub3A_657 = arith.subf %get3A_594, %sub3A_656 : vector<8x512xf32>
        %abs3A_658 = math.absf %sub3A_657 : vector<8x512xf32>
        %add3A_659 = arith.addf %add3A_548, %abs3A_658 : vector<8x512xf32>
        %mul3A_660 = arith.constant 8 : i32
        %mul3A_661 = arith.muli %scan3A_11, %mul3A_660 : i32
        %add3A_662 = arith.constant 5 : i32
        %add3A_663 = arith.addi %mul3A_661, %add3A_662 : i32
        %get3A_664 = arith.index_cast %add3A_663 : i32 to index
        %get3A_665 = arith.constant 40 : index
        %get3A_666 = arith.constant 0 : index
        %get3A_667 = vector.load %arg9[%get3A_664, %get3A_665, %get3A_666] : memref<128x256x1xf32, #tpu.memory_space<vmem>>, vector<1x8x1xf32>
        %get3A_668 = vector.shape_cast %get3A_667 : vector<1x8x1xf32> to vector<8x1xf32>
        %sub3A_669 = vector.broadcast %get3A_668 : vector<8x1xf32> to vector<8x512xf32>
        %sub3A_670 = arith.subf %get3A_594, %sub3A_669 : vector<8x512xf32>
        %abs3A_671 = math.absf %sub3A_670 : vector<8x512xf32>
        %add3A_672 = arith.addf %add3A_561, %abs3A_671 : vector<8x512xf32>
        %mul3A_673 = arith.constant 8 : i32
        %mul3A_674 = arith.muli %scan3A_11, %mul3A_673 : i32
        %add3A_675 = arith.constant 6 : i32
        %add3A_676 = arith.addi %mul3A_674, %add3A_675 : i32
        %get3A_677 = arith.index_cast %add3A_676 : i32 to index
        %get3A_678 = arith.constant 40 : index
        %get3A_679 = arith.constant 0 : index
        %get3A_680 = vector.load %arg9[%get3A_677, %get3A_678, %get3A_679] : memref<128x256x1xf32, #tpu.memory_space<vmem>>, vector<1x8x1xf32>
        %get3A_681 = vector.shape_cast %get3A_680 : vector<1x8x1xf32> to vector<8x1xf32>
        %sub3A_682 = vector.broadcast %get3A_681 : vector<8x1xf32> to vector<8x512xf32>
        %sub3A_683 = arith.subf %get3A_594, %sub3A_682 : vector<8x512xf32>
        %abs3A_684 = math.absf %sub3A_683 : vector<8x512xf32>
        %add3A_685 = arith.addf %add3A_574, %abs3A_684 : vector<8x512xf32>
        %mul3A_686 = arith.constant 8 : i32
        %mul3A_687 = arith.muli %scan3A_11, %mul3A_686 : i32
        %add3A_688 = arith.constant 7 : i32
        %add3A_689 = arith.addi %mul3A_687, %add3A_688 : i32
        %get3A_690 = arith.index_cast %add3A_689 : i32 to index
        %get3A_691 = arith.constant 40 : index
        %get3A_692 = arith.constant 0 : index
        %get3A_693 = vector.load %arg9[%get3A_690, %get3A_691, %get3A_692] : memref<128x256x1xf32, #tpu.memory_space<vmem>>, vector<1x8x1xf32>
        %get3A_694 = vector.shape_cast %get3A_693 : vector<1x8x1xf32> to vector<8x1xf32>
        %sub3A_695 = vector.broadcast %get3A_694 : vector<8x1xf32> to vector<8x512xf32>
        %sub3A_696 = arith.subf %get3A_594, %sub3A_695 : vector<8x512xf32>
        %abs3A_697 = math.absf %sub3A_696 : vector<8x512xf32>
        %add3A_698 = arith.addf %add3A_587, %abs3A_697 : vector<8x512xf32>
        %mul3A_699 = arith.constant 512 : i32
        %mul3A_700 = arith.muli %scan3A_17, %mul3A_699 : i32
        %get3A_701 = arith.constant 0 : index
        %get3A_702 = arith.constant 48 : index
        %get3A_703 = arith.index_cast %mul3A_700 : i32 to index
        %get3A_704 = vector.load %arg3[%get3A_701, %get3A_702, %get3A_703] : memref<1x256x2048xf32, #tpu.memory_space<vmem>>, vector<1x8x512xf32>
        %get3A_705 = vector.shape_cast %get3A_704 : vector<1x8x512xf32> to vector<8x512xf32>
        %mul3A_706 = arith.constant 8 : i32
        %mul3A_707 = arith.muli %scan3A_11, %mul3A_706 : i32
        %add3A_708 = arith.constant 0 : i32
        %add3A_709 = arith.addi %mul3A_707, %add3A_708 : i32
        %get3A_710 = arith.index_cast %add3A_709 : i32 to index
        %get3A_711 = arith.constant 48 : index
        %get3A_712 = arith.constant 0 : index
        %get3A_713 = vector.load %arg9[%get3A_710, %get3A_711, %get3A_712] : memref<128x256x1xf32, #tpu.memory_space<vmem>>, vector<1x8x1xf32>
        %get3A_714 = vector.shape_cast %get3A_713 : vector<1x8x1xf32> to vector<8x1xf32>
        %sub3A_715 = vector.broadcast %get3A_714 : vector<8x1xf32> to vector<8x512xf32>
        %sub3A_716 = arith.subf %get3A_705, %sub3A_715 : vector<8x512xf32>
        %abs3A_717 = math.absf %sub3A_716 : vector<8x512xf32>
        %add3A_718 = arith.addf %add3A_607, %abs3A_717 : vector<8x512xf32>
        %mul3A_719 = arith.constant 8 : i32
        %mul3A_720 = arith.muli %scan3A_11, %mul3A_719 : i32
        %add3A_721 = arith.constant 1 : i32
        %add3A_722 = arith.addi %mul3A_720, %add3A_721 : i32
        %get3A_723 = arith.index_cast %add3A_722 : i32 to index
        %get3A_724 = arith.constant 48 : index
        %get3A_725 = arith.constant 0 : index
        %get3A_726 = vector.load %arg9[%get3A_723, %get3A_724, %get3A_725] : memref<128x256x1xf32, #tpu.memory_space<vmem>>, vector<1x8x1xf32>
        %get3A_727 = vector.shape_cast %get3A_726 : vector<1x8x1xf32> to vector<8x1xf32>
        %sub3A_728 = vector.broadcast %get3A_727 : vector<8x1xf32> to vector<8x512xf32>
        %sub3A_729 = arith.subf %get3A_705, %sub3A_728 : vector<8x512xf32>
        %abs3A_730 = math.absf %sub3A_729 : vector<8x512xf32>
        %add3A_731 = arith.addf %add3A_620, %abs3A_730 : vector<8x512xf32>
        %mul3A_732 = arith.constant 8 : i32
        %mul3A_733 = arith.muli %scan3A_11, %mul3A_732 : i32
        %add3A_734 = arith.constant 2 : i32
        %add3A_735 = arith.addi %mul3A_733, %add3A_734 : i32
        %get3A_736 = arith.index_cast %add3A_735 : i32 to index
        %get3A_737 = arith.constant 48 : index
        %get3A_738 = arith.constant 0 : index
        %get3A_739 = vector.load %arg9[%get3A_736, %get3A_737, %get3A_738] : memref<128x256x1xf32, #tpu.memory_space<vmem>>, vector<1x8x1xf32>
        %get3A_740 = vector.shape_cast %get3A_739 : vector<1x8x1xf32> to vector<8x1xf32>
        %sub3A_741 = vector.broadcast %get3A_740 : vector<8x1xf32> to vector<8x512xf32>
        %sub3A_742 = arith.subf %get3A_705, %sub3A_741 : vector<8x512xf32>
        %abs3A_743 = math.absf %sub3A_742 : vector<8x512xf32>
        %add3A_744 = arith.addf %add3A_633, %abs3A_743 : vector<8x512xf32>
        %mul3A_745 = arith.constant 8 : i32
        %mul3A_746 = arith.muli %scan3A_11, %mul3A_745 : i32
        %add3A_747 = arith.constant 3 : i32
        %add3A_748 = arith.addi %mul3A_746, %add3A_747 : i32
        %get3A_749 = arith.index_cast %add3A_748 : i32 to index
        %get3A_750 = arith.constant 48 : index
        %get3A_751 = arith.constant 0 : index
        %get3A_752 = vector.load %arg9[%get3A_749, %get3A_750, %get3A_751] : memref<128x256x1xf32, #tpu.memory_space<vmem>>, vector<1x8x1xf32>
        %get3A_753 = vector.shape_cast %get3A_752 : vector<1x8x1xf32> to vector<8x1xf32>
        %sub3A_754 = vector.broadcast %get3A_753 : vector<8x1xf32> to vector<8x512xf32>
        %sub3A_755 = arith.subf %get3A_705, %sub3A_754 : vector<8x512xf32>
        %abs3A_756 = math.absf %sub3A_755 : vector<8x512xf32>
        %add3A_757 = arith.addf %add3A_646, %abs3A_756 : vector<8x512xf32>
        %mul3A_758 = arith.constant 8 : i32
        %mul3A_759 = arith.muli %scan3A_11, %mul3A_758 : i32
        %add3A_760 = arith.constant 4 : i32
        %add3A_761 = arith.addi %mul3A_759, %add3A_760 : i32
        %get3A_762 = arith.index_cast %add3A_761 : i32 to index
        %get3A_763 = arith.constant 48 : index
        %get3A_764 = arith.constant 0 : index
        %get3A_765 = vector.load %arg9[%get3A_762, %get3A_763, %get3A_764] : memref<128x256x1xf32, #tpu.memory_space<vmem>>, vector<1x8x1xf32>
        %get3A_766 = vector.shape_cast %get3A_765 : vector<1x8x1xf32> to vector<8x1xf32>
        %sub3A_767 = vector.broadcast %get3A_766 : vector<8x1xf32> to vector<8x512xf32>
        %sub3A_768 = arith.subf %get3A_705, %sub3A_767 : vector<8x512xf32>
        %abs3A_769 = math.absf %sub3A_768 : vector<8x512xf32>
        %add3A_770 = arith.addf %add3A_659, %abs3A_769 : vector<8x512xf32>
        %mul3A_771 = arith.constant 8 : i32
        %mul3A_772 = arith.muli %scan3A_11, %mul3A_771 : i32
        %add3A_773 = arith.constant 5 : i32
        %add3A_774 = arith.addi %mul3A_772, %add3A_773 : i32
        %get3A_775 = arith.index_cast %add3A_774 : i32 to index
        %get3A_776 = arith.constant 48 : index
        %get3A_777 = arith.constant 0 : index
        %get3A_778 = vector.load %arg9[%get3A_775, %get3A_776, %get3A_777] : memref<128x256x1xf32, #tpu.memory_space<vmem>>, vector<1x8x1xf32>
        %get3A_779 = vector.shape_cast %get3A_778 : vector<1x8x1xf32> to vector<8x1xf32>
        %sub3A_780 = vector.broadcast %get3A_779 : vector<8x1xf32> to vector<8x512xf32>
        %sub3A_781 = arith.subf %get3A_705, %sub3A_780 : vector<8x512xf32>
        %abs3A_782 = math.absf %sub3A_781 : vector<8x512xf32>
        %add3A_783 = arith.addf %add3A_672, %abs3A_782 : vector<8x512xf32>
        %mul3A_784 = arith.constant 8 : i32
        %mul3A_785 = arith.muli %scan3A_11, %mul3A_784 : i32
        %add3A_786 = arith.constant 6 : i32
        %add3A_787 = arith.addi %mul3A_785, %add3A_786 : i32
        %get3A_788 = arith.index_cast %add3A_787 : i32 to index
        %get3A_789 = arith.constant 48 : index
        %get3A_790 = arith.constant 0 : index
        %get3A_791 = vector.load %arg9[%get3A_788, %get3A_789, %get3A_790] : memref<128x256x1xf32, #tpu.memory_space<vmem>>, vector<1x8x1xf32>
        %get3A_792 = vector.shape_cast %get3A_791 : vector<1x8x1xf32> to vector<8x1xf32>
        %sub3A_793 = vector.broadcast %get3A_792 : vector<8x1xf32> to vector<8x512xf32>
        %sub3A_794 = arith.subf %get3A_705, %sub3A_793 : vector<8x512xf32>
        %abs3A_795 = math.absf %sub3A_794 : vector<8x512xf32>
        %add3A_796 = arith.addf %add3A_685, %abs3A_795 : vector<8x512xf32>
        %mul3A_797 = arith.constant 8 : i32
        %mul3A_798 = arith.muli %scan3A_11, %mul3A_797 : i32
        %add3A_799 = arith.constant 7 : i32
        %add3A_800 = arith.addi %mul3A_798, %add3A_799 : i32
        %get3A_801 = arith.index_cast %add3A_800 : i32 to index
        %get3A_802 = arith.constant 48 : index
        %get3A_803 = arith.constant 0 : index
        %get3A_804 = vector.load %arg9[%get3A_801, %get3A_802, %get3A_803] : memref<128x256x1xf32, #tpu.memory_space<vmem>>, vector<1x8x1xf32>
        %get3A_805 = vector.shape_cast %get3A_804 : vector<1x8x1xf32> to vector<8x1xf32>
        %sub3A_806 = vector.broadcast %get3A_805 : vector<8x1xf32> to vector<8x512xf32>
        %sub3A_807 = arith.subf %get3A_705, %sub3A_806 : vector<8x512xf32>
        %abs3A_808 = math.absf %sub3A_807 : vector<8x512xf32>
        %add3A_809 = arith.addf %add3A_698, %abs3A_808 : vector<8x512xf32>
        %mul3A_810 = arith.constant 512 : i32
        %mul3A_811 = arith.muli %scan3A_17, %mul3A_810 : i32
        %get3A_812 = arith.constant 0 : index
        %get3A_813 = arith.constant 56 : index
        %get3A_814 = arith.index_cast %mul3A_811 : i32 to index
        %get3A_815 = vector.load %arg3[%get3A_812, %get3A_813, %get3A_814] : memref<1x256x2048xf32, #tpu.memory_space<vmem>>, vector<1x8x512xf32>
        %get3A_816 = vector.shape_cast %get3A_815 : vector<1x8x512xf32> to vector<8x512xf32>
        %mul3A_817 = arith.constant 8 : i32
        %mul3A_818 = arith.muli %scan3A_11, %mul3A_817 : i32
        %add3A_819 = arith.constant 0 : i32
        %add3A_820 = arith.addi %mul3A_818, %add3A_819 : i32
        %get3A_821 = arith.index_cast %add3A_820 : i32 to index
        %get3A_822 = arith.constant 56 : index
        %get3A_823 = arith.constant 0 : index
        %get3A_824 = vector.load %arg9[%get3A_821, %get3A_822, %get3A_823] : memref<128x256x1xf32, #tpu.memory_space<vmem>>, vector<1x8x1xf32>
        %get3A_825 = vector.shape_cast %get3A_824 : vector<1x8x1xf32> to vector<8x1xf32>
        %sub3A_826 = vector.broadcast %get3A_825 : vector<8x1xf32> to vector<8x512xf32>
        %sub3A_827 = arith.subf %get3A_816, %sub3A_826 : vector<8x512xf32>
        %abs3A_828 = math.absf %sub3A_827 : vector<8x512xf32>
        %add3A_829 = arith.addf %add3A_718, %abs3A_828 : vector<8x512xf32>
        %mul3A_830 = arith.constant 8 : i32
        %mul3A_831 = arith.muli %scan3A_11, %mul3A_830 : i32
        %add3A_832 = arith.constant 1 : i32
        %add3A_833 = arith.addi %mul3A_831, %add3A_832 : i32
        %get3A_834 = arith.index_cast %add3A_833 : i32 to index
        %get3A_835 = arith.constant 56 : index
        %get3A_836 = arith.constant 0 : index
        %get3A_837 = vector.load %arg9[%get3A_834, %get3A_835, %get3A_836] : memref<128x256x1xf32, #tpu.memory_space<vmem>>, vector<1x8x1xf32>
        %get3A_838 = vector.shape_cast %get3A_837 : vector<1x8x1xf32> to vector<8x1xf32>
        %sub3A_839 = vector.broadcast %get3A_838 : vector<8x1xf32> to vector<8x512xf32>
        %sub3A_840 = arith.subf %get3A_816, %sub3A_839 : vector<8x512xf32>
        %abs3A_841 = math.absf %sub3A_840 : vector<8x512xf32>
        %add3A_842 = arith.addf %add3A_731, %abs3A_841 : vector<8x512xf32>
        %mul3A_843 = arith.constant 8 : i32
        %mul3A_844 = arith.muli %scan3A_11, %mul3A_843 : i32
        %add3A_845 = arith.constant 2 : i32
        %add3A_846 = arith.addi %mul3A_844, %add3A_845 : i32
        %get3A_847 = arith.index_cast %add3A_846 : i32 to index
        %get3A_848 = arith.constant 56 : index
        %get3A_849 = arith.constant 0 : index
        %get3A_850 = vector.load %arg9[%get3A_847, %get3A_848, %get3A_849] : memref<128x256x1xf32, #tpu.memory_space<vmem>>, vector<1x8x1xf32>
        %get3A_851 = vector.shape_cast %get3A_850 : vector<1x8x1xf32> to vector<8x1xf32>
        %sub3A_852 = vector.broadcast %get3A_851 : vector<8x1xf32> to vector<8x512xf32>
        %sub3A_853 = arith.subf %get3A_816, %sub3A_852 : vector<8x512xf32>
        %abs3A_854 = math.absf %sub3A_853 : vector<8x512xf32>
        %add3A_855 = arith.addf %add3A_744, %abs3A_854 : vector<8x512xf32>
        %mul3A_856 = arith.constant 8 : i32
        %mul3A_857 = arith.muli %scan3A_11, %mul3A_856 : i32
        %add3A_858 = arith.constant 3 : i32
        %add3A_859 = arith.addi %mul3A_857, %add3A_858 : i32
        %get3A_860 = arith.index_cast %add3A_859 : i32 to index
        %get3A_861 = arith.constant 56 : index
        %get3A_862 = arith.constant 0 : index
        %get3A_863 = vector.load %arg9[%get3A_860, %get3A_861, %get3A_862] : memref<128x256x1xf32, #tpu.memory_space<vmem>>, vector<1x8x1xf32>
        %get3A_864 = vector.shape_cast %get3A_863 : vector<1x8x1xf32> to vector<8x1xf32>
        %sub3A_865 = vector.broadcast %get3A_864 : vector<8x1xf32> to vector<8x512xf32>
        %sub3A_866 = arith.subf %get3A_816, %sub3A_865 : vector<8x512xf32>
        %abs3A_867 = math.absf %sub3A_866 : vector<8x512xf32>
        %add3A_868 = arith.addf %add3A_757, %abs3A_867 : vector<8x512xf32>
        %mul3A_869 = arith.constant 8 : i32
        %mul3A_870 = arith.muli %scan3A_11, %mul3A_869 : i32
        %add3A_871 = arith.constant 4 : i32
        %add3A_872 = arith.addi %mul3A_870, %add3A_871 : i32
        %get3A_873 = arith.index_cast %add3A_872 : i32 to index
        %get3A_874 = arith.constant 56 : index
        %get3A_875 = arith.constant 0 : index
        %get3A_876 = vector.load %arg9[%get3A_873, %get3A_874, %get3A_875] : memref<128x256x1xf32, #tpu.memory_space<vmem>>, vector<1x8x1xf32>
        %get3A_877 = vector.shape_cast %get3A_876 : vector<1x8x1xf32> to vector<8x1xf32>
        %sub3A_878 = vector.broadcast %get3A_877 : vector<8x1xf32> to vector<8x512xf32>
        %sub3A_879 = arith.subf %get3A_816, %sub3A_878 : vector<8x512xf32>
        %abs3A_880 = math.absf %sub3A_879 : vector<8x512xf32>
        %add3A_881 = arith.addf %add3A_770, %abs3A_880 : vector<8x512xf32>
        %mul3A_882 = arith.constant 8 : i32
        %mul3A_883 = arith.muli %scan3A_11, %mul3A_882 : i32
        %add3A_884 = arith.constant 5 : i32
        %add3A_885 = arith.addi %mul3A_883, %add3A_884 : i32
        %get3A_886 = arith.index_cast %add3A_885 : i32 to index
        %get3A_887 = arith.constant 56 : index
        %get3A_888 = arith.constant 0 : index
        %get3A_889 = vector.load %arg9[%get3A_886, %get3A_887, %get3A_888] : memref<128x256x1xf32, #tpu.memory_space<vmem>>, vector<1x8x1xf32>
        %get3A_890 = vector.shape_cast %get3A_889 : vector<1x8x1xf32> to vector<8x1xf32>
        %sub3A_891 = vector.broadcast %get3A_890 : vector<8x1xf32> to vector<8x512xf32>
        %sub3A_892 = arith.subf %get3A_816, %sub3A_891 : vector<8x512xf32>
        %abs3A_893 = math.absf %sub3A_892 : vector<8x512xf32>
        %add3A_894 = arith.addf %add3A_783, %abs3A_893 : vector<8x512xf32>
        %mul3A_895 = arith.constant 8 : i32
        %mul3A_896 = arith.muli %scan3A_11, %mul3A_895 : i32
        %add3A_897 = arith.constant 6 : i32
        %add3A_898 = arith.addi %mul3A_896, %add3A_897 : i32
        %get3A_899 = arith.index_cast %add3A_898 : i32 to index
        %get3A_900 = arith.constant 56 : index
        %get3A_901 = arith.constant 0 : index
        %get3A_902 = vector.load %arg9[%get3A_899, %get3A_900, %get3A_901] : memref<128x256x1xf32, #tpu.memory_space<vmem>>, vector<1x8x1xf32>
        %get3A_903 = vector.shape_cast %get3A_902 : vector<1x8x1xf32> to vector<8x1xf32>
        %sub3A_904 = vector.broadcast %get3A_903 : vector<8x1xf32> to vector<8x512xf32>
        %sub3A_905 = arith.subf %get3A_816, %sub3A_904 : vector<8x512xf32>
        %abs3A_906 = math.absf %sub3A_905 : vector<8x512xf32>
        %add3A_907 = arith.addf %add3A_796, %abs3A_906 : vector<8x512xf32>
        %mul3A_908 = arith.constant 8 : i32
        %mul3A_909 = arith.muli %scan3A_11, %mul3A_908 : i32
        %add3A_910 = arith.constant 7 : i32
        %add3A_911 = arith.addi %mul3A_909, %add3A_910 : i32
        %get3A_912 = arith.index_cast %add3A_911 : i32 to index
        %get3A_913 = arith.constant 56 : index
        %get3A_914 = arith.constant 0 : index
        %get3A_915 = vector.load %arg9[%get3A_912, %get3A_913, %get3A_914] : memref<128x256x1xf32, #tpu.memory_space<vmem>>, vector<1x8x1xf32>
        %get3A_916 = vector.shape_cast %get3A_915 : vector<1x8x1xf32> to vector<8x1xf32>
        %sub3A_917 = vector.broadcast %get3A_916 : vector<8x1xf32> to vector<8x512xf32>
        %sub3A_918 = arith.subf %get3A_816, %sub3A_917 : vector<8x512xf32>
        %abs3A_919 = math.absf %sub3A_918 : vector<8x512xf32>
        %add3A_920 = arith.addf %add3A_809, %abs3A_919 : vector<8x512xf32>
        %mul3A_921 = arith.constant 512 : i32
        %mul3A_922 = arith.muli %scan3A_17, %mul3A_921 : i32
        %get3A_923 = arith.constant 0 : index
        %get3A_924 = arith.constant 64 : index
        %get3A_925 = arith.index_cast %mul3A_922 : i32 to index
        %get3A_926 = vector.load %arg3[%get3A_923, %get3A_924, %get3A_925] : memref<1x256x2048xf32, #tpu.memory_space<vmem>>, vector<1x8x512xf32>
        %get3A_927 = vector.shape_cast %get3A_926 : vector<1x8x512xf32> to vector<8x512xf32>
        %mul3A_928 = arith.constant 8 : i32
        %mul3A_929 = arith.muli %scan3A_11, %mul3A_928 : i32
        %add3A_930 = arith.constant 0 : i32
        %add3A_931 = arith.addi %mul3A_929, %add3A_930 : i32
        %get3A_932 = arith.index_cast %add3A_931 : i32 to index
        %get3A_933 = arith.constant 64 : index
        %get3A_934 = arith.constant 0 : index
        %get3A_935 = vector.load %arg9[%get3A_932, %get3A_933, %get3A_934] : memref<128x256x1xf32, #tpu.memory_space<vmem>>, vector<1x8x1xf32>
        %get3A_936 = vector.shape_cast %get3A_935 : vector<1x8x1xf32> to vector<8x1xf32>
        %sub3A_937 = vector.broadcast %get3A_936 : vector<8x1xf32> to vector<8x512xf32>
        %sub3A_938 = arith.subf %get3A_927, %sub3A_937 : vector<8x512xf32>
        %abs3A_939 = math.absf %sub3A_938 : vector<8x512xf32>
        %add3A_940 = arith.addf %add3A_829, %abs3A_939 : vector<8x512xf32>
        %mul3A_941 = arith.constant 8 : i32
        %mul3A_942 = arith.muli %scan3A_11, %mul3A_941 : i32
        %add3A_943 = arith.constant 1 : i32
        %add3A_944 = arith.addi %mul3A_942, %add3A_943 : i32
        %get3A_945 = arith.index_cast %add3A_944 : i32 to index
        %get3A_946 = arith.constant 64 : index
        %get3A_947 = arith.constant 0 : index
        %get3A_948 = vector.load %arg9[%get3A_945, %get3A_946, %get3A_947] : memref<128x256x1xf32, #tpu.memory_space<vmem>>, vector<1x8x1xf32>
        %get3A_949 = vector.shape_cast %get3A_948 : vector<1x8x1xf32> to vector<8x1xf32>
        %sub3A_950 = vector.broadcast %get3A_949 : vector<8x1xf32> to vector<8x512xf32>
        %sub3A_951 = arith.subf %get3A_927, %sub3A_950 : vector<8x512xf32>
        %abs3A_952 = math.absf %sub3A_951 : vector<8x512xf32>
        %add3A_953 = arith.addf %add3A_842, %abs3A_952 : vector<8x512xf32>
        %mul3A_954 = arith.constant 8 : i32
        %mul3A_955 = arith.muli %scan3A_11, %mul3A_954 : i32
        %add3A_956 = arith.constant 2 : i32
        %add3A_957 = arith.addi %mul3A_955, %add3A_956 : i32
        %get3A_958 = arith.index_cast %add3A_957 : i32 to index
        %get3A_959 = arith.constant 64 : index
        %get3A_960 = arith.constant 0 : index
        %get3A_961 = vector.load %arg9[%get3A_958, %get3A_959, %get3A_960] : memref<128x256x1xf32, #tpu.memory_space<vmem>>, vector<1x8x1xf32>
        %get3A_962 = vector.shape_cast %get3A_961 : vector<1x8x1xf32> to vector<8x1xf32>
        %sub3A_963 = vector.broadcast %get3A_962 : vector<8x1xf32> to vector<8x512xf32>
        %sub3A_964 = arith.subf %get3A_927, %sub3A_963 : vector<8x512xf32>
        %abs3A_965 = math.absf %sub3A_964 : vector<8x512xf32>
        %add3A_966 = arith.addf %add3A_855, %abs3A_965 : vector<8x512xf32>
        %mul3A_967 = arith.constant 8 : i32
        %mul3A_968 = arith.muli %scan3A_11, %mul3A_967 : i32
        %add3A_969 = arith.constant 3 : i32
        %add3A_970 = arith.addi %mul3A_968, %add3A_969 : i32
        %get3A_971 = arith.index_cast %add3A_970 : i32 to index
        %get3A_972 = arith.constant 64 : index
        %get3A_973 = arith.constant 0 : index
        %get3A_974 = vector.load %arg9[%get3A_971, %get3A_972, %get3A_973] : memref<128x256x1xf32, #tpu.memory_space<vmem>>, vector<1x8x1xf32>
        %get3A_975 = vector.shape_cast %get3A_974 : vector<1x8x1xf32> to vector<8x1xf32>
        %sub3A_976 = vector.broadcast %get3A_975 : vector<8x1xf32> to vector<8x512xf32>
        %sub3A_977 = arith.subf %get3A_927, %sub3A_976 : vector<8x512xf32>
        %abs3A_978 = math.absf %sub3A_977 : vector<8x512xf32>
        %add3A_979 = arith.addf %add3A_868, %abs3A_978 : vector<8x512xf32>
        %mul3A_980 = arith.constant 8 : i32
        %mul3A_981 = arith.muli %scan3A_11, %mul3A_980 : i32
        %add3A_982 = arith.constant 4 : i32
        %add3A_983 = arith.addi %mul3A_981, %add3A_982 : i32
        %get3A_984 = arith.index_cast %add3A_983 : i32 to index
        %get3A_985 = arith.constant 64 : index
        %get3A_986 = arith.constant 0 : index
        %get3A_987 = vector.load %arg9[%get3A_984, %get3A_985, %get3A_986] : memref<128x256x1xf32, #tpu.memory_space<vmem>>, vector<1x8x1xf32>
        %get3A_988 = vector.shape_cast %get3A_987 : vector<1x8x1xf32> to vector<8x1xf32>
        %sub3A_989 = vector.broadcast %get3A_988 : vector<8x1xf32> to vector<8x512xf32>
        %sub3A_990 = arith.subf %get3A_927, %sub3A_989 : vector<8x512xf32>
        %abs3A_991 = math.absf %sub3A_990 : vector<8x512xf32>
        %add3A_992 = arith.addf %add3A_881, %abs3A_991 : vector<8x512xf32>
        %mul3A_993 = arith.constant 8 : i32
        %mul3A_994 = arith.muli %scan3A_11, %mul3A_993 : i32
        %add3A_995 = arith.constant 5 : i32
        %add3A_996 = arith.addi %mul3A_994, %add3A_995 : i32
        %get3A_997 = arith.index_cast %add3A_996 : i32 to index
        %get3A_998 = arith.constant 64 : index
        %get3A_999 = arith.constant 0 : index
        %get3A_1000 = vector.load %arg9[%get3A_997, %get3A_998, %get3A_999] : memref<128x256x1xf32, #tpu.memory_space<vmem>>, vector<1x8x1xf32>
        %get3A_1001 = vector.shape_cast %get3A_1000 : vector<1x8x1xf32> to vector<8x1xf32>
        %sub3A_1002 = vector.broadcast %get3A_1001 : vector<8x1xf32> to vector<8x512xf32>
        %sub3A_1003 = arith.subf %get3A_927, %sub3A_1002 : vector<8x512xf32>
        %abs3A_1004 = math.absf %sub3A_1003 : vector<8x512xf32>
        %add3A_1005 = arith.addf %add3A_894, %abs3A_1004 : vector<8x512xf32>
        %mul3A_1006 = arith.constant 8 : i32
        %mul3A_1007 = arith.muli %scan3A_11, %mul3A_1006 : i32
        %add3A_1008 = arith.constant 6 : i32
        %add3A_1009 = arith.addi %mul3A_1007, %add3A_1008 : i32
        %get3A_1010 = arith.index_cast %add3A_1009 : i32 to index
        %get3A_1011 = arith.constant 64 : index
        %get3A_1012 = arith.constant 0 : index
        %get3A_1013 = vector.load %arg9[%get3A_1010, %get3A_1011, %get3A_1012] : memref<128x256x1xf32, #tpu.memory_space<vmem>>, vector<1x8x1xf32>
        %get3A_1014 = vector.shape_cast %get3A_1013 : vector<1x8x1xf32> to vector<8x1xf32>
        %sub3A_1015 = vector.broadcast %get3A_1014 : vector<8x1xf32> to vector<8x512xf32>
        %sub3A_1016 = arith.subf %get3A_927, %sub3A_1015 : vector<8x512xf32>
        %abs3A_1017 = math.absf %sub3A_1016 : vector<8x512xf32>
        %add3A_1018 = arith.addf %add3A_907, %abs3A_1017 : vector<8x512xf32>
        %mul3A_1019 = arith.constant 8 : i32
        %mul3A_1020 = arith.muli %scan3A_11, %mul3A_1019 : i32
        %add3A_1021 = arith.constant 7 : i32
        %add3A_1022 = arith.addi %mul3A_1020, %add3A_1021 : i32
        %get3A_1023 = arith.index_cast %add3A_1022 : i32 to index
        %get3A_1024 = arith.constant 64 : index
        %get3A_1025 = arith.constant 0 : index
        %get3A_1026 = vector.load %arg9[%get3A_1023, %get3A_1024, %get3A_1025] : memref<128x256x1xf32, #tpu.memory_space<vmem>>, vector<1x8x1xf32>
        %get3A_1027 = vector.shape_cast %get3A_1026 : vector<1x8x1xf32> to vector<8x1xf32>
        %sub3A_1028 = vector.broadcast %get3A_1027 : vector<8x1xf32> to vector<8x512xf32>
        %sub3A_1029 = arith.subf %get3A_927, %sub3A_1028 : vector<8x512xf32>
        %abs3A_1030 = math.absf %sub3A_1029 : vector<8x512xf32>
        %add3A_1031 = arith.addf %add3A_920, %abs3A_1030 : vector<8x512xf32>
        %mul3A_1032 = arith.constant 512 : i32
        %mul3A_1033 = arith.muli %scan3A_17, %mul3A_1032 : i32
        %get3A_1034 = arith.constant 0 : index
        %get3A_1035 = arith.constant 72 : index
        %get3A_1036 = arith.index_cast %mul3A_1033 : i32 to index
        %get3A_1037 = vector.load %arg3[%get3A_1034, %get3A_1035, %get3A_1036] : memref<1x256x2048xf32, #tpu.memory_space<vmem>>, vector<1x8x512xf32>
        %get3A_1038 = vector.shape_cast %get3A_1037 : vector<1x8x512xf32> to vector<8x512xf32>
        %mul3A_1039 = arith.constant 8 : i32
        %mul3A_1040 = arith.muli %scan3A_11, %mul3A_1039 : i32
        %add3A_1041 = arith.constant 0 : i32
        %add3A_1042 = arith.addi %mul3A_1040, %add3A_1041 : i32
        %get3A_1043 = arith.index_cast %add3A_1042 : i32 to index
        %get3A_1044 = arith.constant 72 : index
        %get3A_1045 = arith.constant 0 : index
        %get3A_1046 = vector.load %arg9[%get3A_1043, %get3A_1044, %get3A_1045] : memref<128x256x1xf32, #tpu.memory_space<vmem>>, vector<1x8x1xf32>
        %get3A_1047 = vector.shape_cast %get3A_1046 : vector<1x8x1xf32> to vector<8x1xf32>
        %sub3A_1048 = vector.broadcast %get3A_1047 : vector<8x1xf32> to vector<8x512xf32>
        %sub3A_1049 = arith.subf %get3A_1038, %sub3A_1048 : vector<8x512xf32>
        %abs3A_1050 = math.absf %sub3A_1049 : vector<8x512xf32>
        %add3A_1051 = arith.addf %add3A_940, %abs3A_1050 : vector<8x512xf32>
        %mul3A_1052 = arith.constant 8 : i32
        %mul3A_1053 = arith.muli %scan3A_11, %mul3A_1052 : i32
        %add3A_1054 = arith.constant 1 : i32
        %add3A_1055 = arith.addi %mul3A_1053, %add3A_1054 : i32
        %get3A_1056 = arith.index_cast %add3A_1055 : i32 to index
        %get3A_1057 = arith.constant 72 : index
        %get3A_1058 = arith.constant 0 : index
        %get3A_1059 = vector.load %arg9[%get3A_1056, %get3A_1057, %get3A_1058] : memref<128x256x1xf32, #tpu.memory_space<vmem>>, vector<1x8x1xf32>
        %get3A_1060 = vector.shape_cast %get3A_1059 : vector<1x8x1xf32> to vector<8x1xf32>
        %sub3A_1061 = vector.broadcast %get3A_1060 : vector<8x1xf32> to vector<8x512xf32>
        %sub3A_1062 = arith.subf %get3A_1038, %sub3A_1061 : vector<8x512xf32>
        %abs3A_1063 = math.absf %sub3A_1062 : vector<8x512xf32>
        %add3A_1064 = arith.addf %add3A_953, %abs3A_1063 : vector<8x512xf32>
        %mul3A_1065 = arith.constant 8 : i32
        %mul3A_1066 = arith.muli %scan3A_11, %mul3A_1065 : i32
        %add3A_1067 = arith.constant 2 : i32
        %add3A_1068 = arith.addi %mul3A_1066, %add3A_1067 : i32
        %get3A_1069 = arith.index_cast %add3A_1068 : i32 to index
        %get3A_1070 = arith.constant 72 : index
        %get3A_1071 = arith.constant 0 : index
        %get3A_1072 = vector.load %arg9[%get3A_1069, %get3A_1070, %get3A_1071] : memref<128x256x1xf32, #tpu.memory_space<vmem>>, vector<1x8x1xf32>
        %get3A_1073 = vector.shape_cast %get3A_1072 : vector<1x8x1xf32> to vector<8x1xf32>
        %sub3A_1074 = vector.broadcast %get3A_1073 : vector<8x1xf32> to vector<8x512xf32>
        %sub3A_1075 = arith.subf %get3A_1038, %sub3A_1074 : vector<8x512xf32>
        %abs3A_1076 = math.absf %sub3A_1075 : vector<8x512xf32>
        %add3A_1077 = arith.addf %add3A_966, %abs3A_1076 : vector<8x512xf32>
        %mul3A_1078 = arith.constant 8 : i32
        %mul3A_1079 = arith.muli %scan3A_11, %mul3A_1078 : i32
        %add3A_1080 = arith.constant 3 : i32
        %add3A_1081 = arith.addi %mul3A_1079, %add3A_1080 : i32
        %get3A_1082 = arith.index_cast %add3A_1081 : i32 to index
        %get3A_1083 = arith.constant 72 : index
        %get3A_1084 = arith.constant 0 : index
        %get3A_1085 = vector.load %arg9[%get3A_1082, %get3A_1083, %get3A_1084] : memref<128x256x1xf32, #tpu.memory_space<vmem>>, vector<1x8x1xf32>
        %get3A_1086 = vector.shape_cast %get3A_1085 : vector<1x8x1xf32> to vector<8x1xf32>
        %sub3A_1087 = vector.broadcast %get3A_1086 : vector<8x1xf32> to vector<8x512xf32>
        %sub3A_1088 = arith.subf %get3A_1038, %sub3A_1087 : vector<8x512xf32>
        %abs3A_1089 = math.absf %sub3A_1088 : vector<8x512xf32>
        %add3A_1090 = arith.addf %add3A_979, %abs3A_1089 : vector<8x512xf32>
        %mul3A_1091 = arith.constant 8 : i32
        %mul3A_1092 = arith.muli %scan3A_11, %mul3A_1091 : i32
        %add3A_1093 = arith.constant 4 : i32
        %add3A_1094 = arith.addi %mul3A_1092, %add3A_1093 : i32
        %get3A_1095 = arith.index_cast %add3A_1094 : i32 to index
        %get3A_1096 = arith.constant 72 : index
        %get3A_1097 = arith.constant 0 : index
        %get3A_1098 = vector.load %arg9[%get3A_1095, %get3A_1096, %get3A_1097] : memref<128x256x1xf32, #tpu.memory_space<vmem>>, vector<1x8x1xf32>
        %get3A_1099 = vector.shape_cast %get3A_1098 : vector<1x8x1xf32> to vector<8x1xf32>
        %sub3A_1100 = vector.broadcast %get3A_1099 : vector<8x1xf32> to vector<8x512xf32>
        %sub3A_1101 = arith.subf %get3A_1038, %sub3A_1100 : vector<8x512xf32>
        %abs3A_1102 = math.absf %sub3A_1101 : vector<8x512xf32>
        %add3A_1103 = arith.addf %add3A_992, %abs3A_1102 : vector<8x512xf32>
        %mul3A_1104 = arith.constant 8 : i32
        %mul3A_1105 = arith.muli %scan3A_11, %mul3A_1104 : i32
        %add3A_1106 = arith.constant 5 : i32
        %add3A_1107 = arith.addi %mul3A_1105, %add3A_1106 : i32
        %get3A_1108 = arith.index_cast %add3A_1107 : i32 to index
        %get3A_1109 = arith.constant 72 : index
        %get3A_1110 = arith.constant 0 : index
        %get3A_1111 = vector.load %arg9[%get3A_1108, %get3A_1109, %get3A_1110] : memref<128x256x1xf32, #tpu.memory_space<vmem>>, vector<1x8x1xf32>
        %get3A_1112 = vector.shape_cast %get3A_1111 : vector<1x8x1xf32> to vector<8x1xf32>
        %sub3A_1113 = vector.broadcast %get3A_1112 : vector<8x1xf32> to vector<8x512xf32>
        %sub3A_1114 = arith.subf %get3A_1038, %sub3A_1113 : vector<8x512xf32>
        %abs3A_1115 = math.absf %sub3A_1114 : vector<8x512xf32>
        %add3A_1116 = arith.addf %add3A_1005, %abs3A_1115 : vector<8x512xf32>
        %mul3A_1117 = arith.constant 8 : i32
        %mul3A_1118 = arith.muli %scan3A_11, %mul3A_1117 : i32
        %add3A_1119 = arith.constant 6 : i32
        %add3A_1120 = arith.addi %mul3A_1118, %add3A_1119 : i32
        %get3A_1121 = arith.index_cast %add3A_1120 : i32 to index
        %get3A_1122 = arith.constant 72 : index
        %get3A_1123 = arith.constant 0 : index
        %get3A_1124 = vector.load %arg9[%get3A_1121, %get3A_1122, %get3A_1123] : memref<128x256x1xf32, #tpu.memory_space<vmem>>, vector<1x8x1xf32>
        %get3A_1125 = vector.shape_cast %get3A_1124 : vector<1x8x1xf32> to vector<8x1xf32>
        %sub3A_1126 = vector.broadcast %get3A_1125 : vector<8x1xf32> to vector<8x512xf32>
        %sub3A_1127 = arith.subf %get3A_1038, %sub3A_1126 : vector<8x512xf32>
        %abs3A_1128 = math.absf %sub3A_1127 : vector<8x512xf32>
        %add3A_1129 = arith.addf %add3A_1018, %abs3A_1128 : vector<8x512xf32>
        %mul3A_1130 = arith.constant 8 : i32
        %mul3A_1131 = arith.muli %scan3A_11, %mul3A_1130 : i32
        %add3A_1132 = arith.constant 7 : i32
        %add3A_1133 = arith.addi %mul3A_1131, %add3A_1132 : i32
        %get3A_1134 = arith.index_cast %add3A_1133 : i32 to index
        %get3A_1135 = arith.constant 72 : index
        %get3A_1136 = arith.constant 0 : index
        %get3A_1137 = vector.load %arg9[%get3A_1134, %get3A_1135, %get3A_1136] : memref<128x256x1xf32, #tpu.memory_space<vmem>>, vector<1x8x1xf32>
        %get3A_1138 = vector.shape_cast %get3A_1137 : vector<1x8x1xf32> to vector<8x1xf32>
        %sub3A_1139 = vector.broadcast %get3A_1138 : vector<8x1xf32> to vector<8x512xf32>
        %sub3A_1140 = arith.subf %get3A_1038, %sub3A_1139 : vector<8x512xf32>
        %abs3A_1141 = math.absf %sub3A_1140 : vector<8x512xf32>
        %add3A_1142 = arith.addf %add3A_1031, %abs3A_1141 : vector<8x512xf32>
        %mul3A_1143 = arith.constant 512 : i32
        %mul3A_1144 = arith.muli %scan3A_17, %mul3A_1143 : i32
        %get3A_1145 = arith.constant 0 : index
        %get3A_1146 = arith.constant 80 : index
        %get3A_1147 = arith.index_cast %mul3A_1144 : i32 to index
        %get3A_1148 = vector.load %arg3[%get3A_1145, %get3A_1146, %get3A_1147] : memref<1x256x2048xf32, #tpu.memory_space<vmem>>, vector<1x8x512xf32>
        %get3A_1149 = vector.shape_cast %get3A_1148 : vector<1x8x512xf32> to vector<8x512xf32>
        %mul3A_1150 = arith.constant 8 : i32
        %mul3A_1151 = arith.muli %scan3A_11, %mul3A_1150 : i32
        %add3A_1152 = arith.constant 0 : i32
        %add3A_1153 = arith.addi %mul3A_1151, %add3A_1152 : i32
        %get3A_1154 = arith.index_cast %add3A_1153 : i32 to index
        %get3A_1155 = arith.constant 80 : index
        %get3A_1156 = arith.constant 0 : index
        %get3A_1157 = vector.load %arg9[%get3A_1154, %get3A_1155, %get3A_1156] : memref<128x256x1xf32, #tpu.memory_space<vmem>>, vector<1x8x1xf32>
        %get3A_1158 = vector.shape_cast %get3A_1157 : vector<1x8x1xf32> to vector<8x1xf32>
        %sub3A_1159 = vector.broadcast %get3A_1158 : vector<8x1xf32> to vector<8x512xf32>
        %sub3A_1160 = arith.subf %get3A_1149, %sub3A_1159 : vector<8x512xf32>
        %abs3A_1161 = math.absf %sub3A_1160 : vector<8x512xf32>
        %add3A_1162 = arith.addf %add3A_1051, %abs3A_1161 : vector<8x512xf32>
        %mul3A_1163 = arith.constant 8 : i32
        %mul3A_1164 = arith.muli %scan3A_11, %mul3A_1163 : i32
        %add3A_1165 = arith.constant 1 : i32
        %add3A_1166 = arith.addi %mul3A_1164, %add3A_1165 : i32
        %get3A_1167 = arith.index_cast %add3A_1166 : i32 to index
        %get3A_1168 = arith.constant 80 : index
        %get3A_1169 = arith.constant 0 : index
        %get3A_1170 = vector.load %arg9[%get3A_1167, %get3A_1168, %get3A_1169] : memref<128x256x1xf32, #tpu.memory_space<vmem>>, vector<1x8x1xf32>
        %get3A_1171 = vector.shape_cast %get3A_1170 : vector<1x8x1xf32> to vector<8x1xf32>
        %sub3A_1172 = vector.broadcast %get3A_1171 : vector<8x1xf32> to vector<8x512xf32>
        %sub3A_1173 = arith.subf %get3A_1149, %sub3A_1172 : vector<8x512xf32>
        %abs3A_1174 = math.absf %sub3A_1173 : vector<8x512xf32>
        %add3A_1175 = arith.addf %add3A_1064, %abs3A_1174 : vector<8x512xf32>
        %mul3A_1176 = arith.constant 8 : i32
        %mul3A_1177 = arith.muli %scan3A_11, %mul3A_1176 : i32
        %add3A_1178 = arith.constant 2 : i32
        %add3A_1179 = arith.addi %mul3A_1177, %add3A_1178 : i32
        %get3A_1180 = arith.index_cast %add3A_1179 : i32 to index
        %get3A_1181 = arith.constant 80 : index
        %get3A_1182 = arith.constant 0 : index
        %get3A_1183 = vector.load %arg9[%get3A_1180, %get3A_1181, %get3A_1182] : memref<128x256x1xf32, #tpu.memory_space<vmem>>, vector<1x8x1xf32>
        %get3A_1184 = vector.shape_cast %get3A_1183 : vector<1x8x1xf32> to vector<8x1xf32>
        %sub3A_1185 = vector.broadcast %get3A_1184 : vector<8x1xf32> to vector<8x512xf32>
        %sub3A_1186 = arith.subf %get3A_1149, %sub3A_1185 : vector<8x512xf32>
        %abs3A_1187 = math.absf %sub3A_1186 : vector<8x512xf32>
        %add3A_1188 = arith.addf %add3A_1077, %abs3A_1187 : vector<8x512xf32>
        %mul3A_1189 = arith.constant 8 : i32
        %mul3A_1190 = arith.muli %scan3A_11, %mul3A_1189 : i32
        %add3A_1191 = arith.constant 3 : i32
        %add3A_1192 = arith.addi %mul3A_1190, %add3A_1191 : i32
        %get3A_1193 = arith.index_cast %add3A_1192 : i32 to index
        %get3A_1194 = arith.constant 80 : index
        %get3A_1195 = arith.constant 0 : index
        %get3A_1196 = vector.load %arg9[%get3A_1193, %get3A_1194, %get3A_1195] : memref<128x256x1xf32, #tpu.memory_space<vmem>>, vector<1x8x1xf32>
        %get3A_1197 = vector.shape_cast %get3A_1196 : vector<1x8x1xf32> to vector<8x1xf32>
        %sub3A_1198 = vector.broadcast %get3A_1197 : vector<8x1xf32> to vector<8x512xf32>
        %sub3A_1199 = arith.subf %get3A_1149, %sub3A_1198 : vector<8x512xf32>
        %abs3A_1200 = math.absf %sub3A_1199 : vector<8x512xf32>
        %add3A_1201 = arith.addf %add3A_1090, %abs3A_1200 : vector<8x512xf32>
        %mul3A_1202 = arith.constant 8 : i32
        %mul3A_1203 = arith.muli %scan3A_11, %mul3A_1202 : i32
        %add3A_1204 = arith.constant 4 : i32
        %add3A_1205 = arith.addi %mul3A_1203, %add3A_1204 : i32
        %get3A_1206 = arith.index_cast %add3A_1205 : i32 to index
        %get3A_1207 = arith.constant 80 : index
        %get3A_1208 = arith.constant 0 : index
        %get3A_1209 = vector.load %arg9[%get3A_1206, %get3A_1207, %get3A_1208] : memref<128x256x1xf32, #tpu.memory_space<vmem>>, vector<1x8x1xf32>
        %get3A_1210 = vector.shape_cast %get3A_1209 : vector<1x8x1xf32> to vector<8x1xf32>
        %sub3A_1211 = vector.broadcast %get3A_1210 : vector<8x1xf32> to vector<8x512xf32>
        %sub3A_1212 = arith.subf %get3A_1149, %sub3A_1211 : vector<8x512xf32>
        %abs3A_1213 = math.absf %sub3A_1212 : vector<8x512xf32>
        %add3A_1214 = arith.addf %add3A_1103, %abs3A_1213 : vector<8x512xf32>
        %mul3A_1215 = arith.constant 8 : i32
        %mul3A_1216 = arith.muli %scan3A_11, %mul3A_1215 : i32
        %add3A_1217 = arith.constant 5 : i32
        %add3A_1218 = arith.addi %mul3A_1216, %add3A_1217 : i32
        %get3A_1219 = arith.index_cast %add3A_1218 : i32 to index
        %get3A_1220 = arith.constant 80 : index
        %get3A_1221 = arith.constant 0 : index
        %get3A_1222 = vector.load %arg9[%get3A_1219, %get3A_1220, %get3A_1221] : memref<128x256x1xf32, #tpu.memory_space<vmem>>, vector<1x8x1xf32>
        %get3A_1223 = vector.shape_cast %get3A_1222 : vector<1x8x1xf32> to vector<8x1xf32>
        %sub3A_1224 = vector.broadcast %get3A_1223 : vector<8x1xf32> to vector<8x512xf32>
        %sub3A_1225 = arith.subf %get3A_1149, %sub3A_1224 : vector<8x512xf32>
        %abs3A_1226 = math.absf %sub3A_1225 : vector<8x512xf32>
        %add3A_1227 = arith.addf %add3A_1116, %abs3A_1226 : vector<8x512xf32>
        %mul3A_1228 = arith.constant 8 : i32
        %mul3A_1229 = arith.muli %scan3A_11, %mul3A_1228 : i32
        %add3A_1230 = arith.constant 6 : i32
        %add3A_1231 = arith.addi %mul3A_1229, %add3A_1230 : i32
        %get3A_1232 = arith.index_cast %add3A_1231 : i32 to index
        %get3A_1233 = arith.constant 80 : index
        %get3A_1234 = arith.constant 0 : index
        %get3A_1235 = vector.load %arg9[%get3A_1232, %get3A_1233, %get3A_1234] : memref<128x256x1xf32, #tpu.memory_space<vmem>>, vector<1x8x1xf32>
        %get3A_1236 = vector.shape_cast %get3A_1235 : vector<1x8x1xf32> to vector<8x1xf32>
        %sub3A_1237 = vector.broadcast %get3A_1236 : vector<8x1xf32> to vector<8x512xf32>
        %sub3A_1238 = arith.subf %get3A_1149, %sub3A_1237 : vector<8x512xf32>
        %abs3A_1239 = math.absf %sub3A_1238 : vector<8x512xf32>
        %add3A_1240 = arith.addf %add3A_1129, %abs3A_1239 : vector<8x512xf32>
        %mul3A_1241 = arith.constant 8 : i32
        %mul3A_1242 = arith.muli %scan3A_11, %mul3A_1241 : i32
        %add3A_1243 = arith.constant 7 : i32
        %add3A_1244 = arith.addi %mul3A_1242, %add3A_1243 : i32
        %get3A_1245 = arith.index_cast %add3A_1244 : i32 to index
        %get3A_1246 = arith.constant 80 : index
        %get3A_1247 = arith.constant 0 : index
        %get3A_1248 = vector.load %arg9[%get3A_1245, %get3A_1246, %get3A_1247] : memref<128x256x1xf32, #tpu.memory_space<vmem>>, vector<1x8x1xf32>
        %get3A_1249 = vector.shape_cast %get3A_1248 : vector<1x8x1xf32> to vector<8x1xf32>
        %sub3A_1250 = vector.broadcast %get3A_1249 : vector<8x1xf32> to vector<8x512xf32>
        %sub3A_1251 = arith.subf %get3A_1149, %sub3A_1250 : vector<8x512xf32>
        %abs3A_1252 = math.absf %sub3A_1251 : vector<8x512xf32>
        %add3A_1253 = arith.addf %add3A_1142, %abs3A_1252 : vector<8x512xf32>
        %mul3A_1254 = arith.constant 512 : i32
        %mul3A_1255 = arith.muli %scan3A_17, %mul3A_1254 : i32
        %get3A_1256 = arith.constant 0 : index
        %get3A_1257 = arith.constant 88 : index
        %get3A_1258 = arith.index_cast %mul3A_1255 : i32 to index
        %get3A_1259 = vector.load %arg3[%get3A_1256, %get3A_1257, %get3A_1258] : memref<1x256x2048xf32, #tpu.memory_space<vmem>>, vector<1x8x512xf32>
        %get3A_1260 = vector.shape_cast %get3A_1259 : vector<1x8x512xf32> to vector<8x512xf32>
        %mul3A_1261 = arith.constant 8 : i32
        %mul3A_1262 = arith.muli %scan3A_11, %mul3A_1261 : i32
        %add3A_1263 = arith.constant 0 : i32
        %add3A_1264 = arith.addi %mul3A_1262, %add3A_1263 : i32
        %get3A_1265 = arith.index_cast %add3A_1264 : i32 to index
        %get3A_1266 = arith.constant 88 : index
        %get3A_1267 = arith.constant 0 : index
        %get3A_1268 = vector.load %arg9[%get3A_1265, %get3A_1266, %get3A_1267] : memref<128x256x1xf32, #tpu.memory_space<vmem>>, vector<1x8x1xf32>
        %get3A_1269 = vector.shape_cast %get3A_1268 : vector<1x8x1xf32> to vector<8x1xf32>
        %sub3A_1270 = vector.broadcast %get3A_1269 : vector<8x1xf32> to vector<8x512xf32>
        %sub3A_1271 = arith.subf %get3A_1260, %sub3A_1270 : vector<8x512xf32>
        %abs3A_1272 = math.absf %sub3A_1271 : vector<8x512xf32>
        %add3A_1273 = arith.addf %add3A_1162, %abs3A_1272 : vector<8x512xf32>
        %mul3A_1274 = arith.constant 8 : i32
        %mul3A_1275 = arith.muli %scan3A_11, %mul3A_1274 : i32
        %add3A_1276 = arith.constant 1 : i32
        %add3A_1277 = arith.addi %mul3A_1275, %add3A_1276 : i32
        %get3A_1278 = arith.index_cast %add3A_1277 : i32 to index
        %get3A_1279 = arith.constant 88 : index
        %get3A_1280 = arith.constant 0 : index
        %get3A_1281 = vector.load %arg9[%get3A_1278, %get3A_1279, %get3A_1280] : memref<128x256x1xf32, #tpu.memory_space<vmem>>, vector<1x8x1xf32>
        %get3A_1282 = vector.shape_cast %get3A_1281 : vector<1x8x1xf32> to vector<8x1xf32>
        %sub3A_1283 = vector.broadcast %get3A_1282 : vector<8x1xf32> to vector<8x512xf32>
        %sub3A_1284 = arith.subf %get3A_1260, %sub3A_1283 : vector<8x512xf32>
        %abs3A_1285 = math.absf %sub3A_1284 : vector<8x512xf32>
        %add3A_1286 = arith.addf %add3A_1175, %abs3A_1285 : vector<8x512xf32>
        %mul3A_1287 = arith.constant 8 : i32
        %mul3A_1288 = arith.muli %scan3A_11, %mul3A_1287 : i32
        %add3A_1289 = arith.constant 2 : i32
        %add3A_1290 = arith.addi %mul3A_1288, %add3A_1289 : i32
        %get3A_1291 = arith.index_cast %add3A_1290 : i32 to index
        %get3A_1292 = arith.constant 88 : index
        %get3A_1293 = arith.constant 0 : index
        %get3A_1294 = vector.load %arg9[%get3A_1291, %get3A_1292, %get3A_1293] : memref<128x256x1xf32, #tpu.memory_space<vmem>>, vector<1x8x1xf32>
        %get3A_1295 = vector.shape_cast %get3A_1294 : vector<1x8x1xf32> to vector<8x1xf32>
        %sub3A_1296 = vector.broadcast %get3A_1295 : vector<8x1xf32> to vector<8x512xf32>
        %sub3A_1297 = arith.subf %get3A_1260, %sub3A_1296 : vector<8x512xf32>
        %abs3A_1298 = math.absf %sub3A_1297 : vector<8x512xf32>
        %add3A_1299 = arith.addf %add3A_1188, %abs3A_1298 : vector<8x512xf32>
        %mul3A_1300 = arith.constant 8 : i32
        %mul3A_1301 = arith.muli %scan3A_11, %mul3A_1300 : i32
        %add3A_1302 = arith.constant 3 : i32
        %add3A_1303 = arith.addi %mul3A_1301, %add3A_1302 : i32
        %get3A_1304 = arith.index_cast %add3A_1303 : i32 to index
        %get3A_1305 = arith.constant 88 : index
        %get3A_1306 = arith.constant 0 : index
        %get3A_1307 = vector.load %arg9[%get3A_1304, %get3A_1305, %get3A_1306] : memref<128x256x1xf32, #tpu.memory_space<vmem>>, vector<1x8x1xf32>
        %get3A_1308 = vector.shape_cast %get3A_1307 : vector<1x8x1xf32> to vector<8x1xf32>
        %sub3A_1309 = vector.broadcast %get3A_1308 : vector<8x1xf32> to vector<8x512xf32>
        %sub3A_1310 = arith.subf %get3A_1260, %sub3A_1309 : vector<8x512xf32>
        %abs3A_1311 = math.absf %sub3A_1310 : vector<8x512xf32>
        %add3A_1312 = arith.addf %add3A_1201, %abs3A_1311 : vector<8x512xf32>
        %mul3A_1313 = arith.constant 8 : i32
        %mul3A_1314 = arith.muli %scan3A_11, %mul3A_1313 : i32
        %add3A_1315 = arith.constant 4 : i32
        %add3A_1316 = arith.addi %mul3A_1314, %add3A_1315 : i32
        %get3A_1317 = arith.index_cast %add3A_1316 : i32 to index
        %get3A_1318 = arith.constant 88 : index
        %get3A_1319 = arith.constant 0 : index
        %get3A_1320 = vector.load %arg9[%get3A_1317, %get3A_1318, %get3A_1319] : memref<128x256x1xf32, #tpu.memory_space<vmem>>, vector<1x8x1xf32>
        %get3A_1321 = vector.shape_cast %get3A_1320 : vector<1x8x1xf32> to vector<8x1xf32>
        %sub3A_1322 = vector.broadcast %get3A_1321 : vector<8x1xf32> to vector<8x512xf32>
        %sub3A_1323 = arith.subf %get3A_1260, %sub3A_1322 : vector<8x512xf32>
        %abs3A_1324 = math.absf %sub3A_1323 : vector<8x512xf32>
        %add3A_1325 = arith.addf %add3A_1214, %abs3A_1324 : vector<8x512xf32>
        %mul3A_1326 = arith.constant 8 : i32
        %mul3A_1327 = arith.muli %scan3A_11, %mul3A_1326 : i32
        %add3A_1328 = arith.constant 5 : i32
        %add3A_1329 = arith.addi %mul3A_1327, %add3A_1328 : i32
        %get3A_1330 = arith.index_cast %add3A_1329 : i32 to index
        %get3A_1331 = arith.constant 88 : index
        %get3A_1332 = arith.constant 0 : index
        %get3A_1333 = vector.load %arg9[%get3A_1330, %get3A_1331, %get3A_1332] : memref<128x256x1xf32, #tpu.memory_space<vmem>>, vector<1x8x1xf32>
        %get3A_1334 = vector.shape_cast %get3A_1333 : vector<1x8x1xf32> to vector<8x1xf32>
        %sub3A_1335 = vector.broadcast %get3A_1334 : vector<8x1xf32> to vector<8x512xf32>
        %sub3A_1336 = arith.subf %get3A_1260, %sub3A_1335 : vector<8x512xf32>
        %abs3A_1337 = math.absf %sub3A_1336 : vector<8x512xf32>
        %add3A_1338 = arith.addf %add3A_1227, %abs3A_1337 : vector<8x512xf32>
        %mul3A_1339 = arith.constant 8 : i32
        %mul3A_1340 = arith.muli %scan3A_11, %mul3A_1339 : i32
        %add3A_1341 = arith.constant 6 : i32
        %add3A_1342 = arith.addi %mul3A_1340, %add3A_1341 : i32
        %get3A_1343 = arith.index_cast %add3A_1342 : i32 to index
        %get3A_1344 = arith.constant 88 : index
        %get3A_1345 = arith.constant 0 : index
        %get3A_1346 = vector.load %arg9[%get3A_1343, %get3A_1344, %get3A_1345] : memref<128x256x1xf32, #tpu.memory_space<vmem>>, vector<1x8x1xf32>
        %get3A_1347 = vector.shape_cast %get3A_1346 : vector<1x8x1xf32> to vector<8x1xf32>
        %sub3A_1348 = vector.broadcast %get3A_1347 : vector<8x1xf32> to vector<8x512xf32>
        %sub3A_1349 = arith.subf %get3A_1260, %sub3A_1348 : vector<8x512xf32>
        %abs3A_1350 = math.absf %sub3A_1349 : vector<8x512xf32>
        %add3A_1351 = arith.addf %add3A_1240, %abs3A_1350 : vector<8x512xf32>
        %mul3A_1352 = arith.constant 8 : i32
        %mul3A_1353 = arith.muli %scan3A_11, %mul3A_1352 : i32
        %add3A_1354 = arith.constant 7 : i32
        %add3A_1355 = arith.addi %mul3A_1353, %add3A_1354 : i32
        %get3A_1356 = arith.index_cast %add3A_1355 : i32 to index
        %get3A_1357 = arith.constant 88 : index
        %get3A_1358 = arith.constant 0 : index
        %get3A_1359 = vector.load %arg9[%get3A_1356, %get3A_1357, %get3A_1358] : memref<128x256x1xf32, #tpu.memory_space<vmem>>, vector<1x8x1xf32>
        %get3A_1360 = vector.shape_cast %get3A_1359 : vector<1x8x1xf32> to vector<8x1xf32>
        %sub3A_1361 = vector.broadcast %get3A_1360 : vector<8x1xf32> to vector<8x512xf32>
        %sub3A_1362 = arith.subf %get3A_1260, %sub3A_1361 : vector<8x512xf32>
        %abs3A_1363 = math.absf %sub3A_1362 : vector<8x512xf32>
        %add3A_1364 = arith.addf %add3A_1253, %abs3A_1363 : vector<8x512xf32>
        %mul3A_1365 = arith.constant 512 : i32
        %mul3A_1366 = arith.muli %scan3A_17, %mul3A_1365 : i32
        %get3A_1367 = arith.constant 0 : index
        %get3A_1368 = arith.constant 96 : index
        %get3A_1369 = arith.index_cast %mul3A_1366 : i32 to index
        %get3A_1370 = vector.load %arg3[%get3A_1367, %get3A_1368, %get3A_1369] : memref<1x256x2048xf32, #tpu.memory_space<vmem>>, vector<1x8x512xf32>
        %get3A_1371 = vector.shape_cast %get3A_1370 : vector<1x8x512xf32> to vector<8x512xf32>
        %mul3A_1372 = arith.constant 8 : i32
        %mul3A_1373 = arith.muli %scan3A_11, %mul3A_1372 : i32
        %add3A_1374 = arith.constant 0 : i32
        %add3A_1375 = arith.addi %mul3A_1373, %add3A_1374 : i32
        %get3A_1376 = arith.index_cast %add3A_1375 : i32 to index
        %get3A_1377 = arith.constant 96 : index
        %get3A_1378 = arith.constant 0 : index
        %get3A_1379 = vector.load %arg9[%get3A_1376, %get3A_1377, %get3A_1378] : memref<128x256x1xf32, #tpu.memory_space<vmem>>, vector<1x8x1xf32>
        %get3A_1380 = vector.shape_cast %get3A_1379 : vector<1x8x1xf32> to vector<8x1xf32>
        %sub3A_1381 = vector.broadcast %get3A_1380 : vector<8x1xf32> to vector<8x512xf32>
        %sub3A_1382 = arith.subf %get3A_1371, %sub3A_1381 : vector<8x512xf32>
        %abs3A_1383 = math.absf %sub3A_1382 : vector<8x512xf32>
        %add3A_1384 = arith.addf %add3A_1273, %abs3A_1383 : vector<8x512xf32>
        %mul3A_1385 = arith.constant 8 : i32
        %mul3A_1386 = arith.muli %scan3A_11, %mul3A_1385 : i32
        %add3A_1387 = arith.constant 1 : i32
        %add3A_1388 = arith.addi %mul3A_1386, %add3A_1387 : i32
        %get3A_1389 = arith.index_cast %add3A_1388 : i32 to index
        %get3A_1390 = arith.constant 96 : index
        %get3A_1391 = arith.constant 0 : index
        %get3A_1392 = vector.load %arg9[%get3A_1389, %get3A_1390, %get3A_1391] : memref<128x256x1xf32, #tpu.memory_space<vmem>>, vector<1x8x1xf32>
        %get3A_1393 = vector.shape_cast %get3A_1392 : vector<1x8x1xf32> to vector<8x1xf32>
        %sub3A_1394 = vector.broadcast %get3A_1393 : vector<8x1xf32> to vector<8x512xf32>
        %sub3A_1395 = arith.subf %get3A_1371, %sub3A_1394 : vector<8x512xf32>
        %abs3A_1396 = math.absf %sub3A_1395 : vector<8x512xf32>
        %add3A_1397 = arith.addf %add3A_1286, %abs3A_1396 : vector<8x512xf32>
        %mul3A_1398 = arith.constant 8 : i32
        %mul3A_1399 = arith.muli %scan3A_11, %mul3A_1398 : i32
        %add3A_1400 = arith.constant 2 : i32
        %add3A_1401 = arith.addi %mul3A_1399, %add3A_1400 : i32
        %get3A_1402 = arith.index_cast %add3A_1401 : i32 to index
        %get3A_1403 = arith.constant 96 : index
        %get3A_1404 = arith.constant 0 : index
        %get3A_1405 = vector.load %arg9[%get3A_1402, %get3A_1403, %get3A_1404] : memref<128x256x1xf32, #tpu.memory_space<vmem>>, vector<1x8x1xf32>
        %get3A_1406 = vector.shape_cast %get3A_1405 : vector<1x8x1xf32> to vector<8x1xf32>
        %sub3A_1407 = vector.broadcast %get3A_1406 : vector<8x1xf32> to vector<8x512xf32>
        %sub3A_1408 = arith.subf %get3A_1371, %sub3A_1407 : vector<8x512xf32>
        %abs3A_1409 = math.absf %sub3A_1408 : vector<8x512xf32>
        %add3A_1410 = arith.addf %add3A_1299, %abs3A_1409 : vector<8x512xf32>
        %mul3A_1411 = arith.constant 8 : i32
        %mul3A_1412 = arith.muli %scan3A_11, %mul3A_1411 : i32
        %add3A_1413 = arith.constant 3 : i32
        %add3A_1414 = arith.addi %mul3A_1412, %add3A_1413 : i32
        %get3A_1415 = arith.index_cast %add3A_1414 : i32 to index
        %get3A_1416 = arith.constant 96 : index
        %get3A_1417 = arith.constant 0 : index
        %get3A_1418 = vector.load %arg9[%get3A_1415, %get3A_1416, %get3A_1417] : memref<128x256x1xf32, #tpu.memory_space<vmem>>, vector<1x8x1xf32>
        %get3A_1419 = vector.shape_cast %get3A_1418 : vector<1x8x1xf32> to vector<8x1xf32>
        %sub3A_1420 = vector.broadcast %get3A_1419 : vector<8x1xf32> to vector<8x512xf32>
        %sub3A_1421 = arith.subf %get3A_1371, %sub3A_1420 : vector<8x512xf32>
        %abs3A_1422 = math.absf %sub3A_1421 : vector<8x512xf32>
        %add3A_1423 = arith.addf %add3A_1312, %abs3A_1422 : vector<8x512xf32>
        %mul3A_1424 = arith.constant 8 : i32
        %mul3A_1425 = arith.muli %scan3A_11, %mul3A_1424 : i32
        %add3A_1426 = arith.constant 4 : i32
        %add3A_1427 = arith.addi %mul3A_1425, %add3A_1426 : i32
        %get3A_1428 = arith.index_cast %add3A_1427 : i32 to index
        %get3A_1429 = arith.constant 96 : index
        %get3A_1430 = arith.constant 0 : index
        %get3A_1431 = vector.load %arg9[%get3A_1428, %get3A_1429, %get3A_1430] : memref<128x256x1xf32, #tpu.memory_space<vmem>>, vector<1x8x1xf32>
        %get3A_1432 = vector.shape_cast %get3A_1431 : vector<1x8x1xf32> to vector<8x1xf32>
        %sub3A_1433 = vector.broadcast %get3A_1432 : vector<8x1xf32> to vector<8x512xf32>
        %sub3A_1434 = arith.subf %get3A_1371, %sub3A_1433 : vector<8x512xf32>
        %abs3A_1435 = math.absf %sub3A_1434 : vector<8x512xf32>
        %add3A_1436 = arith.addf %add3A_1325, %abs3A_1435 : vector<8x512xf32>
        %mul3A_1437 = arith.constant 8 : i32
        %mul3A_1438 = arith.muli %scan3A_11, %mul3A_1437 : i32
        %add3A_1439 = arith.constant 5 : i32
        %add3A_1440 = arith.addi %mul3A_1438, %add3A_1439 : i32
        %get3A_1441 = arith.index_cast %add3A_1440 : i32 to index
        %get3A_1442 = arith.constant 96 : index
        %get3A_1443 = arith.constant 0 : index
        %get3A_1444 = vector.load %arg9[%get3A_1441, %get3A_1442, %get3A_1443] : memref<128x256x1xf32, #tpu.memory_space<vmem>>, vector<1x8x1xf32>
        %get3A_1445 = vector.shape_cast %get3A_1444 : vector<1x8x1xf32> to vector<8x1xf32>
        %sub3A_1446 = vector.broadcast %get3A_1445 : vector<8x1xf32> to vector<8x512xf32>
        %sub3A_1447 = arith.subf %get3A_1371, %sub3A_1446 : vector<8x512xf32>
        %abs3A_1448 = math.absf %sub3A_1447 : vector<8x512xf32>
        %add3A_1449 = arith.addf %add3A_1338, %abs3A_1448 : vector<8x512xf32>
        %mul3A_1450 = arith.constant 8 : i32
        %mul3A_1451 = arith.muli %scan3A_11, %mul3A_1450 : i32
        %add3A_1452 = arith.constant 6 : i32
        %add3A_1453 = arith.addi %mul3A_1451, %add3A_1452 : i32
        %get3A_1454 = arith.index_cast %add3A_1453 : i32 to index
        %get3A_1455 = arith.constant 96 : index
        %get3A_1456 = arith.constant 0 : index
        %get3A_1457 = vector.load %arg9[%get3A_1454, %get3A_1455, %get3A_1456] : memref<128x256x1xf32, #tpu.memory_space<vmem>>, vector<1x8x1xf32>
        %get3A_1458 = vector.shape_cast %get3A_1457 : vector<1x8x1xf32> to vector<8x1xf32>
        %sub3A_1459 = vector.broadcast %get3A_1458 : vector<8x1xf32> to vector<8x512xf32>
        %sub3A_1460 = arith.subf %get3A_1371, %sub3A_1459 : vector<8x512xf32>
        %abs3A_1461 = math.absf %sub3A_1460 : vector<8x512xf32>
        %add3A_1462 = arith.addf %add3A_1351, %abs3A_1461 : vector<8x512xf32>
        %mul3A_1463 = arith.constant 8 : i32
        %mul3A_1464 = arith.muli %scan3A_11, %mul3A_1463 : i32
        %add3A_1465 = arith.constant 7 : i32
        %add3A_1466 = arith.addi %mul3A_1464, %add3A_1465 : i32
        %get3A_1467 = arith.index_cast %add3A_1466 : i32 to index
        %get3A_1468 = arith.constant 96 : index
        %get3A_1469 = arith.constant 0 : index
        %get3A_1470 = vector.load %arg9[%get3A_1467, %get3A_1468, %get3A_1469] : memref<128x256x1xf32, #tpu.memory_space<vmem>>, vector<1x8x1xf32>
        %get3A_1471 = vector.shape_cast %get3A_1470 : vector<1x8x1xf32> to vector<8x1xf32>
        %sub3A_1472 = vector.broadcast %get3A_1471 : vector<8x1xf32> to vector<8x512xf32>
        %sub3A_1473 = arith.subf %get3A_1371, %sub3A_1472 : vector<8x512xf32>
        %abs3A_1474 = math.absf %sub3A_1473 : vector<8x512xf32>
        %add3A_1475 = arith.addf %add3A_1364, %abs3A_1474 : vector<8x512xf32>
        %mul3A_1476 = arith.constant 512 : i32
        %mul3A_1477 = arith.muli %scan3A_17, %mul3A_1476 : i32
        %get3A_1478 = arith.constant 0 : index
        %get3A_1479 = arith.constant 104 : index
        %get3A_1480 = arith.index_cast %mul3A_1477 : i32 to index
        %get3A_1481 = vector.load %arg3[%get3A_1478, %get3A_1479, %get3A_1480] : memref<1x256x2048xf32, #tpu.memory_space<vmem>>, vector<1x8x512xf32>
        %get3A_1482 = vector.shape_cast %get3A_1481 : vector<1x8x512xf32> to vector<8x512xf32>
        %mul3A_1483 = arith.constant 8 : i32
        %mul3A_1484 = arith.muli %scan3A_11, %mul3A_1483 : i32
        %add3A_1485 = arith.constant 0 : i32
        %add3A_1486 = arith.addi %mul3A_1484, %add3A_1485 : i32
        %get3A_1487 = arith.index_cast %add3A_1486 : i32 to index
        %get3A_1488 = arith.constant 104 : index
        %get3A_1489 = arith.constant 0 : index
        %get3A_1490 = vector.load %arg9[%get3A_1487, %get3A_1488, %get3A_1489] : memref<128x256x1xf32, #tpu.memory_space<vmem>>, vector<1x8x1xf32>
        %get3A_1491 = vector.shape_cast %get3A_1490 : vector<1x8x1xf32> to vector<8x1xf32>
        %sub3A_1492 = vector.broadcast %get3A_1491 : vector<8x1xf32> to vector<8x512xf32>
        %sub3A_1493 = arith.subf %get3A_1482, %sub3A_1492 : vector<8x512xf32>
        %abs3A_1494 = math.absf %sub3A_1493 : vector<8x512xf32>
        %add3A_1495 = arith.addf %add3A_1384, %abs3A_1494 : vector<8x512xf32>
        %mul3A_1496 = arith.constant 8 : i32
        %mul3A_1497 = arith.muli %scan3A_11, %mul3A_1496 : i32
        %add3A_1498 = arith.constant 1 : i32
        %add3A_1499 = arith.addi %mul3A_1497, %add3A_1498 : i32
        %get3A_1500 = arith.index_cast %add3A_1499 : i32 to index
        %get3A_1501 = arith.constant 104 : index
        %get3A_1502 = arith.constant 0 : index
        %get3A_1503 = vector.load %arg9[%get3A_1500, %get3A_1501, %get3A_1502] : memref<128x256x1xf32, #tpu.memory_space<vmem>>, vector<1x8x1xf32>
        %get3A_1504 = vector.shape_cast %get3A_1503 : vector<1x8x1xf32> to vector<8x1xf32>
        %sub3A_1505 = vector.broadcast %get3A_1504 : vector<8x1xf32> to vector<8x512xf32>
        %sub3A_1506 = arith.subf %get3A_1482, %sub3A_1505 : vector<8x512xf32>
        %abs3A_1507 = math.absf %sub3A_1506 : vector<8x512xf32>
        %add3A_1508 = arith.addf %add3A_1397, %abs3A_1507 : vector<8x512xf32>
        %mul3A_1509 = arith.constant 8 : i32
        %mul3A_1510 = arith.muli %scan3A_11, %mul3A_1509 : i32
        %add3A_1511 = arith.constant 2 : i32
        %add3A_1512 = arith.addi %mul3A_1510, %add3A_1511 : i32
        %get3A_1513 = arith.index_cast %add3A_1512 : i32 to index
        %get3A_1514 = arith.constant 104 : index
        %get3A_1515 = arith.constant 0 : index
        %get3A_1516 = vector.load %arg9[%get3A_1513, %get3A_1514, %get3A_1515] : memref<128x256x1xf32, #tpu.memory_space<vmem>>, vector<1x8x1xf32>
        %get3A_1517 = vector.shape_cast %get3A_1516 : vector<1x8x1xf32> to vector<8x1xf32>
        %sub3A_1518 = vector.broadcast %get3A_1517 : vector<8x1xf32> to vector<8x512xf32>
        %sub3A_1519 = arith.subf %get3A_1482, %sub3A_1518 : vector<8x512xf32>
        %abs3A_1520 = math.absf %sub3A_1519 : vector<8x512xf32>
        %add3A_1521 = arith.addf %add3A_1410, %abs3A_1520 : vector<8x512xf32>
        %mul3A_1522 = arith.constant 8 : i32
        %mul3A_1523 = arith.muli %scan3A_11, %mul3A_1522 : i32
        %add3A_1524 = arith.constant 3 : i32
        %add3A_1525 = arith.addi %mul3A_1523, %add3A_1524 : i32
        %get3A_1526 = arith.index_cast %add3A_1525 : i32 to index
        %get3A_1527 = arith.constant 104 : index
        %get3A_1528 = arith.constant 0 : index
        %get3A_1529 = vector.load %arg9[%get3A_1526, %get3A_1527, %get3A_1528] : memref<128x256x1xf32, #tpu.memory_space<vmem>>, vector<1x8x1xf32>
        %get3A_1530 = vector.shape_cast %get3A_1529 : vector<1x8x1xf32> to vector<8x1xf32>
        %sub3A_1531 = vector.broadcast %get3A_1530 : vector<8x1xf32> to vector<8x512xf32>
        %sub3A_1532 = arith.subf %get3A_1482, %sub3A_1531 : vector<8x512xf32>
        %abs3A_1533 = math.absf %sub3A_1532 : vector<8x512xf32>
        %add3A_1534 = arith.addf %add3A_1423, %abs3A_1533 : vector<8x512xf32>
        %mul3A_1535 = arith.constant 8 : i32
        %mul3A_1536 = arith.muli %scan3A_11, %mul3A_1535 : i32
        %add3A_1537 = arith.constant 4 : i32
        %add3A_1538 = arith.addi %mul3A_1536, %add3A_1537 : i32
        %get3A_1539 = arith.index_cast %add3A_1538 : i32 to index
        %get3A_1540 = arith.constant 104 : index
        %get3A_1541 = arith.constant 0 : index
        %get3A_1542 = vector.load %arg9[%get3A_1539, %get3A_1540, %get3A_1541] : memref<128x256x1xf32, #tpu.memory_space<vmem>>, vector<1x8x1xf32>
        %get3A_1543 = vector.shape_cast %get3A_1542 : vector<1x8x1xf32> to vector<8x1xf32>
        %sub3A_1544 = vector.broadcast %get3A_1543 : vector<8x1xf32> to vector<8x512xf32>
        %sub3A_1545 = arith.subf %get3A_1482, %sub3A_1544 : vector<8x512xf32>
        %abs3A_1546 = math.absf %sub3A_1545 : vector<8x512xf32>
        %add3A_1547 = arith.addf %add3A_1436, %abs3A_1546 : vector<8x512xf32>
        %mul3A_1548 = arith.constant 8 : i32
        %mul3A_1549 = arith.muli %scan3A_11, %mul3A_1548 : i32
        %add3A_1550 = arith.constant 5 : i32
        %add3A_1551 = arith.addi %mul3A_1549, %add3A_1550 : i32
        %get3A_1552 = arith.index_cast %add3A_1551 : i32 to index
        %get3A_1553 = arith.constant 104 : index
        %get3A_1554 = arith.constant 0 : index
        %get3A_1555 = vector.load %arg9[%get3A_1552, %get3A_1553, %get3A_1554] : memref<128x256x1xf32, #tpu.memory_space<vmem>>, vector<1x8x1xf32>
        %get3A_1556 = vector.shape_cast %get3A_1555 : vector<1x8x1xf32> to vector<8x1xf32>
        %sub3A_1557 = vector.broadcast %get3A_1556 : vector<8x1xf32> to vector<8x512xf32>
        %sub3A_1558 = arith.subf %get3A_1482, %sub3A_1557 : vector<8x512xf32>
        %abs3A_1559 = math.absf %sub3A_1558 : vector<8x512xf32>
        %add3A_1560 = arith.addf %add3A_1449, %abs3A_1559 : vector<8x512xf32>
        %mul3A_1561 = arith.constant 8 : i32
        %mul3A_1562 = arith.muli %scan3A_11, %mul3A_1561 : i32
        %add3A_1563 = arith.constant 6 : i32
        %add3A_1564 = arith.addi %mul3A_1562, %add3A_1563 : i32
        %get3A_1565 = arith.index_cast %add3A_1564 : i32 to index
        %get3A_1566 = arith.constant 104 : index
        %get3A_1567 = arith.constant 0 : index
        %get3A_1568 = vector.load %arg9[%get3A_1565, %get3A_1566, %get3A_1567] : memref<128x256x1xf32, #tpu.memory_space<vmem>>, vector<1x8x1xf32>
        %get3A_1569 = vector.shape_cast %get3A_1568 : vector<1x8x1xf32> to vector<8x1xf32>
        %sub3A_1570 = vector.broadcast %get3A_1569 : vector<8x1xf32> to vector<8x512xf32>
        %sub3A_1571 = arith.subf %get3A_1482, %sub3A_1570 : vector<8x512xf32>
        %abs3A_1572 = math.absf %sub3A_1571 : vector<8x512xf32>
        %add3A_1573 = arith.addf %add3A_1462, %abs3A_1572 : vector<8x512xf32>
        %mul3A_1574 = arith.constant 8 : i32
        %mul3A_1575 = arith.muli %scan3A_11, %mul3A_1574 : i32
        %add3A_1576 = arith.constant 7 : i32
        %add3A_1577 = arith.addi %mul3A_1575, %add3A_1576 : i32
        %get3A_1578 = arith.index_cast %add3A_1577 : i32 to index
        %get3A_1579 = arith.constant 104 : index
        %get3A_1580 = arith.constant 0 : index
        %get3A_1581 = vector.load %arg9[%get3A_1578, %get3A_1579, %get3A_1580] : memref<128x256x1xf32, #tpu.memory_space<vmem>>, vector<1x8x1xf32>
        %get3A_1582 = vector.shape_cast %get3A_1581 : vector<1x8x1xf32> to vector<8x1xf32>
        %sub3A_1583 = vector.broadcast %get3A_1582 : vector<8x1xf32> to vector<8x512xf32>
        %sub3A_1584 = arith.subf %get3A_1482, %sub3A_1583 : vector<8x512xf32>
        %abs3A_1585 = math.absf %sub3A_1584 : vector<8x512xf32>
        %add3A_1586 = arith.addf %add3A_1475, %abs3A_1585 : vector<8x512xf32>
        %mul3A_1587 = arith.constant 512 : i32
        %mul3A_1588 = arith.muli %scan3A_17, %mul3A_1587 : i32
        %get3A_1589 = arith.constant 0 : index
        %get3A_1590 = arith.constant 112 : index
        %get3A_1591 = arith.index_cast %mul3A_1588 : i32 to index
        %get3A_1592 = vector.load %arg3[%get3A_1589, %get3A_1590, %get3A_1591] : memref<1x256x2048xf32, #tpu.memory_space<vmem>>, vector<1x8x512xf32>
        %get3A_1593 = vector.shape_cast %get3A_1592 : vector<1x8x512xf32> to vector<8x512xf32>
        %mul3A_1594 = arith.constant 8 : i32
        %mul3A_1595 = arith.muli %scan3A_11, %mul3A_1594 : i32
        %add3A_1596 = arith.constant 0 : i32
        %add3A_1597 = arith.addi %mul3A_1595, %add3A_1596 : i32
        %get3A_1598 = arith.index_cast %add3A_1597 : i32 to index
        %get3A_1599 = arith.constant 112 : index
        %get3A_1600 = arith.constant 0 : index
        %get3A_1601 = vector.load %arg9[%get3A_1598, %get3A_1599, %get3A_1600] : memref<128x256x1xf32, #tpu.memory_space<vmem>>, vector<1x8x1xf32>
        %get3A_1602 = vector.shape_cast %get3A_1601 : vector<1x8x1xf32> to vector<8x1xf32>
        %sub3A_1603 = vector.broadcast %get3A_1602 : vector<8x1xf32> to vector<8x512xf32>
        %sub3A_1604 = arith.subf %get3A_1593, %sub3A_1603 : vector<8x512xf32>
        %abs3A_1605 = math.absf %sub3A_1604 : vector<8x512xf32>
        %add3A_1606 = arith.addf %add3A_1495, %abs3A_1605 : vector<8x512xf32>
        %mul3A_1607 = arith.constant 8 : i32
        %mul3A_1608 = arith.muli %scan3A_11, %mul3A_1607 : i32
        %add3A_1609 = arith.constant 1 : i32
        %add3A_1610 = arith.addi %mul3A_1608, %add3A_1609 : i32
        %get3A_1611 = arith.index_cast %add3A_1610 : i32 to index
        %get3A_1612 = arith.constant 112 : index
        %get3A_1613 = arith.constant 0 : index
        %get3A_1614 = vector.load %arg9[%get3A_1611, %get3A_1612, %get3A_1613] : memref<128x256x1xf32, #tpu.memory_space<vmem>>, vector<1x8x1xf32>
        %get3A_1615 = vector.shape_cast %get3A_1614 : vector<1x8x1xf32> to vector<8x1xf32>
        %sub3A_1616 = vector.broadcast %get3A_1615 : vector<8x1xf32> to vector<8x512xf32>
        %sub3A_1617 = arith.subf %get3A_1593, %sub3A_1616 : vector<8x512xf32>
        %abs3A_1618 = math.absf %sub3A_1617 : vector<8x512xf32>
        %add3A_1619 = arith.addf %add3A_1508, %abs3A_1618 : vector<8x512xf32>
        %mul3A_1620 = arith.constant 8 : i32
        %mul3A_1621 = arith.muli %scan3A_11, %mul3A_1620 : i32
        %add3A_1622 = arith.constant 2 : i32
        %add3A_1623 = arith.addi %mul3A_1621, %add3A_1622 : i32
        %get3A_1624 = arith.index_cast %add3A_1623 : i32 to index
        %get3A_1625 = arith.constant 112 : index
        %get3A_1626 = arith.constant 0 : index
        %get3A_1627 = vector.load %arg9[%get3A_1624, %get3A_1625, %get3A_1626] : memref<128x256x1xf32, #tpu.memory_space<vmem>>, vector<1x8x1xf32>
        %get3A_1628 = vector.shape_cast %get3A_1627 : vector<1x8x1xf32> to vector<8x1xf32>
        %sub3A_1629 = vector.broadcast %get3A_1628 : vector<8x1xf32> to vector<8x512xf32>
        %sub3A_1630 = arith.subf %get3A_1593, %sub3A_1629 : vector<8x512xf32>
        %abs3A_1631 = math.absf %sub3A_1630 : vector<8x512xf32>
        %add3A_1632 = arith.addf %add3A_1521, %abs3A_1631 : vector<8x512xf32>
        %mul3A_1633 = arith.constant 8 : i32
        %mul3A_1634 = arith.muli %scan3A_11, %mul3A_1633 : i32
        %add3A_1635 = arith.constant 3 : i32
        %add3A_1636 = arith.addi %mul3A_1634, %add3A_1635 : i32
        %get3A_1637 = arith.index_cast %add3A_1636 : i32 to index
        %get3A_1638 = arith.constant 112 : index
        %get3A_1639 = arith.constant 0 : index
        %get3A_1640 = vector.load %arg9[%get3A_1637, %get3A_1638, %get3A_1639] : memref<128x256x1xf32, #tpu.memory_space<vmem>>, vector<1x8x1xf32>
        %get3A_1641 = vector.shape_cast %get3A_1640 : vector<1x8x1xf32> to vector<8x1xf32>
        %sub3A_1642 = vector.broadcast %get3A_1641 : vector<8x1xf32> to vector<8x512xf32>
        %sub3A_1643 = arith.subf %get3A_1593, %sub3A_1642 : vector<8x512xf32>
        %abs3A_1644 = math.absf %sub3A_1643 : vector<8x512xf32>
        %add3A_1645 = arith.addf %add3A_1534, %abs3A_1644 : vector<8x512xf32>
        %mul3A_1646 = arith.constant 8 : i32
        %mul3A_1647 = arith.muli %scan3A_11, %mul3A_1646 : i32
        %add3A_1648 = arith.constant 4 : i32
        %add3A_1649 = arith.addi %mul3A_1647, %add3A_1648 : i32
        %get3A_1650 = arith.index_cast %add3A_1649 : i32 to index
        %get3A_1651 = arith.constant 112 : index
        %get3A_1652 = arith.constant 0 : index
        %get3A_1653 = vector.load %arg9[%get3A_1650, %get3A_1651, %get3A_1652] : memref<128x256x1xf32, #tpu.memory_space<vmem>>, vector<1x8x1xf32>
        %get3A_1654 = vector.shape_cast %get3A_1653 : vector<1x8x1xf32> to vector<8x1xf32>
        %sub3A_1655 = vector.broadcast %get3A_1654 : vector<8x1xf32> to vector<8x512xf32>
        %sub3A_1656 = arith.subf %get3A_1593, %sub3A_1655 : vector<8x512xf32>
        %abs3A_1657 = math.absf %sub3A_1656 : vector<8x512xf32>
        %add3A_1658 = arith.addf %add3A_1547, %abs3A_1657 : vector<8x512xf32>
        %mul3A_1659 = arith.constant 8 : i32
        %mul3A_1660 = arith.muli %scan3A_11, %mul3A_1659 : i32
        %add3A_1661 = arith.constant 5 : i32
        %add3A_1662 = arith.addi %mul3A_1660, %add3A_1661 : i32
        %get3A_1663 = arith.index_cast %add3A_1662 : i32 to index
        %get3A_1664 = arith.constant 112 : index
        %get3A_1665 = arith.constant 0 : index
        %get3A_1666 = vector.load %arg9[%get3A_1663, %get3A_1664, %get3A_1665] : memref<128x256x1xf32, #tpu.memory_space<vmem>>, vector<1x8x1xf32>
        %get3A_1667 = vector.shape_cast %get3A_1666 : vector<1x8x1xf32> to vector<8x1xf32>
        %sub3A_1668 = vector.broadcast %get3A_1667 : vector<8x1xf32> to vector<8x512xf32>
        %sub3A_1669 = arith.subf %get3A_1593, %sub3A_1668 : vector<8x512xf32>
        %abs3A_1670 = math.absf %sub3A_1669 : vector<8x512xf32>
        %add3A_1671 = arith.addf %add3A_1560, %abs3A_1670 : vector<8x512xf32>
        %mul3A_1672 = arith.constant 8 : i32
        %mul3A_1673 = arith.muli %scan3A_11, %mul3A_1672 : i32
        %add3A_1674 = arith.constant 6 : i32
        %add3A_1675 = arith.addi %mul3A_1673, %add3A_1674 : i32
        %get3A_1676 = arith.index_cast %add3A_1675 : i32 to index
        %get3A_1677 = arith.constant 112 : index
        %get3A_1678 = arith.constant 0 : index
        %get3A_1679 = vector.load %arg9[%get3A_1676, %get3A_1677, %get3A_1678] : memref<128x256x1xf32, #tpu.memory_space<vmem>>, vector<1x8x1xf32>
        %get3A_1680 = vector.shape_cast %get3A_1679 : vector<1x8x1xf32> to vector<8x1xf32>
        %sub3A_1681 = vector.broadcast %get3A_1680 : vector<8x1xf32> to vector<8x512xf32>
        %sub3A_1682 = arith.subf %get3A_1593, %sub3A_1681 : vector<8x512xf32>
        %abs3A_1683 = math.absf %sub3A_1682 : vector<8x512xf32>
        %add3A_1684 = arith.addf %add3A_1573, %abs3A_1683 : vector<8x512xf32>
        %mul3A_1685 = arith.constant 8 : i32
        %mul3A_1686 = arith.muli %scan3A_11, %mul3A_1685 : i32
        %add3A_1687 = arith.constant 7 : i32
        %add3A_1688 = arith.addi %mul3A_1686, %add3A_1687 : i32
        %get3A_1689 = arith.index_cast %add3A_1688 : i32 to index
        %get3A_1690 = arith.constant 112 : index
        %get3A_1691 = arith.constant 0 : index
        %get3A_1692 = vector.load %arg9[%get3A_1689, %get3A_1690, %get3A_1691] : memref<128x256x1xf32, #tpu.memory_space<vmem>>, vector<1x8x1xf32>
        %get3A_1693 = vector.shape_cast %get3A_1692 : vector<1x8x1xf32> to vector<8x1xf32>
        %sub3A_1694 = vector.broadcast %get3A_1693 : vector<8x1xf32> to vector<8x512xf32>
        %sub3A_1695 = arith.subf %get3A_1593, %sub3A_1694 : vector<8x512xf32>
        %abs3A_1696 = math.absf %sub3A_1695 : vector<8x512xf32>
        %add3A_1697 = arith.addf %add3A_1586, %abs3A_1696 : vector<8x512xf32>
        %mul3A_1698 = arith.constant 512 : i32
        %mul3A_1699 = arith.muli %scan3A_17, %mul3A_1698 : i32
        %get3A_1700 = arith.constant 0 : index
        %get3A_1701 = arith.constant 120 : index
        %get3A_1702 = arith.index_cast %mul3A_1699 : i32 to index
        %get3A_1703 = vector.load %arg3[%get3A_1700, %get3A_1701, %get3A_1702] : memref<1x256x2048xf32, #tpu.memory_space<vmem>>, vector<1x8x512xf32>
        %get3A_1704 = vector.shape_cast %get3A_1703 : vector<1x8x512xf32> to vector<8x512xf32>
        %mul3A_1705 = arith.constant 8 : i32
        %mul3A_1706 = arith.muli %scan3A_11, %mul3A_1705 : i32
        %add3A_1707 = arith.constant 0 : i32
        %add3A_1708 = arith.addi %mul3A_1706, %add3A_1707 : i32
        %get3A_1709 = arith.index_cast %add3A_1708 : i32 to index
        %get3A_1710 = arith.constant 120 : index
        %get3A_1711 = arith.constant 0 : index
        %get3A_1712 = vector.load %arg9[%get3A_1709, %get3A_1710, %get3A_1711] : memref<128x256x1xf32, #tpu.memory_space<vmem>>, vector<1x8x1xf32>
        %get3A_1713 = vector.shape_cast %get3A_1712 : vector<1x8x1xf32> to vector<8x1xf32>
        %sub3A_1714 = vector.broadcast %get3A_1713 : vector<8x1xf32> to vector<8x512xf32>
        %sub3A_1715 = arith.subf %get3A_1704, %sub3A_1714 : vector<8x512xf32>
        %abs3A_1716 = math.absf %sub3A_1715 : vector<8x512xf32>
        %add3A_1717 = arith.addf %add3A_1606, %abs3A_1716 : vector<8x512xf32>
        %mul3A_1718 = arith.constant 8 : i32
        %mul3A_1719 = arith.muli %scan3A_11, %mul3A_1718 : i32
        %add3A_1720 = arith.constant 1 : i32
        %add3A_1721 = arith.addi %mul3A_1719, %add3A_1720 : i32
        %get3A_1722 = arith.index_cast %add3A_1721 : i32 to index
        %get3A_1723 = arith.constant 120 : index
        %get3A_1724 = arith.constant 0 : index
        %get3A_1725 = vector.load %arg9[%get3A_1722, %get3A_1723, %get3A_1724] : memref<128x256x1xf32, #tpu.memory_space<vmem>>, vector<1x8x1xf32>
        %get3A_1726 = vector.shape_cast %get3A_1725 : vector<1x8x1xf32> to vector<8x1xf32>
        %sub3A_1727 = vector.broadcast %get3A_1726 : vector<8x1xf32> to vector<8x512xf32>
        %sub3A_1728 = arith.subf %get3A_1704, %sub3A_1727 : vector<8x512xf32>
        %abs3A_1729 = math.absf %sub3A_1728 : vector<8x512xf32>
        %add3A_1730 = arith.addf %add3A_1619, %abs3A_1729 : vector<8x512xf32>
        %mul3A_1731 = arith.constant 8 : i32
        %mul3A_1732 = arith.muli %scan3A_11, %mul3A_1731 : i32
        %add3A_1733 = arith.constant 2 : i32
        %add3A_1734 = arith.addi %mul3A_1732, %add3A_1733 : i32
        %get3A_1735 = arith.index_cast %add3A_1734 : i32 to index
        %get3A_1736 = arith.constant 120 : index
        %get3A_1737 = arith.constant 0 : index
        %get3A_1738 = vector.load %arg9[%get3A_1735, %get3A_1736, %get3A_1737] : memref<128x256x1xf32, #tpu.memory_space<vmem>>, vector<1x8x1xf32>
        %get3A_1739 = vector.shape_cast %get3A_1738 : vector<1x8x1xf32> to vector<8x1xf32>
        %sub3A_1740 = vector.broadcast %get3A_1739 : vector<8x1xf32> to vector<8x512xf32>
        %sub3A_1741 = arith.subf %get3A_1704, %sub3A_1740 : vector<8x512xf32>
        %abs3A_1742 = math.absf %sub3A_1741 : vector<8x512xf32>
        %add3A_1743 = arith.addf %add3A_1632, %abs3A_1742 : vector<8x512xf32>
        %mul3A_1744 = arith.constant 8 : i32
        %mul3A_1745 = arith.muli %scan3A_11, %mul3A_1744 : i32
        %add3A_1746 = arith.constant 3 : i32
        %add3A_1747 = arith.addi %mul3A_1745, %add3A_1746 : i32
        %get3A_1748 = arith.index_cast %add3A_1747 : i32 to index
        %get3A_1749 = arith.constant 120 : index
        %get3A_1750 = arith.constant 0 : index
        %get3A_1751 = vector.load %arg9[%get3A_1748, %get3A_1749, %get3A_1750] : memref<128x256x1xf32, #tpu.memory_space<vmem>>, vector<1x8x1xf32>
        %get3A_1752 = vector.shape_cast %get3A_1751 : vector<1x8x1xf32> to vector<8x1xf32>
        %sub3A_1753 = vector.broadcast %get3A_1752 : vector<8x1xf32> to vector<8x512xf32>
        %sub3A_1754 = arith.subf %get3A_1704, %sub3A_1753 : vector<8x512xf32>
        %abs3A_1755 = math.absf %sub3A_1754 : vector<8x512xf32>
        %add3A_1756 = arith.addf %add3A_1645, %abs3A_1755 : vector<8x512xf32>
        %mul3A_1757 = arith.constant 8 : i32
        %mul3A_1758 = arith.muli %scan3A_11, %mul3A_1757 : i32
        %add3A_1759 = arith.constant 4 : i32
        %add3A_1760 = arith.addi %mul3A_1758, %add3A_1759 : i32
        %get3A_1761 = arith.index_cast %add3A_1760 : i32 to index
        %get3A_1762 = arith.constant 120 : index
        %get3A_1763 = arith.constant 0 : index
        %get3A_1764 = vector.load %arg9[%get3A_1761, %get3A_1762, %get3A_1763] : memref<128x256x1xf32, #tpu.memory_space<vmem>>, vector<1x8x1xf32>
        %get3A_1765 = vector.shape_cast %get3A_1764 : vector<1x8x1xf32> to vector<8x1xf32>
        %sub3A_1766 = vector.broadcast %get3A_1765 : vector<8x1xf32> to vector<8x512xf32>
        %sub3A_1767 = arith.subf %get3A_1704, %sub3A_1766 : vector<8x512xf32>
        %abs3A_1768 = math.absf %sub3A_1767 : vector<8x512xf32>
        %add3A_1769 = arith.addf %add3A_1658, %abs3A_1768 : vector<8x512xf32>
        %mul3A_1770 = arith.constant 8 : i32
        %mul3A_1771 = arith.muli %scan3A_11, %mul3A_1770 : i32
        %add3A_1772 = arith.constant 5 : i32
        %add3A_1773 = arith.addi %mul3A_1771, %add3A_1772 : i32
        %get3A_1774 = arith.index_cast %add3A_1773 : i32 to index
        %get3A_1775 = arith.constant 120 : index
        %get3A_1776 = arith.constant 0 : index
        %get3A_1777 = vector.load %arg9[%get3A_1774, %get3A_1775, %get3A_1776] : memref<128x256x1xf32, #tpu.memory_space<vmem>>, vector<1x8x1xf32>
        %get3A_1778 = vector.shape_cast %get3A_1777 : vector<1x8x1xf32> to vector<8x1xf32>
        %sub3A_1779 = vector.broadcast %get3A_1778 : vector<8x1xf32> to vector<8x512xf32>
        %sub3A_1780 = arith.subf %get3A_1704, %sub3A_1779 : vector<8x512xf32>
        %abs3A_1781 = math.absf %sub3A_1780 : vector<8x512xf32>
        %add3A_1782 = arith.addf %add3A_1671, %abs3A_1781 : vector<8x512xf32>
        %mul3A_1783 = arith.constant 8 : i32
        %mul3A_1784 = arith.muli %scan3A_11, %mul3A_1783 : i32
        %add3A_1785 = arith.constant 6 : i32
        %add3A_1786 = arith.addi %mul3A_1784, %add3A_1785 : i32
        %get3A_1787 = arith.index_cast %add3A_1786 : i32 to index
        %get3A_1788 = arith.constant 120 : index
        %get3A_1789 = arith.constant 0 : index
        %get3A_1790 = vector.load %arg9[%get3A_1787, %get3A_1788, %get3A_1789] : memref<128x256x1xf32, #tpu.memory_space<vmem>>, vector<1x8x1xf32>
        %get3A_1791 = vector.shape_cast %get3A_1790 : vector<1x8x1xf32> to vector<8x1xf32>
        %sub3A_1792 = vector.broadcast %get3A_1791 : vector<8x1xf32> to vector<8x512xf32>
        %sub3A_1793 = arith.subf %get3A_1704, %sub3A_1792 : vector<8x512xf32>
        %abs3A_1794 = math.absf %sub3A_1793 : vector<8x512xf32>
        %add3A_1795 = arith.addf %add3A_1684, %abs3A_1794 : vector<8x512xf32>
        %mul3A_1796 = arith.constant 8 : i32
        %mul3A_1797 = arith.muli %scan3A_11, %mul3A_1796 : i32
        %add3A_1798 = arith.constant 7 : i32
        %add3A_1799 = arith.addi %mul3A_1797, %add3A_1798 : i32
        %get3A_1800 = arith.index_cast %add3A_1799 : i32 to index
        %get3A_1801 = arith.constant 120 : index
        %get3A_1802 = arith.constant 0 : index
        %get3A_1803 = vector.load %arg9[%get3A_1800, %get3A_1801, %get3A_1802] : memref<128x256x1xf32, #tpu.memory_space<vmem>>, vector<1x8x1xf32>
        %get3A_1804 = vector.shape_cast %get3A_1803 : vector<1x8x1xf32> to vector<8x1xf32>
        %sub3A_1805 = vector.broadcast %get3A_1804 : vector<8x1xf32> to vector<8x512xf32>
        %sub3A_1806 = arith.subf %get3A_1704, %sub3A_1805 : vector<8x512xf32>
        %abs3A_1807 = math.absf %sub3A_1806 : vector<8x512xf32>
        %add3A_1808 = arith.addf %add3A_1697, %abs3A_1807 : vector<8x512xf32>
        %mul3A_1809 = arith.constant 512 : i32
        %mul3A_1810 = arith.muli %scan3A_17, %mul3A_1809 : i32
        %get3A_1811 = arith.constant 0 : index
        %get3A_1812 = arith.constant 128 : index
        %get3A_1813 = arith.index_cast %mul3A_1810 : i32 to index
        %get3A_1814 = vector.load %arg3[%get3A_1811, %get3A_1812, %get3A_1813] : memref<1x256x2048xf32, #tpu.memory_space<vmem>>, vector<1x8x512xf32>
        %get3A_1815 = vector.shape_cast %get3A_1814 : vector<1x8x512xf32> to vector<8x512xf32>
        %mul3A_1816 = arith.constant 8 : i32
        %mul3A_1817 = arith.muli %scan3A_11, %mul3A_1816 : i32
        %add3A_1818 = arith.constant 0 : i32
        %add3A_1819 = arith.addi %mul3A_1817, %add3A_1818 : i32
        %get3A_1820 = arith.index_cast %add3A_1819 : i32 to index
        %get3A_1821 = arith.constant 128 : index
        %get3A_1822 = arith.constant 0 : index
        %get3A_1823 = vector.load %arg9[%get3A_1820, %get3A_1821, %get3A_1822] : memref<128x256x1xf32, #tpu.memory_space<vmem>>, vector<1x8x1xf32>
        %get3A_1824 = vector.shape_cast %get3A_1823 : vector<1x8x1xf32> to vector<8x1xf32>
        %sub3A_1825 = vector.broadcast %get3A_1824 : vector<8x1xf32> to vector<8x512xf32>
        %sub3A_1826 = arith.subf %get3A_1815, %sub3A_1825 : vector<8x512xf32>
        %abs3A_1827 = math.absf %sub3A_1826 : vector<8x512xf32>
        %add3A_1828 = arith.addf %add3A_1717, %abs3A_1827 : vector<8x512xf32>
        %mul3A_1829 = arith.constant 8 : i32
        %mul3A_1830 = arith.muli %scan3A_11, %mul3A_1829 : i32
        %add3A_1831 = arith.constant 1 : i32
        %add3A_1832 = arith.addi %mul3A_1830, %add3A_1831 : i32
        %get3A_1833 = arith.index_cast %add3A_1832 : i32 to index
        %get3A_1834 = arith.constant 128 : index
        %get3A_1835 = arith.constant 0 : index
        %get3A_1836 = vector.load %arg9[%get3A_1833, %get3A_1834, %get3A_1835] : memref<128x256x1xf32, #tpu.memory_space<vmem>>, vector<1x8x1xf32>
        %get3A_1837 = vector.shape_cast %get3A_1836 : vector<1x8x1xf32> to vector<8x1xf32>
        %sub3A_1838 = vector.broadcast %get3A_1837 : vector<8x1xf32> to vector<8x512xf32>
        %sub3A_1839 = arith.subf %get3A_1815, %sub3A_1838 : vector<8x512xf32>
        %abs3A_1840 = math.absf %sub3A_1839 : vector<8x512xf32>
        %add3A_1841 = arith.addf %add3A_1730, %abs3A_1840 : vector<8x512xf32>
        %mul3A_1842 = arith.constant 8 : i32
        %mul3A_1843 = arith.muli %scan3A_11, %mul3A_1842 : i32
        %add3A_1844 = arith.constant 2 : i32
        %add3A_1845 = arith.addi %mul3A_1843, %add3A_1844 : i32
        %get3A_1846 = arith.index_cast %add3A_1845 : i32 to index
        %get3A_1847 = arith.constant 128 : index
        %get3A_1848 = arith.constant 0 : index
        %get3A_1849 = vector.load %arg9[%get3A_1846, %get3A_1847, %get3A_1848] : memref<128x256x1xf32, #tpu.memory_space<vmem>>, vector<1x8x1xf32>
        %get3A_1850 = vector.shape_cast %get3A_1849 : vector<1x8x1xf32> to vector<8x1xf32>
        %sub3A_1851 = vector.broadcast %get3A_1850 : vector<8x1xf32> to vector<8x512xf32>
        %sub3A_1852 = arith.subf %get3A_1815, %sub3A_1851 : vector<8x512xf32>
        %abs3A_1853 = math.absf %sub3A_1852 : vector<8x512xf32>
        %add3A_1854 = arith.addf %add3A_1743, %abs3A_1853 : vector<8x512xf32>
        %mul3A_1855 = arith.constant 8 : i32
        %mul3A_1856 = arith.muli %scan3A_11, %mul3A_1855 : i32
        %add3A_1857 = arith.constant 3 : i32
        %add3A_1858 = arith.addi %mul3A_1856, %add3A_1857 : i32
        %get3A_1859 = arith.index_cast %add3A_1858 : i32 to index
        %get3A_1860 = arith.constant 128 : index
        %get3A_1861 = arith.constant 0 : index
        %get3A_1862 = vector.load %arg9[%get3A_1859, %get3A_1860, %get3A_1861] : memref<128x256x1xf32, #tpu.memory_space<vmem>>, vector<1x8x1xf32>
        %get3A_1863 = vector.shape_cast %get3A_1862 : vector<1x8x1xf32> to vector<8x1xf32>
        %sub3A_1864 = vector.broadcast %get3A_1863 : vector<8x1xf32> to vector<8x512xf32>
        %sub3A_1865 = arith.subf %get3A_1815, %sub3A_1864 : vector<8x512xf32>
        %abs3A_1866 = math.absf %sub3A_1865 : vector<8x512xf32>
        %add3A_1867 = arith.addf %add3A_1756, %abs3A_1866 : vector<8x512xf32>
        %mul3A_1868 = arith.constant 8 : i32
        %mul3A_1869 = arith.muli %scan3A_11, %mul3A_1868 : i32
        %add3A_1870 = arith.constant 4 : i32
        %add3A_1871 = arith.addi %mul3A_1869, %add3A_1870 : i32
        %get3A_1872 = arith.index_cast %add3A_1871 : i32 to index
        %get3A_1873 = arith.constant 128 : index
        %get3A_1874 = arith.constant 0 : index
        %get3A_1875 = vector.load %arg9[%get3A_1872, %get3A_1873, %get3A_1874] : memref<128x256x1xf32, #tpu.memory_space<vmem>>, vector<1x8x1xf32>
        %get3A_1876 = vector.shape_cast %get3A_1875 : vector<1x8x1xf32> to vector<8x1xf32>
        %sub3A_1877 = vector.broadcast %get3A_1876 : vector<8x1xf32> to vector<8x512xf32>
        %sub3A_1878 = arith.subf %get3A_1815, %sub3A_1877 : vector<8x512xf32>
        %abs3A_1879 = math.absf %sub3A_1878 : vector<8x512xf32>
        %add3A_1880 = arith.addf %add3A_1769, %abs3A_1879 : vector<8x512xf32>
        %mul3A_1881 = arith.constant 8 : i32
        %mul3A_1882 = arith.muli %scan3A_11, %mul3A_1881 : i32
        %add3A_1883 = arith.constant 5 : i32
        %add3A_1884 = arith.addi %mul3A_1882, %add3A_1883 : i32
        %get3A_1885 = arith.index_cast %add3A_1884 : i32 to index
        %get3A_1886 = arith.constant 128 : index
        %get3A_1887 = arith.constant 0 : index
        %get3A_1888 = vector.load %arg9[%get3A_1885, %get3A_1886, %get3A_1887] : memref<128x256x1xf32, #tpu.memory_space<vmem>>, vector<1x8x1xf32>
        %get3A_1889 = vector.shape_cast %get3A_1888 : vector<1x8x1xf32> to vector<8x1xf32>
        %sub3A_1890 = vector.broadcast %get3A_1889 : vector<8x1xf32> to vector<8x512xf32>
        %sub3A_1891 = arith.subf %get3A_1815, %sub3A_1890 : vector<8x512xf32>
        %abs3A_1892 = math.absf %sub3A_1891 : vector<8x512xf32>
        %add3A_1893 = arith.addf %add3A_1782, %abs3A_1892 : vector<8x512xf32>
        %mul3A_1894 = arith.constant 8 : i32
        %mul3A_1895 = arith.muli %scan3A_11, %mul3A_1894 : i32
        %add3A_1896 = arith.constant 6 : i32
        %add3A_1897 = arith.addi %mul3A_1895, %add3A_1896 : i32
        %get3A_1898 = arith.index_cast %add3A_1897 : i32 to index
        %get3A_1899 = arith.constant 128 : index
        %get3A_1900 = arith.constant 0 : index
        %get3A_1901 = vector.load %arg9[%get3A_1898, %get3A_1899, %get3A_1900] : memref<128x256x1xf32, #tpu.memory_space<vmem>>, vector<1x8x1xf32>
        %get3A_1902 = vector.shape_cast %get3A_1901 : vector<1x8x1xf32> to vector<8x1xf32>
        %sub3A_1903 = vector.broadcast %get3A_1902 : vector<8x1xf32> to vector<8x512xf32>
        %sub3A_1904 = arith.subf %get3A_1815, %sub3A_1903 : vector<8x512xf32>
        %abs3A_1905 = math.absf %sub3A_1904 : vector<8x512xf32>
        %add3A_1906 = arith.addf %add3A_1795, %abs3A_1905 : vector<8x512xf32>
        %mul3A_1907 = arith.constant 8 : i32
        %mul3A_1908 = arith.muli %scan3A_11, %mul3A_1907 : i32
        %add3A_1909 = arith.constant 7 : i32
        %add3A_1910 = arith.addi %mul3A_1908, %add3A_1909 : i32
        %get3A_1911 = arith.index_cast %add3A_1910 : i32 to index
        %get3A_1912 = arith.constant 128 : index
        %get3A_1913 = arith.constant 0 : index
        %get3A_1914 = vector.load %arg9[%get3A_1911, %get3A_1912, %get3A_1913] : memref<128x256x1xf32, #tpu.memory_space<vmem>>, vector<1x8x1xf32>
        %get3A_1915 = vector.shape_cast %get3A_1914 : vector<1x8x1xf32> to vector<8x1xf32>
        %sub3A_1916 = vector.broadcast %get3A_1915 : vector<8x1xf32> to vector<8x512xf32>
        %sub3A_1917 = arith.subf %get3A_1815, %sub3A_1916 : vector<8x512xf32>
        %abs3A_1918 = math.absf %sub3A_1917 : vector<8x512xf32>
        %add3A_1919 = arith.addf %add3A_1808, %abs3A_1918 : vector<8x512xf32>
        %mul3A_1920 = arith.constant 512 : i32
        %mul3A_1921 = arith.muli %scan3A_17, %mul3A_1920 : i32
        %get3A_1922 = arith.constant 0 : index
        %get3A_1923 = arith.constant 136 : index
        %get3A_1924 = arith.index_cast %mul3A_1921 : i32 to index
        %get3A_1925 = vector.load %arg3[%get3A_1922, %get3A_1923, %get3A_1924] : memref<1x256x2048xf32, #tpu.memory_space<vmem>>, vector<1x8x512xf32>
        %get3A_1926 = vector.shape_cast %get3A_1925 : vector<1x8x512xf32> to vector<8x512xf32>
        %mul3A_1927 = arith.constant 8 : i32
        %mul3A_1928 = arith.muli %scan3A_11, %mul3A_1927 : i32
        %add3A_1929 = arith.constant 0 : i32
        %add3A_1930 = arith.addi %mul3A_1928, %add3A_1929 : i32
        %get3A_1931 = arith.index_cast %add3A_1930 : i32 to index
        %get3A_1932 = arith.constant 136 : index
        %get3A_1933 = arith.constant 0 : index
        %get3A_1934 = vector.load %arg9[%get3A_1931, %get3A_1932, %get3A_1933] : memref<128x256x1xf32, #tpu.memory_space<vmem>>, vector<1x8x1xf32>
        %get3A_1935 = vector.shape_cast %get3A_1934 : vector<1x8x1xf32> to vector<8x1xf32>
        %sub3A_1936 = vector.broadcast %get3A_1935 : vector<8x1xf32> to vector<8x512xf32>
        %sub3A_1937 = arith.subf %get3A_1926, %sub3A_1936 : vector<8x512xf32>
        %abs3A_1938 = math.absf %sub3A_1937 : vector<8x512xf32>
        %add3A_1939 = arith.addf %add3A_1828, %abs3A_1938 : vector<8x512xf32>
        %mul3A_1940 = arith.constant 8 : i32
        %mul3A_1941 = arith.muli %scan3A_11, %mul3A_1940 : i32
        %add3A_1942 = arith.constant 1 : i32
        %add3A_1943 = arith.addi %mul3A_1941, %add3A_1942 : i32
        %get3A_1944 = arith.index_cast %add3A_1943 : i32 to index
        %get3A_1945 = arith.constant 136 : index
        %get3A_1946 = arith.constant 0 : index
        %get3A_1947 = vector.load %arg9[%get3A_1944, %get3A_1945, %get3A_1946] : memref<128x256x1xf32, #tpu.memory_space<vmem>>, vector<1x8x1xf32>
        %get3A_1948 = vector.shape_cast %get3A_1947 : vector<1x8x1xf32> to vector<8x1xf32>
        %sub3A_1949 = vector.broadcast %get3A_1948 : vector<8x1xf32> to vector<8x512xf32>
        %sub3A_1950 = arith.subf %get3A_1926, %sub3A_1949 : vector<8x512xf32>
        %abs3A_1951 = math.absf %sub3A_1950 : vector<8x512xf32>
        %add3A_1952 = arith.addf %add3A_1841, %abs3A_1951 : vector<8x512xf32>
        %mul3A_1953 = arith.constant 8 : i32
        %mul3A_1954 = arith.muli %scan3A_11, %mul3A_1953 : i32
        %add3A_1955 = arith.constant 2 : i32
        %add3A_1956 = arith.addi %mul3A_1954, %add3A_1955 : i32
        %get3A_1957 = arith.index_cast %add3A_1956 : i32 to index
        %get3A_1958 = arith.constant 136 : index
        %get3A_1959 = arith.constant 0 : index
        %get3A_1960 = vector.load %arg9[%get3A_1957, %get3A_1958, %get3A_1959] : memref<128x256x1xf32, #tpu.memory_space<vmem>>, vector<1x8x1xf32>
        %get3A_1961 = vector.shape_cast %get3A_1960 : vector<1x8x1xf32> to vector<8x1xf32>
        %sub3A_1962 = vector.broadcast %get3A_1961 : vector<8x1xf32> to vector<8x512xf32>
        %sub3A_1963 = arith.subf %get3A_1926, %sub3A_1962 : vector<8x512xf32>
        %abs3A_1964 = math.absf %sub3A_1963 : vector<8x512xf32>
        %add3A_1965 = arith.addf %add3A_1854, %abs3A_1964 : vector<8x512xf32>
        %mul3A_1966 = arith.constant 8 : i32
        %mul3A_1967 = arith.muli %scan3A_11, %mul3A_1966 : i32
        %add3A_1968 = arith.constant 3 : i32
        %add3A_1969 = arith.addi %mul3A_1967, %add3A_1968 : i32
        %get3A_1970 = arith.index_cast %add3A_1969 : i32 to index
        %get3A_1971 = arith.constant 136 : index
        %get3A_1972 = arith.constant 0 : index
        %get3A_1973 = vector.load %arg9[%get3A_1970, %get3A_1971, %get3A_1972] : memref<128x256x1xf32, #tpu.memory_space<vmem>>, vector<1x8x1xf32>
        %get3A_1974 = vector.shape_cast %get3A_1973 : vector<1x8x1xf32> to vector<8x1xf32>
        %sub3A_1975 = vector.broadcast %get3A_1974 : vector<8x1xf32> to vector<8x512xf32>
        %sub3A_1976 = arith.subf %get3A_1926, %sub3A_1975 : vector<8x512xf32>
        %abs3A_1977 = math.absf %sub3A_1976 : vector<8x512xf32>
        %add3A_1978 = arith.addf %add3A_1867, %abs3A_1977 : vector<8x512xf32>
        %mul3A_1979 = arith.constant 8 : i32
        %mul3A_1980 = arith.muli %scan3A_11, %mul3A_1979 : i32
        %add3A_1981 = arith.constant 4 : i32
        %add3A_1982 = arith.addi %mul3A_1980, %add3A_1981 : i32
        %get3A_1983 = arith.index_cast %add3A_1982 : i32 to index
        %get3A_1984 = arith.constant 136 : index
        %get3A_1985 = arith.constant 0 : index
        %get3A_1986 = vector.load %arg9[%get3A_1983, %get3A_1984, %get3A_1985] : memref<128x256x1xf32, #tpu.memory_space<vmem>>, vector<1x8x1xf32>
        %get3A_1987 = vector.shape_cast %get3A_1986 : vector<1x8x1xf32> to vector<8x1xf32>
        %sub3A_1988 = vector.broadcast %get3A_1987 : vector<8x1xf32> to vector<8x512xf32>
        %sub3A_1989 = arith.subf %get3A_1926, %sub3A_1988 : vector<8x512xf32>
        %abs3A_1990 = math.absf %sub3A_1989 : vector<8x512xf32>
        %add3A_1991 = arith.addf %add3A_1880, %abs3A_1990 : vector<8x512xf32>
        %mul3A_1992 = arith.constant 8 : i32
        %mul3A_1993 = arith.muli %scan3A_11, %mul3A_1992 : i32
        %add3A_1994 = arith.constant 5 : i32
        %add3A_1995 = arith.addi %mul3A_1993, %add3A_1994 : i32
        %get3A_1996 = arith.index_cast %add3A_1995 : i32 to index
        %get3A_1997 = arith.constant 136 : index
        %get3A_1998 = arith.constant 0 : index
        %get3A_1999 = vector.load %arg9[%get3A_1996, %get3A_1997, %get3A_1998] : memref<128x256x1xf32, #tpu.memory_space<vmem>>, vector<1x8x1xf32>
        %get3A_2000 = vector.shape_cast %get3A_1999 : vector<1x8x1xf32> to vector<8x1xf32>
        %sub3A_2001 = vector.broadcast %get3A_2000 : vector<8x1xf32> to vector<8x512xf32>
        %sub3A_2002 = arith.subf %get3A_1926, %sub3A_2001 : vector<8x512xf32>
        %abs3A_2003 = math.absf %sub3A_2002 : vector<8x512xf32>
        %add3A_2004 = arith.addf %add3A_1893, %abs3A_2003 : vector<8x512xf32>
        %mul3A_2005 = arith.constant 8 : i32
        %mul3A_2006 = arith.muli %scan3A_11, %mul3A_2005 : i32
        %add3A_2007 = arith.constant 6 : i32
        %add3A_2008 = arith.addi %mul3A_2006, %add3A_2007 : i32
        %get3A_2009 = arith.index_cast %add3A_2008 : i32 to index
        %get3A_2010 = arith.constant 136 : index
        %get3A_2011 = arith.constant 0 : index
        %get3A_2012 = vector.load %arg9[%get3A_2009, %get3A_2010, %get3A_2011] : memref<128x256x1xf32, #tpu.memory_space<vmem>>, vector<1x8x1xf32>
        %get3A_2013 = vector.shape_cast %get3A_2012 : vector<1x8x1xf32> to vector<8x1xf32>
        %sub3A_2014 = vector.broadcast %get3A_2013 : vector<8x1xf32> to vector<8x512xf32>
        %sub3A_2015 = arith.subf %get3A_1926, %sub3A_2014 : vector<8x512xf32>
        %abs3A_2016 = math.absf %sub3A_2015 : vector<8x512xf32>
        %add3A_2017 = arith.addf %add3A_1906, %abs3A_2016 : vector<8x512xf32>
        %mul3A_2018 = arith.constant 8 : i32
        %mul3A_2019 = arith.muli %scan3A_11, %mul3A_2018 : i32
        %add3A_2020 = arith.constant 7 : i32
        %add3A_2021 = arith.addi %mul3A_2019, %add3A_2020 : i32
        %get3A_2022 = arith.index_cast %add3A_2021 : i32 to index
        %get3A_2023 = arith.constant 136 : index
        %get3A_2024 = arith.constant 0 : index
        %get3A_2025 = vector.load %arg9[%get3A_2022, %get3A_2023, %get3A_2024] : memref<128x256x1xf32, #tpu.memory_space<vmem>>, vector<1x8x1xf32>
        %get3A_2026 = vector.shape_cast %get3A_2025 : vector<1x8x1xf32> to vector<8x1xf32>
        %sub3A_2027 = vector.broadcast %get3A_2026 : vector<8x1xf32> to vector<8x512xf32>
        %sub3A_2028 = arith.subf %get3A_1926, %sub3A_2027 : vector<8x512xf32>
        %abs3A_2029 = math.absf %sub3A_2028 : vector<8x512xf32>
        %add3A_2030 = arith.addf %add3A_1919, %abs3A_2029 : vector<8x512xf32>
        %mul3A_2031 = arith.constant 512 : i32
        %mul3A_2032 = arith.muli %scan3A_17, %mul3A_2031 : i32
        %get3A_2033 = arith.constant 0 : index
        %get3A_2034 = arith.constant 144 : index
        %get3A_2035 = arith.index_cast %mul3A_2032 : i32 to index
        %get3A_2036 = vector.load %arg3[%get3A_2033, %get3A_2034, %get3A_2035] : memref<1x256x2048xf32, #tpu.memory_space<vmem>>, vector<1x8x512xf32>
        %get3A_2037 = vector.shape_cast %get3A_2036 : vector<1x8x512xf32> to vector<8x512xf32>
        %mul3A_2038 = arith.constant 8 : i32
        %mul3A_2039 = arith.muli %scan3A_11, %mul3A_2038 : i32
        %add3A_2040 = arith.constant 0 : i32
        %add3A_2041 = arith.addi %mul3A_2039, %add3A_2040 : i32
        %get3A_2042 = arith.index_cast %add3A_2041 : i32 to index
        %get3A_2043 = arith.constant 144 : index
        %get3A_2044 = arith.constant 0 : index
        %get3A_2045 = vector.load %arg9[%get3A_2042, %get3A_2043, %get3A_2044] : memref<128x256x1xf32, #tpu.memory_space<vmem>>, vector<1x8x1xf32>
        %get3A_2046 = vector.shape_cast %get3A_2045 : vector<1x8x1xf32> to vector<8x1xf32>
        %sub3A_2047 = vector.broadcast %get3A_2046 : vector<8x1xf32> to vector<8x512xf32>
        %sub3A_2048 = arith.subf %get3A_2037, %sub3A_2047 : vector<8x512xf32>
        %abs3A_2049 = math.absf %sub3A_2048 : vector<8x512xf32>
        %add3A_2050 = arith.addf %add3A_1939, %abs3A_2049 : vector<8x512xf32>
        %mul3A_2051 = arith.constant 8 : i32
        %mul3A_2052 = arith.muli %scan3A_11, %mul3A_2051 : i32
        %add3A_2053 = arith.constant 1 : i32
        %add3A_2054 = arith.addi %mul3A_2052, %add3A_2053 : i32
        %get3A_2055 = arith.index_cast %add3A_2054 : i32 to index
        %get3A_2056 = arith.constant 144 : index
        %get3A_2057 = arith.constant 0 : index
        %get3A_2058 = vector.load %arg9[%get3A_2055, %get3A_2056, %get3A_2057] : memref<128x256x1xf32, #tpu.memory_space<vmem>>, vector<1x8x1xf32>
        %get3A_2059 = vector.shape_cast %get3A_2058 : vector<1x8x1xf32> to vector<8x1xf32>
        %sub3A_2060 = vector.broadcast %get3A_2059 : vector<8x1xf32> to vector<8x512xf32>
        %sub3A_2061 = arith.subf %get3A_2037, %sub3A_2060 : vector<8x512xf32>
        %abs3A_2062 = math.absf %sub3A_2061 : vector<8x512xf32>
        %add3A_2063 = arith.addf %add3A_1952, %abs3A_2062 : vector<8x512xf32>
        %mul3A_2064 = arith.constant 8 : i32
        %mul3A_2065 = arith.muli %scan3A_11, %mul3A_2064 : i32
        %add3A_2066 = arith.constant 2 : i32
        %add3A_2067 = arith.addi %mul3A_2065, %add3A_2066 : i32
        %get3A_2068 = arith.index_cast %add3A_2067 : i32 to index
        %get3A_2069 = arith.constant 144 : index
        %get3A_2070 = arith.constant 0 : index
        %get3A_2071 = vector.load %arg9[%get3A_2068, %get3A_2069, %get3A_2070] : memref<128x256x1xf32, #tpu.memory_space<vmem>>, vector<1x8x1xf32>
        %get3A_2072 = vector.shape_cast %get3A_2071 : vector<1x8x1xf32> to vector<8x1xf32>
        %sub3A_2073 = vector.broadcast %get3A_2072 : vector<8x1xf32> to vector<8x512xf32>
        %sub3A_2074 = arith.subf %get3A_2037, %sub3A_2073 : vector<8x512xf32>
        %abs3A_2075 = math.absf %sub3A_2074 : vector<8x512xf32>
        %add3A_2076 = arith.addf %add3A_1965, %abs3A_2075 : vector<8x512xf32>
        %mul3A_2077 = arith.constant 8 : i32
        %mul3A_2078 = arith.muli %scan3A_11, %mul3A_2077 : i32
        %add3A_2079 = arith.constant 3 : i32
        %add3A_2080 = arith.addi %mul3A_2078, %add3A_2079 : i32
        %get3A_2081 = arith.index_cast %add3A_2080 : i32 to index
        %get3A_2082 = arith.constant 144 : index
        %get3A_2083 = arith.constant 0 : index
        %get3A_2084 = vector.load %arg9[%get3A_2081, %get3A_2082, %get3A_2083] : memref<128x256x1xf32, #tpu.memory_space<vmem>>, vector<1x8x1xf32>
        %get3A_2085 = vector.shape_cast %get3A_2084 : vector<1x8x1xf32> to vector<8x1xf32>
        %sub3A_2086 = vector.broadcast %get3A_2085 : vector<8x1xf32> to vector<8x512xf32>
        %sub3A_2087 = arith.subf %get3A_2037, %sub3A_2086 : vector<8x512xf32>
        %abs3A_2088 = math.absf %sub3A_2087 : vector<8x512xf32>
        %add3A_2089 = arith.addf %add3A_1978, %abs3A_2088 : vector<8x512xf32>
        %mul3A_2090 = arith.constant 8 : i32
        %mul3A_2091 = arith.muli %scan3A_11, %mul3A_2090 : i32
        %add3A_2092 = arith.constant 4 : i32
        %add3A_2093 = arith.addi %mul3A_2091, %add3A_2092 : i32
        %get3A_2094 = arith.index_cast %add3A_2093 : i32 to index
        %get3A_2095 = arith.constant 144 : index
        %get3A_2096 = arith.constant 0 : index
        %get3A_2097 = vector.load %arg9[%get3A_2094, %get3A_2095, %get3A_2096] : memref<128x256x1xf32, #tpu.memory_space<vmem>>, vector<1x8x1xf32>
        %get3A_2098 = vector.shape_cast %get3A_2097 : vector<1x8x1xf32> to vector<8x1xf32>
        %sub3A_2099 = vector.broadcast %get3A_2098 : vector<8x1xf32> to vector<8x512xf32>
        %sub3A_2100 = arith.subf %get3A_2037, %sub3A_2099 : vector<8x512xf32>
        %abs3A_2101 = math.absf %sub3A_2100 : vector<8x512xf32>
        %add3A_2102 = arith.addf %add3A_1991, %abs3A_2101 : vector<8x512xf32>
        %mul3A_2103 = arith.constant 8 : i32
        %mul3A_2104 = arith.muli %scan3A_11, %mul3A_2103 : i32
        %add3A_2105 = arith.constant 5 : i32
        %add3A_2106 = arith.addi %mul3A_2104, %add3A_2105 : i32
        %get3A_2107 = arith.index_cast %add3A_2106 : i32 to index
        %get3A_2108 = arith.constant 144 : index
        %get3A_2109 = arith.constant 0 : index
        %get3A_2110 = vector.load %arg9[%get3A_2107, %get3A_2108, %get3A_2109] : memref<128x256x1xf32, #tpu.memory_space<vmem>>, vector<1x8x1xf32>
        %get3A_2111 = vector.shape_cast %get3A_2110 : vector<1x8x1xf32> to vector<8x1xf32>
        %sub3A_2112 = vector.broadcast %get3A_2111 : vector<8x1xf32> to vector<8x512xf32>
        %sub3A_2113 = arith.subf %get3A_2037, %sub3A_2112 : vector<8x512xf32>
        %abs3A_2114 = math.absf %sub3A_2113 : vector<8x512xf32>
        %add3A_2115 = arith.addf %add3A_2004, %abs3A_2114 : vector<8x512xf32>
        %mul3A_2116 = arith.constant 8 : i32
        %mul3A_2117 = arith.muli %scan3A_11, %mul3A_2116 : i32
        %add3A_2118 = arith.constant 6 : i32
        %add3A_2119 = arith.addi %mul3A_2117, %add3A_2118 : i32
        %get3A_2120 = arith.index_cast %add3A_2119 : i32 to index
        %get3A_2121 = arith.constant 144 : index
        %get3A_2122 = arith.constant 0 : index
        %get3A_2123 = vector.load %arg9[%get3A_2120, %get3A_2121, %get3A_2122] : memref<128x256x1xf32, #tpu.memory_space<vmem>>, vector<1x8x1xf32>
        %get3A_2124 = vector.shape_cast %get3A_2123 : vector<1x8x1xf32> to vector<8x1xf32>
        %sub3A_2125 = vector.broadcast %get3A_2124 : vector<8x1xf32> to vector<8x512xf32>
        %sub3A_2126 = arith.subf %get3A_2037, %sub3A_2125 : vector<8x512xf32>
        %abs3A_2127 = math.absf %sub3A_2126 : vector<8x512xf32>
        %add3A_2128 = arith.addf %add3A_2017, %abs3A_2127 : vector<8x512xf32>
        %mul3A_2129 = arith.constant 8 : i32
        %mul3A_2130 = arith.muli %scan3A_11, %mul3A_2129 : i32
        %add3A_2131 = arith.constant 7 : i32
        %add3A_2132 = arith.addi %mul3A_2130, %add3A_2131 : i32
        %get3A_2133 = arith.index_cast %add3A_2132 : i32 to index
        %get3A_2134 = arith.constant 144 : index
        %get3A_2135 = arith.constant 0 : index
        %get3A_2136 = vector.load %arg9[%get3A_2133, %get3A_2134, %get3A_2135] : memref<128x256x1xf32, #tpu.memory_space<vmem>>, vector<1x8x1xf32>
        %get3A_2137 = vector.shape_cast %get3A_2136 : vector<1x8x1xf32> to vector<8x1xf32>
        %sub3A_2138 = vector.broadcast %get3A_2137 : vector<8x1xf32> to vector<8x512xf32>
        %sub3A_2139 = arith.subf %get3A_2037, %sub3A_2138 : vector<8x512xf32>
        %abs3A_2140 = math.absf %sub3A_2139 : vector<8x512xf32>
        %add3A_2141 = arith.addf %add3A_2030, %abs3A_2140 : vector<8x512xf32>
        %mul3A_2142 = arith.constant 512 : i32
        %mul3A_2143 = arith.muli %scan3A_17, %mul3A_2142 : i32
        %get3A_2144 = arith.constant 0 : index
        %get3A_2145 = arith.constant 152 : index
        %get3A_2146 = arith.index_cast %mul3A_2143 : i32 to index
        %get3A_2147 = vector.load %arg3[%get3A_2144, %get3A_2145, %get3A_2146] : memref<1x256x2048xf32, #tpu.memory_space<vmem>>, vector<1x8x512xf32>
        %get3A_2148 = vector.shape_cast %get3A_2147 : vector<1x8x512xf32> to vector<8x512xf32>
        %mul3A_2149 = arith.constant 8 : i32
        %mul3A_2150 = arith.muli %scan3A_11, %mul3A_2149 : i32
        %add3A_2151 = arith.constant 0 : i32
        %add3A_2152 = arith.addi %mul3A_2150, %add3A_2151 : i32
        %get3A_2153 = arith.index_cast %add3A_2152 : i32 to index
        %get3A_2154 = arith.constant 152 : index
        %get3A_2155 = arith.constant 0 : index
        %get3A_2156 = vector.load %arg9[%get3A_2153, %get3A_2154, %get3A_2155] : memref<128x256x1xf32, #tpu.memory_space<vmem>>, vector<1x8x1xf32>
        %get3A_2157 = vector.shape_cast %get3A_2156 : vector<1x8x1xf32> to vector<8x1xf32>
        %sub3A_2158 = vector.broadcast %get3A_2157 : vector<8x1xf32> to vector<8x512xf32>
        %sub3A_2159 = arith.subf %get3A_2148, %sub3A_2158 : vector<8x512xf32>
        %abs3A_2160 = math.absf %sub3A_2159 : vector<8x512xf32>
        %add3A_2161 = arith.addf %add3A_2050, %abs3A_2160 : vector<8x512xf32>
        %mul3A_2162 = arith.constant 8 : i32
        %mul3A_2163 = arith.muli %scan3A_11, %mul3A_2162 : i32
        %add3A_2164 = arith.constant 1 : i32
        %add3A_2165 = arith.addi %mul3A_2163, %add3A_2164 : i32
        %get3A_2166 = arith.index_cast %add3A_2165 : i32 to index
        %get3A_2167 = arith.constant 152 : index
        %get3A_2168 = arith.constant 0 : index
        %get3A_2169 = vector.load %arg9[%get3A_2166, %get3A_2167, %get3A_2168] : memref<128x256x1xf32, #tpu.memory_space<vmem>>, vector<1x8x1xf32>
        %get3A_2170 = vector.shape_cast %get3A_2169 : vector<1x8x1xf32> to vector<8x1xf32>
        %sub3A_2171 = vector.broadcast %get3A_2170 : vector<8x1xf32> to vector<8x512xf32>
        %sub3A_2172 = arith.subf %get3A_2148, %sub3A_2171 : vector<8x512xf32>
        %abs3A_2173 = math.absf %sub3A_2172 : vector<8x512xf32>
        %add3A_2174 = arith.addf %add3A_2063, %abs3A_2173 : vector<8x512xf32>
        %mul3A_2175 = arith.constant 8 : i32
        %mul3A_2176 = arith.muli %scan3A_11, %mul3A_2175 : i32
        %add3A_2177 = arith.constant 2 : i32
        %add3A_2178 = arith.addi %mul3A_2176, %add3A_2177 : i32
        %get3A_2179 = arith.index_cast %add3A_2178 : i32 to index
        %get3A_2180 = arith.constant 152 : index
        %get3A_2181 = arith.constant 0 : index
        %get3A_2182 = vector.load %arg9[%get3A_2179, %get3A_2180, %get3A_2181] : memref<128x256x1xf32, #tpu.memory_space<vmem>>, vector<1x8x1xf32>
        %get3A_2183 = vector.shape_cast %get3A_2182 : vector<1x8x1xf32> to vector<8x1xf32>
        %sub3A_2184 = vector.broadcast %get3A_2183 : vector<8x1xf32> to vector<8x512xf32>
        %sub3A_2185 = arith.subf %get3A_2148, %sub3A_2184 : vector<8x512xf32>
        %abs3A_2186 = math.absf %sub3A_2185 : vector<8x512xf32>
        %add3A_2187 = arith.addf %add3A_2076, %abs3A_2186 : vector<8x512xf32>
        %mul3A_2188 = arith.constant 8 : i32
        %mul3A_2189 = arith.muli %scan3A_11, %mul3A_2188 : i32
        %add3A_2190 = arith.constant 3 : i32
        %add3A_2191 = arith.addi %mul3A_2189, %add3A_2190 : i32
        %get3A_2192 = arith.index_cast %add3A_2191 : i32 to index
        %get3A_2193 = arith.constant 152 : index
        %get3A_2194 = arith.constant 0 : index
        %get3A_2195 = vector.load %arg9[%get3A_2192, %get3A_2193, %get3A_2194] : memref<128x256x1xf32, #tpu.memory_space<vmem>>, vector<1x8x1xf32>
        %get3A_2196 = vector.shape_cast %get3A_2195 : vector<1x8x1xf32> to vector<8x1xf32>
        %sub3A_2197 = vector.broadcast %get3A_2196 : vector<8x1xf32> to vector<8x512xf32>
        %sub3A_2198 = arith.subf %get3A_2148, %sub3A_2197 : vector<8x512xf32>
        %abs3A_2199 = math.absf %sub3A_2198 : vector<8x512xf32>
        %add3A_2200 = arith.addf %add3A_2089, %abs3A_2199 : vector<8x512xf32>
        %mul3A_2201 = arith.constant 8 : i32
        %mul3A_2202 = arith.muli %scan3A_11, %mul3A_2201 : i32
        %add3A_2203 = arith.constant 4 : i32
        %add3A_2204 = arith.addi %mul3A_2202, %add3A_2203 : i32
        %get3A_2205 = arith.index_cast %add3A_2204 : i32 to index
        %get3A_2206 = arith.constant 152 : index
        %get3A_2207 = arith.constant 0 : index
        %get3A_2208 = vector.load %arg9[%get3A_2205, %get3A_2206, %get3A_2207] : memref<128x256x1xf32, #tpu.memory_space<vmem>>, vector<1x8x1xf32>
        %get3A_2209 = vector.shape_cast %get3A_2208 : vector<1x8x1xf32> to vector<8x1xf32>
        %sub3A_2210 = vector.broadcast %get3A_2209 : vector<8x1xf32> to vector<8x512xf32>
        %sub3A_2211 = arith.subf %get3A_2148, %sub3A_2210 : vector<8x512xf32>
        %abs3A_2212 = math.absf %sub3A_2211 : vector<8x512xf32>
        %add3A_2213 = arith.addf %add3A_2102, %abs3A_2212 : vector<8x512xf32>
        %mul3A_2214 = arith.constant 8 : i32
        %mul3A_2215 = arith.muli %scan3A_11, %mul3A_2214 : i32
        %add3A_2216 = arith.constant 5 : i32
        %add3A_2217 = arith.addi %mul3A_2215, %add3A_2216 : i32
        %get3A_2218 = arith.index_cast %add3A_2217 : i32 to index
        %get3A_2219 = arith.constant 152 : index
        %get3A_2220 = arith.constant 0 : index
        %get3A_2221 = vector.load %arg9[%get3A_2218, %get3A_2219, %get3A_2220] : memref<128x256x1xf32, #tpu.memory_space<vmem>>, vector<1x8x1xf32>
        %get3A_2222 = vector.shape_cast %get3A_2221 : vector<1x8x1xf32> to vector<8x1xf32>
        %sub3A_2223 = vector.broadcast %get3A_2222 : vector<8x1xf32> to vector<8x512xf32>
        %sub3A_2224 = arith.subf %get3A_2148, %sub3A_2223 : vector<8x512xf32>
        %abs3A_2225 = math.absf %sub3A_2224 : vector<8x512xf32>
        %add3A_2226 = arith.addf %add3A_2115, %abs3A_2225 : vector<8x512xf32>
        %mul3A_2227 = arith.constant 8 : i32
        %mul3A_2228 = arith.muli %scan3A_11, %mul3A_2227 : i32
        %add3A_2229 = arith.constant 6 : i32
        %add3A_2230 = arith.addi %mul3A_2228, %add3A_2229 : i32
        %get3A_2231 = arith.index_cast %add3A_2230 : i32 to index
        %get3A_2232 = arith.constant 152 : index
        %get3A_2233 = arith.constant 0 : index
        %get3A_2234 = vector.load %arg9[%get3A_2231, %get3A_2232, %get3A_2233] : memref<128x256x1xf32, #tpu.memory_space<vmem>>, vector<1x8x1xf32>
        %get3A_2235 = vector.shape_cast %get3A_2234 : vector<1x8x1xf32> to vector<8x1xf32>
        %sub3A_2236 = vector.broadcast %get3A_2235 : vector<8x1xf32> to vector<8x512xf32>
        %sub3A_2237 = arith.subf %get3A_2148, %sub3A_2236 : vector<8x512xf32>
        %abs3A_2238 = math.absf %sub3A_2237 : vector<8x512xf32>
        %add3A_2239 = arith.addf %add3A_2128, %abs3A_2238 : vector<8x512xf32>
        %mul3A_2240 = arith.constant 8 : i32
        %mul3A_2241 = arith.muli %scan3A_11, %mul3A_2240 : i32
        %add3A_2242 = arith.constant 7 : i32
        %add3A_2243 = arith.addi %mul3A_2241, %add3A_2242 : i32
        %get3A_2244 = arith.index_cast %add3A_2243 : i32 to index
        %get3A_2245 = arith.constant 152 : index
        %get3A_2246 = arith.constant 0 : index
        %get3A_2247 = vector.load %arg9[%get3A_2244, %get3A_2245, %get3A_2246] : memref<128x256x1xf32, #tpu.memory_space<vmem>>, vector<1x8x1xf32>
        %get3A_2248 = vector.shape_cast %get3A_2247 : vector<1x8x1xf32> to vector<8x1xf32>
        %sub3A_2249 = vector.broadcast %get3A_2248 : vector<8x1xf32> to vector<8x512xf32>
        %sub3A_2250 = arith.subf %get3A_2148, %sub3A_2249 : vector<8x512xf32>
        %abs3A_2251 = math.absf %sub3A_2250 : vector<8x512xf32>
        %add3A_2252 = arith.addf %add3A_2141, %abs3A_2251 : vector<8x512xf32>
        %mul3A_2253 = arith.constant 512 : i32
        %mul3A_2254 = arith.muli %scan3A_17, %mul3A_2253 : i32
        %get3A_2255 = arith.constant 0 : index
        %get3A_2256 = arith.constant 160 : index
        %get3A_2257 = arith.index_cast %mul3A_2254 : i32 to index
        %get3A_2258 = vector.load %arg3[%get3A_2255, %get3A_2256, %get3A_2257] : memref<1x256x2048xf32, #tpu.memory_space<vmem>>, vector<1x8x512xf32>
        %get3A_2259 = vector.shape_cast %get3A_2258 : vector<1x8x512xf32> to vector<8x512xf32>
        %mul3A_2260 = arith.constant 8 : i32
        %mul3A_2261 = arith.muli %scan3A_11, %mul3A_2260 : i32
        %add3A_2262 = arith.constant 0 : i32
        %add3A_2263 = arith.addi %mul3A_2261, %add3A_2262 : i32
        %get3A_2264 = arith.index_cast %add3A_2263 : i32 to index
        %get3A_2265 = arith.constant 160 : index
        %get3A_2266 = arith.constant 0 : index
        %get3A_2267 = vector.load %arg9[%get3A_2264, %get3A_2265, %get3A_2266] : memref<128x256x1xf32, #tpu.memory_space<vmem>>, vector<1x8x1xf32>
        %get3A_2268 = vector.shape_cast %get3A_2267 : vector<1x8x1xf32> to vector<8x1xf32>
        %sub3A_2269 = vector.broadcast %get3A_2268 : vector<8x1xf32> to vector<8x512xf32>
        %sub3A_2270 = arith.subf %get3A_2259, %sub3A_2269 : vector<8x512xf32>
        %abs3A_2271 = math.absf %sub3A_2270 : vector<8x512xf32>
        %add3A_2272 = arith.addf %add3A_2161, %abs3A_2271 : vector<8x512xf32>
        %mul3A_2273 = arith.constant 8 : i32
        %mul3A_2274 = arith.muli %scan3A_11, %mul3A_2273 : i32
        %add3A_2275 = arith.constant 1 : i32
        %add3A_2276 = arith.addi %mul3A_2274, %add3A_2275 : i32
        %get3A_2277 = arith.index_cast %add3A_2276 : i32 to index
        %get3A_2278 = arith.constant 160 : index
        %get3A_2279 = arith.constant 0 : index
        %get3A_2280 = vector.load %arg9[%get3A_2277, %get3A_2278, %get3A_2279] : memref<128x256x1xf32, #tpu.memory_space<vmem>>, vector<1x8x1xf32>
        %get3A_2281 = vector.shape_cast %get3A_2280 : vector<1x8x1xf32> to vector<8x1xf32>
        %sub3A_2282 = vector.broadcast %get3A_2281 : vector<8x1xf32> to vector<8x512xf32>
        %sub3A_2283 = arith.subf %get3A_2259, %sub3A_2282 : vector<8x512xf32>
        %abs3A_2284 = math.absf %sub3A_2283 : vector<8x512xf32>
        %add3A_2285 = arith.addf %add3A_2174, %abs3A_2284 : vector<8x512xf32>
        %mul3A_2286 = arith.constant 8 : i32
        %mul3A_2287 = arith.muli %scan3A_11, %mul3A_2286 : i32
        %add3A_2288 = arith.constant 2 : i32
        %add3A_2289 = arith.addi %mul3A_2287, %add3A_2288 : i32
        %get3A_2290 = arith.index_cast %add3A_2289 : i32 to index
        %get3A_2291 = arith.constant 160 : index
        %get3A_2292 = arith.constant 0 : index
        %get3A_2293 = vector.load %arg9[%get3A_2290, %get3A_2291, %get3A_2292] : memref<128x256x1xf32, #tpu.memory_space<vmem>>, vector<1x8x1xf32>
        %get3A_2294 = vector.shape_cast %get3A_2293 : vector<1x8x1xf32> to vector<8x1xf32>
        %sub3A_2295 = vector.broadcast %get3A_2294 : vector<8x1xf32> to vector<8x512xf32>
        %sub3A_2296 = arith.subf %get3A_2259, %sub3A_2295 : vector<8x512xf32>
        %abs3A_2297 = math.absf %sub3A_2296 : vector<8x512xf32>
        %add3A_2298 = arith.addf %add3A_2187, %abs3A_2297 : vector<8x512xf32>
        %mul3A_2299 = arith.constant 8 : i32
        %mul3A_2300 = arith.muli %scan3A_11, %mul3A_2299 : i32
        %add3A_2301 = arith.constant 3 : i32
        %add3A_2302 = arith.addi %mul3A_2300, %add3A_2301 : i32
        %get3A_2303 = arith.index_cast %add3A_2302 : i32 to index
        %get3A_2304 = arith.constant 160 : index
        %get3A_2305 = arith.constant 0 : index
        %get3A_2306 = vector.load %arg9[%get3A_2303, %get3A_2304, %get3A_2305] : memref<128x256x1xf32, #tpu.memory_space<vmem>>, vector<1x8x1xf32>
        %get3A_2307 = vector.shape_cast %get3A_2306 : vector<1x8x1xf32> to vector<8x1xf32>
        %sub3A_2308 = vector.broadcast %get3A_2307 : vector<8x1xf32> to vector<8x512xf32>
        %sub3A_2309 = arith.subf %get3A_2259, %sub3A_2308 : vector<8x512xf32>
        %abs3A_2310 = math.absf %sub3A_2309 : vector<8x512xf32>
        %add3A_2311 = arith.addf %add3A_2200, %abs3A_2310 : vector<8x512xf32>
        %mul3A_2312 = arith.constant 8 : i32
        %mul3A_2313 = arith.muli %scan3A_11, %mul3A_2312 : i32
        %add3A_2314 = arith.constant 4 : i32
        %add3A_2315 = arith.addi %mul3A_2313, %add3A_2314 : i32
        %get3A_2316 = arith.index_cast %add3A_2315 : i32 to index
        %get3A_2317 = arith.constant 160 : index
        %get3A_2318 = arith.constant 0 : index
        %get3A_2319 = vector.load %arg9[%get3A_2316, %get3A_2317, %get3A_2318] : memref<128x256x1xf32, #tpu.memory_space<vmem>>, vector<1x8x1xf32>
        %get3A_2320 = vector.shape_cast %get3A_2319 : vector<1x8x1xf32> to vector<8x1xf32>
        %sub3A_2321 = vector.broadcast %get3A_2320 : vector<8x1xf32> to vector<8x512xf32>
        %sub3A_2322 = arith.subf %get3A_2259, %sub3A_2321 : vector<8x512xf32>
        %abs3A_2323 = math.absf %sub3A_2322 : vector<8x512xf32>
        %add3A_2324 = arith.addf %add3A_2213, %abs3A_2323 : vector<8x512xf32>
        %mul3A_2325 = arith.constant 8 : i32
        %mul3A_2326 = arith.muli %scan3A_11, %mul3A_2325 : i32
        %add3A_2327 = arith.constant 5 : i32
        %add3A_2328 = arith.addi %mul3A_2326, %add3A_2327 : i32
        %get3A_2329 = arith.index_cast %add3A_2328 : i32 to index
        %get3A_2330 = arith.constant 160 : index
        %get3A_2331 = arith.constant 0 : index
        %get3A_2332 = vector.load %arg9[%get3A_2329, %get3A_2330, %get3A_2331] : memref<128x256x1xf32, #tpu.memory_space<vmem>>, vector<1x8x1xf32>
        %get3A_2333 = vector.shape_cast %get3A_2332 : vector<1x8x1xf32> to vector<8x1xf32>
        %sub3A_2334 = vector.broadcast %get3A_2333 : vector<8x1xf32> to vector<8x512xf32>
        %sub3A_2335 = arith.subf %get3A_2259, %sub3A_2334 : vector<8x512xf32>
        %abs3A_2336 = math.absf %sub3A_2335 : vector<8x512xf32>
        %add3A_2337 = arith.addf %add3A_2226, %abs3A_2336 : vector<8x512xf32>
        %mul3A_2338 = arith.constant 8 : i32
        %mul3A_2339 = arith.muli %scan3A_11, %mul3A_2338 : i32
        %add3A_2340 = arith.constant 6 : i32
        %add3A_2341 = arith.addi %mul3A_2339, %add3A_2340 : i32
        %get3A_2342 = arith.index_cast %add3A_2341 : i32 to index
        %get3A_2343 = arith.constant 160 : index
        %get3A_2344 = arith.constant 0 : index
        %get3A_2345 = vector.load %arg9[%get3A_2342, %get3A_2343, %get3A_2344] : memref<128x256x1xf32, #tpu.memory_space<vmem>>, vector<1x8x1xf32>
        %get3A_2346 = vector.shape_cast %get3A_2345 : vector<1x8x1xf32> to vector<8x1xf32>
        %sub3A_2347 = vector.broadcast %get3A_2346 : vector<8x1xf32> to vector<8x512xf32>
        %sub3A_2348 = arith.subf %get3A_2259, %sub3A_2347 : vector<8x512xf32>
        %abs3A_2349 = math.absf %sub3A_2348 : vector<8x512xf32>
        %add3A_2350 = arith.addf %add3A_2239, %abs3A_2349 : vector<8x512xf32>
        %mul3A_2351 = arith.constant 8 : i32
        %mul3A_2352 = arith.muli %scan3A_11, %mul3A_2351 : i32
        %add3A_2353 = arith.constant 7 : i32
        %add3A_2354 = arith.addi %mul3A_2352, %add3A_2353 : i32
        %get3A_2355 = arith.index_cast %add3A_2354 : i32 to index
        %get3A_2356 = arith.constant 160 : index
        %get3A_2357 = arith.constant 0 : index
        %get3A_2358 = vector.load %arg9[%get3A_2355, %get3A_2356, %get3A_2357] : memref<128x256x1xf32, #tpu.memory_space<vmem>>, vector<1x8x1xf32>
        %get3A_2359 = vector.shape_cast %get3A_2358 : vector<1x8x1xf32> to vector<8x1xf32>
        %sub3A_2360 = vector.broadcast %get3A_2359 : vector<8x1xf32> to vector<8x512xf32>
        %sub3A_2361 = arith.subf %get3A_2259, %sub3A_2360 : vector<8x512xf32>
        %abs3A_2362 = math.absf %sub3A_2361 : vector<8x512xf32>
        %add3A_2363 = arith.addf %add3A_2252, %abs3A_2362 : vector<8x512xf32>
        %mul3A_2364 = arith.constant 512 : i32
        %mul3A_2365 = arith.muli %scan3A_17, %mul3A_2364 : i32
        %get3A_2366 = arith.constant 0 : index
        %get3A_2367 = arith.constant 168 : index
        %get3A_2368 = arith.index_cast %mul3A_2365 : i32 to index
        %get3A_2369 = vector.load %arg3[%get3A_2366, %get3A_2367, %get3A_2368] : memref<1x256x2048xf32, #tpu.memory_space<vmem>>, vector<1x8x512xf32>
        %get3A_2370 = vector.shape_cast %get3A_2369 : vector<1x8x512xf32> to vector<8x512xf32>
        %mul3A_2371 = arith.constant 8 : i32
        %mul3A_2372 = arith.muli %scan3A_11, %mul3A_2371 : i32
        %add3A_2373 = arith.constant 0 : i32
        %add3A_2374 = arith.addi %mul3A_2372, %add3A_2373 : i32
        %get3A_2375 = arith.index_cast %add3A_2374 : i32 to index
        %get3A_2376 = arith.constant 168 : index
        %get3A_2377 = arith.constant 0 : index
        %get3A_2378 = vector.load %arg9[%get3A_2375, %get3A_2376, %get3A_2377] : memref<128x256x1xf32, #tpu.memory_space<vmem>>, vector<1x8x1xf32>
        %get3A_2379 = vector.shape_cast %get3A_2378 : vector<1x8x1xf32> to vector<8x1xf32>
        %sub3A_2380 = vector.broadcast %get3A_2379 : vector<8x1xf32> to vector<8x512xf32>
        %sub3A_2381 = arith.subf %get3A_2370, %sub3A_2380 : vector<8x512xf32>
        %abs3A_2382 = math.absf %sub3A_2381 : vector<8x512xf32>
        %add3A_2383 = arith.addf %add3A_2272, %abs3A_2382 : vector<8x512xf32>
        %mul3A_2384 = arith.constant 8 : i32
        %mul3A_2385 = arith.muli %scan3A_11, %mul3A_2384 : i32
        %add3A_2386 = arith.constant 1 : i32
        %add3A_2387 = arith.addi %mul3A_2385, %add3A_2386 : i32
        %get3A_2388 = arith.index_cast %add3A_2387 : i32 to index
        %get3A_2389 = arith.constant 168 : index
        %get3A_2390 = arith.constant 0 : index
        %get3A_2391 = vector.load %arg9[%get3A_2388, %get3A_2389, %get3A_2390] : memref<128x256x1xf32, #tpu.memory_space<vmem>>, vector<1x8x1xf32>
        %get3A_2392 = vector.shape_cast %get3A_2391 : vector<1x8x1xf32> to vector<8x1xf32>
        %sub3A_2393 = vector.broadcast %get3A_2392 : vector<8x1xf32> to vector<8x512xf32>
        %sub3A_2394 = arith.subf %get3A_2370, %sub3A_2393 : vector<8x512xf32>
        %abs3A_2395 = math.absf %sub3A_2394 : vector<8x512xf32>
        %add3A_2396 = arith.addf %add3A_2285, %abs3A_2395 : vector<8x512xf32>
        %mul3A_2397 = arith.constant 8 : i32
        %mul3A_2398 = arith.muli %scan3A_11, %mul3A_2397 : i32
        %add3A_2399 = arith.constant 2 : i32
        %add3A_2400 = arith.addi %mul3A_2398, %add3A_2399 : i32
        %get3A_2401 = arith.index_cast %add3A_2400 : i32 to index
        %get3A_2402 = arith.constant 168 : index
        %get3A_2403 = arith.constant 0 : index
        %get3A_2404 = vector.load %arg9[%get3A_2401, %get3A_2402, %get3A_2403] : memref<128x256x1xf32, #tpu.memory_space<vmem>>, vector<1x8x1xf32>
        %get3A_2405 = vector.shape_cast %get3A_2404 : vector<1x8x1xf32> to vector<8x1xf32>
        %sub3A_2406 = vector.broadcast %get3A_2405 : vector<8x1xf32> to vector<8x512xf32>
        %sub3A_2407 = arith.subf %get3A_2370, %sub3A_2406 : vector<8x512xf32>
        %abs3A_2408 = math.absf %sub3A_2407 : vector<8x512xf32>
        %add3A_2409 = arith.addf %add3A_2298, %abs3A_2408 : vector<8x512xf32>
        %mul3A_2410 = arith.constant 8 : i32
        %mul3A_2411 = arith.muli %scan3A_11, %mul3A_2410 : i32
        %add3A_2412 = arith.constant 3 : i32
        %add3A_2413 = arith.addi %mul3A_2411, %add3A_2412 : i32
        %get3A_2414 = arith.index_cast %add3A_2413 : i32 to index
        %get3A_2415 = arith.constant 168 : index
        %get3A_2416 = arith.constant 0 : index
        %get3A_2417 = vector.load %arg9[%get3A_2414, %get3A_2415, %get3A_2416] : memref<128x256x1xf32, #tpu.memory_space<vmem>>, vector<1x8x1xf32>
        %get3A_2418 = vector.shape_cast %get3A_2417 : vector<1x8x1xf32> to vector<8x1xf32>
        %sub3A_2419 = vector.broadcast %get3A_2418 : vector<8x1xf32> to vector<8x512xf32>
        %sub3A_2420 = arith.subf %get3A_2370, %sub3A_2419 : vector<8x512xf32>
        %abs3A_2421 = math.absf %sub3A_2420 : vector<8x512xf32>
        %add3A_2422 = arith.addf %add3A_2311, %abs3A_2421 : vector<8x512xf32>
        %mul3A_2423 = arith.constant 8 : i32
        %mul3A_2424 = arith.muli %scan3A_11, %mul3A_2423 : i32
        %add3A_2425 = arith.constant 4 : i32
        %add3A_2426 = arith.addi %mul3A_2424, %add3A_2425 : i32
        %get3A_2427 = arith.index_cast %add3A_2426 : i32 to index
        %get3A_2428 = arith.constant 168 : index
        %get3A_2429 = arith.constant 0 : index
        %get3A_2430 = vector.load %arg9[%get3A_2427, %get3A_2428, %get3A_2429] : memref<128x256x1xf32, #tpu.memory_space<vmem>>, vector<1x8x1xf32>
        %get3A_2431 = vector.shape_cast %get3A_2430 : vector<1x8x1xf32> to vector<8x1xf32>
        %sub3A_2432 = vector.broadcast %get3A_2431 : vector<8x1xf32> to vector<8x512xf32>
        %sub3A_2433 = arith.subf %get3A_2370, %sub3A_2432 : vector<8x512xf32>
        %abs3A_2434 = math.absf %sub3A_2433 : vector<8x512xf32>
        %add3A_2435 = arith.addf %add3A_2324, %abs3A_2434 : vector<8x512xf32>
        %mul3A_2436 = arith.constant 8 : i32
        %mul3A_2437 = arith.muli %scan3A_11, %mul3A_2436 : i32
        %add3A_2438 = arith.constant 5 : i32
        %add3A_2439 = arith.addi %mul3A_2437, %add3A_2438 : i32
        %get3A_2440 = arith.index_cast %add3A_2439 : i32 to index
        %get3A_2441 = arith.constant 168 : index
        %get3A_2442 = arith.constant 0 : index
        %get3A_2443 = vector.load %arg9[%get3A_2440, %get3A_2441, %get3A_2442] : memref<128x256x1xf32, #tpu.memory_space<vmem>>, vector<1x8x1xf32>
        %get3A_2444 = vector.shape_cast %get3A_2443 : vector<1x8x1xf32> to vector<8x1xf32>
        %sub3A_2445 = vector.broadcast %get3A_2444 : vector<8x1xf32> to vector<8x512xf32>
        %sub3A_2446 = arith.subf %get3A_2370, %sub3A_2445 : vector<8x512xf32>
        %abs3A_2447 = math.absf %sub3A_2446 : vector<8x512xf32>
        %add3A_2448 = arith.addf %add3A_2337, %abs3A_2447 : vector<8x512xf32>
        %mul3A_2449 = arith.constant 8 : i32
        %mul3A_2450 = arith.muli %scan3A_11, %mul3A_2449 : i32
        %add3A_2451 = arith.constant 6 : i32
        %add3A_2452 = arith.addi %mul3A_2450, %add3A_2451 : i32
        %get3A_2453 = arith.index_cast %add3A_2452 : i32 to index
        %get3A_2454 = arith.constant 168 : index
        %get3A_2455 = arith.constant 0 : index
        %get3A_2456 = vector.load %arg9[%get3A_2453, %get3A_2454, %get3A_2455] : memref<128x256x1xf32, #tpu.memory_space<vmem>>, vector<1x8x1xf32>
        %get3A_2457 = vector.shape_cast %get3A_2456 : vector<1x8x1xf32> to vector<8x1xf32>
        %sub3A_2458 = vector.broadcast %get3A_2457 : vector<8x1xf32> to vector<8x512xf32>
        %sub3A_2459 = arith.subf %get3A_2370, %sub3A_2458 : vector<8x512xf32>
        %abs3A_2460 = math.absf %sub3A_2459 : vector<8x512xf32>
        %add3A_2461 = arith.addf %add3A_2350, %abs3A_2460 : vector<8x512xf32>
        %mul3A_2462 = arith.constant 8 : i32
        %mul3A_2463 = arith.muli %scan3A_11, %mul3A_2462 : i32
        %add3A_2464 = arith.constant 7 : i32
        %add3A_2465 = arith.addi %mul3A_2463, %add3A_2464 : i32
        %get3A_2466 = arith.index_cast %add3A_2465 : i32 to index
        %get3A_2467 = arith.constant 168 : index
        %get3A_2468 = arith.constant 0 : index
        %get3A_2469 = vector.load %arg9[%get3A_2466, %get3A_2467, %get3A_2468] : memref<128x256x1xf32, #tpu.memory_space<vmem>>, vector<1x8x1xf32>
        %get3A_2470 = vector.shape_cast %get3A_2469 : vector<1x8x1xf32> to vector<8x1xf32>
        %sub3A_2471 = vector.broadcast %get3A_2470 : vector<8x1xf32> to vector<8x512xf32>
        %sub3A_2472 = arith.subf %get3A_2370, %sub3A_2471 : vector<8x512xf32>
        %abs3A_2473 = math.absf %sub3A_2472 : vector<8x512xf32>
        %add3A_2474 = arith.addf %add3A_2363, %abs3A_2473 : vector<8x512xf32>
        %mul3A_2475 = arith.constant 512 : i32
        %mul3A_2476 = arith.muli %scan3A_17, %mul3A_2475 : i32
        %get3A_2477 = arith.constant 0 : index
        %get3A_2478 = arith.constant 176 : index
        %get3A_2479 = arith.index_cast %mul3A_2476 : i32 to index
        %get3A_2480 = vector.load %arg3[%get3A_2477, %get3A_2478, %get3A_2479] : memref<1x256x2048xf32, #tpu.memory_space<vmem>>, vector<1x8x512xf32>
        %get3A_2481 = vector.shape_cast %get3A_2480 : vector<1x8x512xf32> to vector<8x512xf32>
        %mul3A_2482 = arith.constant 8 : i32
        %mul3A_2483 = arith.muli %scan3A_11, %mul3A_2482 : i32
        %add3A_2484 = arith.constant 0 : i32
        %add3A_2485 = arith.addi %mul3A_2483, %add3A_2484 : i32
        %get3A_2486 = arith.index_cast %add3A_2485 : i32 to index
        %get3A_2487 = arith.constant 176 : index
        %get3A_2488 = arith.constant 0 : index
        %get3A_2489 = vector.load %arg9[%get3A_2486, %get3A_2487, %get3A_2488] : memref<128x256x1xf32, #tpu.memory_space<vmem>>, vector<1x8x1xf32>
        %get3A_2490 = vector.shape_cast %get3A_2489 : vector<1x8x1xf32> to vector<8x1xf32>
        %sub3A_2491 = vector.broadcast %get3A_2490 : vector<8x1xf32> to vector<8x512xf32>
        %sub3A_2492 = arith.subf %get3A_2481, %sub3A_2491 : vector<8x512xf32>
        %abs3A_2493 = math.absf %sub3A_2492 : vector<8x512xf32>
        %add3A_2494 = arith.addf %add3A_2383, %abs3A_2493 : vector<8x512xf32>
        %mul3A_2495 = arith.constant 8 : i32
        %mul3A_2496 = arith.muli %scan3A_11, %mul3A_2495 : i32
        %add3A_2497 = arith.constant 1 : i32
        %add3A_2498 = arith.addi %mul3A_2496, %add3A_2497 : i32
        %get3A_2499 = arith.index_cast %add3A_2498 : i32 to index
        %get3A_2500 = arith.constant 176 : index
        %get3A_2501 = arith.constant 0 : index
        %get3A_2502 = vector.load %arg9[%get3A_2499, %get3A_2500, %get3A_2501] : memref<128x256x1xf32, #tpu.memory_space<vmem>>, vector<1x8x1xf32>
        %get3A_2503 = vector.shape_cast %get3A_2502 : vector<1x8x1xf32> to vector<8x1xf32>
        %sub3A_2504 = vector.broadcast %get3A_2503 : vector<8x1xf32> to vector<8x512xf32>
        %sub3A_2505 = arith.subf %get3A_2481, %sub3A_2504 : vector<8x512xf32>
        %abs3A_2506 = math.absf %sub3A_2505 : vector<8x512xf32>
        %add3A_2507 = arith.addf %add3A_2396, %abs3A_2506 : vector<8x512xf32>
        %mul3A_2508 = arith.constant 8 : i32
        %mul3A_2509 = arith.muli %scan3A_11, %mul3A_2508 : i32
        %add3A_2510 = arith.constant 2 : i32
        %add3A_2511 = arith.addi %mul3A_2509, %add3A_2510 : i32
        %get3A_2512 = arith.index_cast %add3A_2511 : i32 to index
        %get3A_2513 = arith.constant 176 : index
        %get3A_2514 = arith.constant 0 : index
        %get3A_2515 = vector.load %arg9[%get3A_2512, %get3A_2513, %get3A_2514] : memref<128x256x1xf32, #tpu.memory_space<vmem>>, vector<1x8x1xf32>
        %get3A_2516 = vector.shape_cast %get3A_2515 : vector<1x8x1xf32> to vector<8x1xf32>
        %sub3A_2517 = vector.broadcast %get3A_2516 : vector<8x1xf32> to vector<8x512xf32>
        %sub3A_2518 = arith.subf %get3A_2481, %sub3A_2517 : vector<8x512xf32>
        %abs3A_2519 = math.absf %sub3A_2518 : vector<8x512xf32>
        %add3A_2520 = arith.addf %add3A_2409, %abs3A_2519 : vector<8x512xf32>
        %mul3A_2521 = arith.constant 8 : i32
        %mul3A_2522 = arith.muli %scan3A_11, %mul3A_2521 : i32
        %add3A_2523 = arith.constant 3 : i32
        %add3A_2524 = arith.addi %mul3A_2522, %add3A_2523 : i32
        %get3A_2525 = arith.index_cast %add3A_2524 : i32 to index
        %get3A_2526 = arith.constant 176 : index
        %get3A_2527 = arith.constant 0 : index
        %get3A_2528 = vector.load %arg9[%get3A_2525, %get3A_2526, %get3A_2527] : memref<128x256x1xf32, #tpu.memory_space<vmem>>, vector<1x8x1xf32>
        %get3A_2529 = vector.shape_cast %get3A_2528 : vector<1x8x1xf32> to vector<8x1xf32>
        %sub3A_2530 = vector.broadcast %get3A_2529 : vector<8x1xf32> to vector<8x512xf32>
        %sub3A_2531 = arith.subf %get3A_2481, %sub3A_2530 : vector<8x512xf32>
        %abs3A_2532 = math.absf %sub3A_2531 : vector<8x512xf32>
        %add3A_2533 = arith.addf %add3A_2422, %abs3A_2532 : vector<8x512xf32>
        %mul3A_2534 = arith.constant 8 : i32
        %mul3A_2535 = arith.muli %scan3A_11, %mul3A_2534 : i32
        %add3A_2536 = arith.constant 4 : i32
        %add3A_2537 = arith.addi %mul3A_2535, %add3A_2536 : i32
        %get3A_2538 = arith.index_cast %add3A_2537 : i32 to index
        %get3A_2539 = arith.constant 176 : index
        %get3A_2540 = arith.constant 0 : index
        %get3A_2541 = vector.load %arg9[%get3A_2538, %get3A_2539, %get3A_2540] : memref<128x256x1xf32, #tpu.memory_space<vmem>>, vector<1x8x1xf32>
        %get3A_2542 = vector.shape_cast %get3A_2541 : vector<1x8x1xf32> to vector<8x1xf32>
        %sub3A_2543 = vector.broadcast %get3A_2542 : vector<8x1xf32> to vector<8x512xf32>
        %sub3A_2544 = arith.subf %get3A_2481, %sub3A_2543 : vector<8x512xf32>
        %abs3A_2545 = math.absf %sub3A_2544 : vector<8x512xf32>
        %add3A_2546 = arith.addf %add3A_2435, %abs3A_2545 : vector<8x512xf32>
        %mul3A_2547 = arith.constant 8 : i32
        %mul3A_2548 = arith.muli %scan3A_11, %mul3A_2547 : i32
        %add3A_2549 = arith.constant 5 : i32
        %add3A_2550 = arith.addi %mul3A_2548, %add3A_2549 : i32
        %get3A_2551 = arith.index_cast %add3A_2550 : i32 to index
        %get3A_2552 = arith.constant 176 : index
        %get3A_2553 = arith.constant 0 : index
        %get3A_2554 = vector.load %arg9[%get3A_2551, %get3A_2552, %get3A_2553] : memref<128x256x1xf32, #tpu.memory_space<vmem>>, vector<1x8x1xf32>
        %get3A_2555 = vector.shape_cast %get3A_2554 : vector<1x8x1xf32> to vector<8x1xf32>
        %sub3A_2556 = vector.broadcast %get3A_2555 : vector<8x1xf32> to vector<8x512xf32>
        %sub3A_2557 = arith.subf %get3A_2481, %sub3A_2556 : vector<8x512xf32>
        %abs3A_2558 = math.absf %sub3A_2557 : vector<8x512xf32>
        %add3A_2559 = arith.addf %add3A_2448, %abs3A_2558 : vector<8x512xf32>
        %mul3A_2560 = arith.constant 8 : i32
        %mul3A_2561 = arith.muli %scan3A_11, %mul3A_2560 : i32
        %add3A_2562 = arith.constant 6 : i32
        %add3A_2563 = arith.addi %mul3A_2561, %add3A_2562 : i32
        %get3A_2564 = arith.index_cast %add3A_2563 : i32 to index
        %get3A_2565 = arith.constant 176 : index
        %get3A_2566 = arith.constant 0 : index
        %get3A_2567 = vector.load %arg9[%get3A_2564, %get3A_2565, %get3A_2566] : memref<128x256x1xf32, #tpu.memory_space<vmem>>, vector<1x8x1xf32>
        %get3A_2568 = vector.shape_cast %get3A_2567 : vector<1x8x1xf32> to vector<8x1xf32>
        %sub3A_2569 = vector.broadcast %get3A_2568 : vector<8x1xf32> to vector<8x512xf32>
        %sub3A_2570 = arith.subf %get3A_2481, %sub3A_2569 : vector<8x512xf32>
        %abs3A_2571 = math.absf %sub3A_2570 : vector<8x512xf32>
        %add3A_2572 = arith.addf %add3A_2461, %abs3A_2571 : vector<8x512xf32>
        %mul3A_2573 = arith.constant 8 : i32
        %mul3A_2574 = arith.muli %scan3A_11, %mul3A_2573 : i32
        %add3A_2575 = arith.constant 7 : i32
        %add3A_2576 = arith.addi %mul3A_2574, %add3A_2575 : i32
        %get3A_2577 = arith.index_cast %add3A_2576 : i32 to index
        %get3A_2578 = arith.constant 176 : index
        %get3A_2579 = arith.constant 0 : index
        %get3A_2580 = vector.load %arg9[%get3A_2577, %get3A_2578, %get3A_2579] : memref<128x256x1xf32, #tpu.memory_space<vmem>>, vector<1x8x1xf32>
        %get3A_2581 = vector.shape_cast %get3A_2580 : vector<1x8x1xf32> to vector<8x1xf32>
        %sub3A_2582 = vector.broadcast %get3A_2581 : vector<8x1xf32> to vector<8x512xf32>
        %sub3A_2583 = arith.subf %get3A_2481, %sub3A_2582 : vector<8x512xf32>
        %abs3A_2584 = math.absf %sub3A_2583 : vector<8x512xf32>
        %add3A_2585 = arith.addf %add3A_2474, %abs3A_2584 : vector<8x512xf32>
        %mul3A_2586 = arith.constant 512 : i32
        %mul3A_2587 = arith.muli %scan3A_17, %mul3A_2586 : i32
        %get3A_2588 = arith.constant 0 : index
        %get3A_2589 = arith.constant 184 : index
        %get3A_2590 = arith.index_cast %mul3A_2587 : i32 to index
        %get3A_2591 = vector.load %arg3[%get3A_2588, %get3A_2589, %get3A_2590] : memref<1x256x2048xf32, #tpu.memory_space<vmem>>, vector<1x8x512xf32>
        %get3A_2592 = vector.shape_cast %get3A_2591 : vector<1x8x512xf32> to vector<8x512xf32>
        %mul3A_2593 = arith.constant 8 : i32
        %mul3A_2594 = arith.muli %scan3A_11, %mul3A_2593 : i32
        %add3A_2595 = arith.constant 0 : i32
        %add3A_2596 = arith.addi %mul3A_2594, %add3A_2595 : i32
        %get3A_2597 = arith.index_cast %add3A_2596 : i32 to index
        %get3A_2598 = arith.constant 184 : index
        %get3A_2599 = arith.constant 0 : index
        %get3A_2600 = vector.load %arg9[%get3A_2597, %get3A_2598, %get3A_2599] : memref<128x256x1xf32, #tpu.memory_space<vmem>>, vector<1x8x1xf32>
        %get3A_2601 = vector.shape_cast %get3A_2600 : vector<1x8x1xf32> to vector<8x1xf32>
        %sub3A_2602 = vector.broadcast %get3A_2601 : vector<8x1xf32> to vector<8x512xf32>
        %sub3A_2603 = arith.subf %get3A_2592, %sub3A_2602 : vector<8x512xf32>
        %abs3A_2604 = math.absf %sub3A_2603 : vector<8x512xf32>
        %add3A_2605 = arith.addf %add3A_2494, %abs3A_2604 : vector<8x512xf32>
        %mul3A_2606 = arith.constant 8 : i32
        %mul3A_2607 = arith.muli %scan3A_11, %mul3A_2606 : i32
        %add3A_2608 = arith.constant 1 : i32
        %add3A_2609 = arith.addi %mul3A_2607, %add3A_2608 : i32
        %get3A_2610 = arith.index_cast %add3A_2609 : i32 to index
        %get3A_2611 = arith.constant 184 : index
        %get3A_2612 = arith.constant 0 : index
        %get3A_2613 = vector.load %arg9[%get3A_2610, %get3A_2611, %get3A_2612] : memref<128x256x1xf32, #tpu.memory_space<vmem>>, vector<1x8x1xf32>
        %get3A_2614 = vector.shape_cast %get3A_2613 : vector<1x8x1xf32> to vector<8x1xf32>
        %sub3A_2615 = vector.broadcast %get3A_2614 : vector<8x1xf32> to vector<8x512xf32>
        %sub3A_2616 = arith.subf %get3A_2592, %sub3A_2615 : vector<8x512xf32>
        %abs3A_2617 = math.absf %sub3A_2616 : vector<8x512xf32>
        %add3A_2618 = arith.addf %add3A_2507, %abs3A_2617 : vector<8x512xf32>
        %mul3A_2619 = arith.constant 8 : i32
        %mul3A_2620 = arith.muli %scan3A_11, %mul3A_2619 : i32
        %add3A_2621 = arith.constant 2 : i32
        %add3A_2622 = arith.addi %mul3A_2620, %add3A_2621 : i32
        %get3A_2623 = arith.index_cast %add3A_2622 : i32 to index
        %get3A_2624 = arith.constant 184 : index
        %get3A_2625 = arith.constant 0 : index
        %get3A_2626 = vector.load %arg9[%get3A_2623, %get3A_2624, %get3A_2625] : memref<128x256x1xf32, #tpu.memory_space<vmem>>, vector<1x8x1xf32>
        %get3A_2627 = vector.shape_cast %get3A_2626 : vector<1x8x1xf32> to vector<8x1xf32>
        %sub3A_2628 = vector.broadcast %get3A_2627 : vector<8x1xf32> to vector<8x512xf32>
        %sub3A_2629 = arith.subf %get3A_2592, %sub3A_2628 : vector<8x512xf32>
        %abs3A_2630 = math.absf %sub3A_2629 : vector<8x512xf32>
        %add3A_2631 = arith.addf %add3A_2520, %abs3A_2630 : vector<8x512xf32>
        %mul3A_2632 = arith.constant 8 : i32
        %mul3A_2633 = arith.muli %scan3A_11, %mul3A_2632 : i32
        %add3A_2634 = arith.constant 3 : i32
        %add3A_2635 = arith.addi %mul3A_2633, %add3A_2634 : i32
        %get3A_2636 = arith.index_cast %add3A_2635 : i32 to index
        %get3A_2637 = arith.constant 184 : index
        %get3A_2638 = arith.constant 0 : index
        %get3A_2639 = vector.load %arg9[%get3A_2636, %get3A_2637, %get3A_2638] : memref<128x256x1xf32, #tpu.memory_space<vmem>>, vector<1x8x1xf32>
        %get3A_2640 = vector.shape_cast %get3A_2639 : vector<1x8x1xf32> to vector<8x1xf32>
        %sub3A_2641 = vector.broadcast %get3A_2640 : vector<8x1xf32> to vector<8x512xf32>
        %sub3A_2642 = arith.subf %get3A_2592, %sub3A_2641 : vector<8x512xf32>
        %abs3A_2643 = math.absf %sub3A_2642 : vector<8x512xf32>
        %add3A_2644 = arith.addf %add3A_2533, %abs3A_2643 : vector<8x512xf32>
        %mul3A_2645 = arith.constant 8 : i32
        %mul3A_2646 = arith.muli %scan3A_11, %mul3A_2645 : i32
        %add3A_2647 = arith.constant 4 : i32
        %add3A_2648 = arith.addi %mul3A_2646, %add3A_2647 : i32
        %get3A_2649 = arith.index_cast %add3A_2648 : i32 to index
        %get3A_2650 = arith.constant 184 : index
        %get3A_2651 = arith.constant 0 : index
        %get3A_2652 = vector.load %arg9[%get3A_2649, %get3A_2650, %get3A_2651] : memref<128x256x1xf32, #tpu.memory_space<vmem>>, vector<1x8x1xf32>
        %get3A_2653 = vector.shape_cast %get3A_2652 : vector<1x8x1xf32> to vector<8x1xf32>
        %sub3A_2654 = vector.broadcast %get3A_2653 : vector<8x1xf32> to vector<8x512xf32>
        %sub3A_2655 = arith.subf %get3A_2592, %sub3A_2654 : vector<8x512xf32>
        %abs3A_2656 = math.absf %sub3A_2655 : vector<8x512xf32>
        %add3A_2657 = arith.addf %add3A_2546, %abs3A_2656 : vector<8x512xf32>
        %mul3A_2658 = arith.constant 8 : i32
        %mul3A_2659 = arith.muli %scan3A_11, %mul3A_2658 : i32
        %add3A_2660 = arith.constant 5 : i32
        %add3A_2661 = arith.addi %mul3A_2659, %add3A_2660 : i32
        %get3A_2662 = arith.index_cast %add3A_2661 : i32 to index
        %get3A_2663 = arith.constant 184 : index
        %get3A_2664 = arith.constant 0 : index
        %get3A_2665 = vector.load %arg9[%get3A_2662, %get3A_2663, %get3A_2664] : memref<128x256x1xf32, #tpu.memory_space<vmem>>, vector<1x8x1xf32>
        %get3A_2666 = vector.shape_cast %get3A_2665 : vector<1x8x1xf32> to vector<8x1xf32>
        %sub3A_2667 = vector.broadcast %get3A_2666 : vector<8x1xf32> to vector<8x512xf32>
        %sub3A_2668 = arith.subf %get3A_2592, %sub3A_2667 : vector<8x512xf32>
        %abs3A_2669 = math.absf %sub3A_2668 : vector<8x512xf32>
        %add3A_2670 = arith.addf %add3A_2559, %abs3A_2669 : vector<8x512xf32>
        %mul3A_2671 = arith.constant 8 : i32
        %mul3A_2672 = arith.muli %scan3A_11, %mul3A_2671 : i32
        %add3A_2673 = arith.constant 6 : i32
        %add3A_2674 = arith.addi %mul3A_2672, %add3A_2673 : i32
        %get3A_2675 = arith.index_cast %add3A_2674 : i32 to index
        %get3A_2676 = arith.constant 184 : index
        %get3A_2677 = arith.constant 0 : index
        %get3A_2678 = vector.load %arg9[%get3A_2675, %get3A_2676, %get3A_2677] : memref<128x256x1xf32, #tpu.memory_space<vmem>>, vector<1x8x1xf32>
        %get3A_2679 = vector.shape_cast %get3A_2678 : vector<1x8x1xf32> to vector<8x1xf32>
        %sub3A_2680 = vector.broadcast %get3A_2679 : vector<8x1xf32> to vector<8x512xf32>
        %sub3A_2681 = arith.subf %get3A_2592, %sub3A_2680 : vector<8x512xf32>
        %abs3A_2682 = math.absf %sub3A_2681 : vector<8x512xf32>
        %add3A_2683 = arith.addf %add3A_2572, %abs3A_2682 : vector<8x512xf32>
        %mul3A_2684 = arith.constant 8 : i32
        %mul3A_2685 = arith.muli %scan3A_11, %mul3A_2684 : i32
        %add3A_2686 = arith.constant 7 : i32
        %add3A_2687 = arith.addi %mul3A_2685, %add3A_2686 : i32
        %get3A_2688 = arith.index_cast %add3A_2687 : i32 to index
        %get3A_2689 = arith.constant 184 : index
        %get3A_2690 = arith.constant 0 : index
        %get3A_2691 = vector.load %arg9[%get3A_2688, %get3A_2689, %get3A_2690] : memref<128x256x1xf32, #tpu.memory_space<vmem>>, vector<1x8x1xf32>
        %get3A_2692 = vector.shape_cast %get3A_2691 : vector<1x8x1xf32> to vector<8x1xf32>
        %sub3A_2693 = vector.broadcast %get3A_2692 : vector<8x1xf32> to vector<8x512xf32>
        %sub3A_2694 = arith.subf %get3A_2592, %sub3A_2693 : vector<8x512xf32>
        %abs3A_2695 = math.absf %sub3A_2694 : vector<8x512xf32>
        %add3A_2696 = arith.addf %add3A_2585, %abs3A_2695 : vector<8x512xf32>
        %mul3A_2697 = arith.constant 512 : i32
        %mul3A_2698 = arith.muli %scan3A_17, %mul3A_2697 : i32
        %get3A_2699 = arith.constant 0 : index
        %get3A_2700 = arith.constant 192 : index
        %get3A_2701 = arith.index_cast %mul3A_2698 : i32 to index
        %get3A_2702 = vector.load %arg3[%get3A_2699, %get3A_2700, %get3A_2701] : memref<1x256x2048xf32, #tpu.memory_space<vmem>>, vector<1x8x512xf32>
        %get3A_2703 = vector.shape_cast %get3A_2702 : vector<1x8x512xf32> to vector<8x512xf32>
        %mul3A_2704 = arith.constant 8 : i32
        %mul3A_2705 = arith.muli %scan3A_11, %mul3A_2704 : i32
        %add3A_2706 = arith.constant 0 : i32
        %add3A_2707 = arith.addi %mul3A_2705, %add3A_2706 : i32
        %get3A_2708 = arith.index_cast %add3A_2707 : i32 to index
        %get3A_2709 = arith.constant 192 : index
        %get3A_2710 = arith.constant 0 : index
        %get3A_2711 = vector.load %arg9[%get3A_2708, %get3A_2709, %get3A_2710] : memref<128x256x1xf32, #tpu.memory_space<vmem>>, vector<1x8x1xf32>
        %get3A_2712 = vector.shape_cast %get3A_2711 : vector<1x8x1xf32> to vector<8x1xf32>
        %sub3A_2713 = vector.broadcast %get3A_2712 : vector<8x1xf32> to vector<8x512xf32>
        %sub3A_2714 = arith.subf %get3A_2703, %sub3A_2713 : vector<8x512xf32>
        %abs3A_2715 = math.absf %sub3A_2714 : vector<8x512xf32>
        %add3A_2716 = arith.addf %add3A_2605, %abs3A_2715 : vector<8x512xf32>
        %mul3A_2717 = arith.constant 8 : i32
        %mul3A_2718 = arith.muli %scan3A_11, %mul3A_2717 : i32
        %add3A_2719 = arith.constant 1 : i32
        %add3A_2720 = arith.addi %mul3A_2718, %add3A_2719 : i32
        %get3A_2721 = arith.index_cast %add3A_2720 : i32 to index
        %get3A_2722 = arith.constant 192 : index
        %get3A_2723 = arith.constant 0 : index
        %get3A_2724 = vector.load %arg9[%get3A_2721, %get3A_2722, %get3A_2723] : memref<128x256x1xf32, #tpu.memory_space<vmem>>, vector<1x8x1xf32>
        %get3A_2725 = vector.shape_cast %get3A_2724 : vector<1x8x1xf32> to vector<8x1xf32>
        %sub3A_2726 = vector.broadcast %get3A_2725 : vector<8x1xf32> to vector<8x512xf32>
        %sub3A_2727 = arith.subf %get3A_2703, %sub3A_2726 : vector<8x512xf32>
        %abs3A_2728 = math.absf %sub3A_2727 : vector<8x512xf32>
        %add3A_2729 = arith.addf %add3A_2618, %abs3A_2728 : vector<8x512xf32>
        %mul3A_2730 = arith.constant 8 : i32
        %mul3A_2731 = arith.muli %scan3A_11, %mul3A_2730 : i32
        %add3A_2732 = arith.constant 2 : i32
        %add3A_2733 = arith.addi %mul3A_2731, %add3A_2732 : i32
        %get3A_2734 = arith.index_cast %add3A_2733 : i32 to index
        %get3A_2735 = arith.constant 192 : index
        %get3A_2736 = arith.constant 0 : index
        %get3A_2737 = vector.load %arg9[%get3A_2734, %get3A_2735, %get3A_2736] : memref<128x256x1xf32, #tpu.memory_space<vmem>>, vector<1x8x1xf32>
        %get3A_2738 = vector.shape_cast %get3A_2737 : vector<1x8x1xf32> to vector<8x1xf32>
        %sub3A_2739 = vector.broadcast %get3A_2738 : vector<8x1xf32> to vector<8x512xf32>
        %sub3A_2740 = arith.subf %get3A_2703, %sub3A_2739 : vector<8x512xf32>
        %abs3A_2741 = math.absf %sub3A_2740 : vector<8x512xf32>
        %add3A_2742 = arith.addf %add3A_2631, %abs3A_2741 : vector<8x512xf32>
        %mul3A_2743 = arith.constant 8 : i32
        %mul3A_2744 = arith.muli %scan3A_11, %mul3A_2743 : i32
        %add3A_2745 = arith.constant 3 : i32
        %add3A_2746 = arith.addi %mul3A_2744, %add3A_2745 : i32
        %get3A_2747 = arith.index_cast %add3A_2746 : i32 to index
        %get3A_2748 = arith.constant 192 : index
        %get3A_2749 = arith.constant 0 : index
        %get3A_2750 = vector.load %arg9[%get3A_2747, %get3A_2748, %get3A_2749] : memref<128x256x1xf32, #tpu.memory_space<vmem>>, vector<1x8x1xf32>
        %get3A_2751 = vector.shape_cast %get3A_2750 : vector<1x8x1xf32> to vector<8x1xf32>
        %sub3A_2752 = vector.broadcast %get3A_2751 : vector<8x1xf32> to vector<8x512xf32>
        %sub3A_2753 = arith.subf %get3A_2703, %sub3A_2752 : vector<8x512xf32>
        %abs3A_2754 = math.absf %sub3A_2753 : vector<8x512xf32>
        %add3A_2755 = arith.addf %add3A_2644, %abs3A_2754 : vector<8x512xf32>
        %mul3A_2756 = arith.constant 8 : i32
        %mul3A_2757 = arith.muli %scan3A_11, %mul3A_2756 : i32
        %add3A_2758 = arith.constant 4 : i32
        %add3A_2759 = arith.addi %mul3A_2757, %add3A_2758 : i32
        %get3A_2760 = arith.index_cast %add3A_2759 : i32 to index
        %get3A_2761 = arith.constant 192 : index
        %get3A_2762 = arith.constant 0 : index
        %get3A_2763 = vector.load %arg9[%get3A_2760, %get3A_2761, %get3A_2762] : memref<128x256x1xf32, #tpu.memory_space<vmem>>, vector<1x8x1xf32>
        %get3A_2764 = vector.shape_cast %get3A_2763 : vector<1x8x1xf32> to vector<8x1xf32>
        %sub3A_2765 = vector.broadcast %get3A_2764 : vector<8x1xf32> to vector<8x512xf32>
        %sub3A_2766 = arith.subf %get3A_2703, %sub3A_2765 : vector<8x512xf32>
        %abs3A_2767 = math.absf %sub3A_2766 : vector<8x512xf32>
        %add3A_2768 = arith.addf %add3A_2657, %abs3A_2767 : vector<8x512xf32>
        %mul3A_2769 = arith.constant 8 : i32
        %mul3A_2770 = arith.muli %scan3A_11, %mul3A_2769 : i32
        %add3A_2771 = arith.constant 5 : i32
        %add3A_2772 = arith.addi %mul3A_2770, %add3A_2771 : i32
        %get3A_2773 = arith.index_cast %add3A_2772 : i32 to index
        %get3A_2774 = arith.constant 192 : index
        %get3A_2775 = arith.constant 0 : index
        %get3A_2776 = vector.load %arg9[%get3A_2773, %get3A_2774, %get3A_2775] : memref<128x256x1xf32, #tpu.memory_space<vmem>>, vector<1x8x1xf32>
        %get3A_2777 = vector.shape_cast %get3A_2776 : vector<1x8x1xf32> to vector<8x1xf32>
        %sub3A_2778 = vector.broadcast %get3A_2777 : vector<8x1xf32> to vector<8x512xf32>
        %sub3A_2779 = arith.subf %get3A_2703, %sub3A_2778 : vector<8x512xf32>
        %abs3A_2780 = math.absf %sub3A_2779 : vector<8x512xf32>
        %add3A_2781 = arith.addf %add3A_2670, %abs3A_2780 : vector<8x512xf32>
        %mul3A_2782 = arith.constant 8 : i32
        %mul3A_2783 = arith.muli %scan3A_11, %mul3A_2782 : i32
        %add3A_2784 = arith.constant 6 : i32
        %add3A_2785 = arith.addi %mul3A_2783, %add3A_2784 : i32
        %get3A_2786 = arith.index_cast %add3A_2785 : i32 to index
        %get3A_2787 = arith.constant 192 : index
        %get3A_2788 = arith.constant 0 : index
        %get3A_2789 = vector.load %arg9[%get3A_2786, %get3A_2787, %get3A_2788] : memref<128x256x1xf32, #tpu.memory_space<vmem>>, vector<1x8x1xf32>
        %get3A_2790 = vector.shape_cast %get3A_2789 : vector<1x8x1xf32> to vector<8x1xf32>
        %sub3A_2791 = vector.broadcast %get3A_2790 : vector<8x1xf32> to vector<8x512xf32>
        %sub3A_2792 = arith.subf %get3A_2703, %sub3A_2791 : vector<8x512xf32>
        %abs3A_2793 = math.absf %sub3A_2792 : vector<8x512xf32>
        %add3A_2794 = arith.addf %add3A_2683, %abs3A_2793 : vector<8x512xf32>
        %mul3A_2795 = arith.constant 8 : i32
        %mul3A_2796 = arith.muli %scan3A_11, %mul3A_2795 : i32
        %add3A_2797 = arith.constant 7 : i32
        %add3A_2798 = arith.addi %mul3A_2796, %add3A_2797 : i32
        %get3A_2799 = arith.index_cast %add3A_2798 : i32 to index
        %get3A_2800 = arith.constant 192 : index
        %get3A_2801 = arith.constant 0 : index
        %get3A_2802 = vector.load %arg9[%get3A_2799, %get3A_2800, %get3A_2801] : memref<128x256x1xf32, #tpu.memory_space<vmem>>, vector<1x8x1xf32>
        %get3A_2803 = vector.shape_cast %get3A_2802 : vector<1x8x1xf32> to vector<8x1xf32>
        %sub3A_2804 = vector.broadcast %get3A_2803 : vector<8x1xf32> to vector<8x512xf32>
        %sub3A_2805 = arith.subf %get3A_2703, %sub3A_2804 : vector<8x512xf32>
        %abs3A_2806 = math.absf %sub3A_2805 : vector<8x512xf32>
        %add3A_2807 = arith.addf %add3A_2696, %abs3A_2806 : vector<8x512xf32>
        %mul3A_2808 = arith.constant 512 : i32
        %mul3A_2809 = arith.muli %scan3A_17, %mul3A_2808 : i32
        %get3A_2810 = arith.constant 0 : index
        %get3A_2811 = arith.constant 200 : index
        %get3A_2812 = arith.index_cast %mul3A_2809 : i32 to index
        %get3A_2813 = vector.load %arg3[%get3A_2810, %get3A_2811, %get3A_2812] : memref<1x256x2048xf32, #tpu.memory_space<vmem>>, vector<1x8x512xf32>
        %get3A_2814 = vector.shape_cast %get3A_2813 : vector<1x8x512xf32> to vector<8x512xf32>
        %mul3A_2815 = arith.constant 8 : i32
        %mul3A_2816 = arith.muli %scan3A_11, %mul3A_2815 : i32
        %add3A_2817 = arith.constant 0 : i32
        %add3A_2818 = arith.addi %mul3A_2816, %add3A_2817 : i32
        %get3A_2819 = arith.index_cast %add3A_2818 : i32 to index
        %get3A_2820 = arith.constant 200 : index
        %get3A_2821 = arith.constant 0 : index
        %get3A_2822 = vector.load %arg9[%get3A_2819, %get3A_2820, %get3A_2821] : memref<128x256x1xf32, #tpu.memory_space<vmem>>, vector<1x8x1xf32>
        %get3A_2823 = vector.shape_cast %get3A_2822 : vector<1x8x1xf32> to vector<8x1xf32>
        %sub3A_2824 = vector.broadcast %get3A_2823 : vector<8x1xf32> to vector<8x512xf32>
        %sub3A_2825 = arith.subf %get3A_2814, %sub3A_2824 : vector<8x512xf32>
        %abs3A_2826 = math.absf %sub3A_2825 : vector<8x512xf32>
        %add3A_2827 = arith.addf %add3A_2716, %abs3A_2826 : vector<8x512xf32>
        %mul3A_2828 = arith.constant 8 : i32
        %mul3A_2829 = arith.muli %scan3A_11, %mul3A_2828 : i32
        %add3A_2830 = arith.constant 1 : i32
        %add3A_2831 = arith.addi %mul3A_2829, %add3A_2830 : i32
        %get3A_2832 = arith.index_cast %add3A_2831 : i32 to index
        %get3A_2833 = arith.constant 200 : index
        %get3A_2834 = arith.constant 0 : index
        %get3A_2835 = vector.load %arg9[%get3A_2832, %get3A_2833, %get3A_2834] : memref<128x256x1xf32, #tpu.memory_space<vmem>>, vector<1x8x1xf32>
        %get3A_2836 = vector.shape_cast %get3A_2835 : vector<1x8x1xf32> to vector<8x1xf32>
        %sub3A_2837 = vector.broadcast %get3A_2836 : vector<8x1xf32> to vector<8x512xf32>
        %sub3A_2838 = arith.subf %get3A_2814, %sub3A_2837 : vector<8x512xf32>
        %abs3A_2839 = math.absf %sub3A_2838 : vector<8x512xf32>
        %add3A_2840 = arith.addf %add3A_2729, %abs3A_2839 : vector<8x512xf32>
        %mul3A_2841 = arith.constant 8 : i32
        %mul3A_2842 = arith.muli %scan3A_11, %mul3A_2841 : i32
        %add3A_2843 = arith.constant 2 : i32
        %add3A_2844 = arith.addi %mul3A_2842, %add3A_2843 : i32
        %get3A_2845 = arith.index_cast %add3A_2844 : i32 to index
        %get3A_2846 = arith.constant 200 : index
        %get3A_2847 = arith.constant 0 : index
        %get3A_2848 = vector.load %arg9[%get3A_2845, %get3A_2846, %get3A_2847] : memref<128x256x1xf32, #tpu.memory_space<vmem>>, vector<1x8x1xf32>
        %get3A_2849 = vector.shape_cast %get3A_2848 : vector<1x8x1xf32> to vector<8x1xf32>
        %sub3A_2850 = vector.broadcast %get3A_2849 : vector<8x1xf32> to vector<8x512xf32>
        %sub3A_2851 = arith.subf %get3A_2814, %sub3A_2850 : vector<8x512xf32>
        %abs3A_2852 = math.absf %sub3A_2851 : vector<8x512xf32>
        %add3A_2853 = arith.addf %add3A_2742, %abs3A_2852 : vector<8x512xf32>
        %mul3A_2854 = arith.constant 8 : i32
        %mul3A_2855 = arith.muli %scan3A_11, %mul3A_2854 : i32
        %add3A_2856 = arith.constant 3 : i32
        %add3A_2857 = arith.addi %mul3A_2855, %add3A_2856 : i32
        %get3A_2858 = arith.index_cast %add3A_2857 : i32 to index
        %get3A_2859 = arith.constant 200 : index
        %get3A_2860 = arith.constant 0 : index
        %get3A_2861 = vector.load %arg9[%get3A_2858, %get3A_2859, %get3A_2860] : memref<128x256x1xf32, #tpu.memory_space<vmem>>, vector<1x8x1xf32>
        %get3A_2862 = vector.shape_cast %get3A_2861 : vector<1x8x1xf32> to vector<8x1xf32>
        %sub3A_2863 = vector.broadcast %get3A_2862 : vector<8x1xf32> to vector<8x512xf32>
        %sub3A_2864 = arith.subf %get3A_2814, %sub3A_2863 : vector<8x512xf32>
        %abs3A_2865 = math.absf %sub3A_2864 : vector<8x512xf32>
        %add3A_2866 = arith.addf %add3A_2755, %abs3A_2865 : vector<8x512xf32>
        %mul3A_2867 = arith.constant 8 : i32
        %mul3A_2868 = arith.muli %scan3A_11, %mul3A_2867 : i32
        %add3A_2869 = arith.constant 4 : i32
        %add3A_2870 = arith.addi %mul3A_2868, %add3A_2869 : i32
        %get3A_2871 = arith.index_cast %add3A_2870 : i32 to index
        %get3A_2872 = arith.constant 200 : index
        %get3A_2873 = arith.constant 0 : index
        %get3A_2874 = vector.load %arg9[%get3A_2871, %get3A_2872, %get3A_2873] : memref<128x256x1xf32, #tpu.memory_space<vmem>>, vector<1x8x1xf32>
        %get3A_2875 = vector.shape_cast %get3A_2874 : vector<1x8x1xf32> to vector<8x1xf32>
        %sub3A_2876 = vector.broadcast %get3A_2875 : vector<8x1xf32> to vector<8x512xf32>
        %sub3A_2877 = arith.subf %get3A_2814, %sub3A_2876 : vector<8x512xf32>
        %abs3A_2878 = math.absf %sub3A_2877 : vector<8x512xf32>
        %add3A_2879 = arith.addf %add3A_2768, %abs3A_2878 : vector<8x512xf32>
        %mul3A_2880 = arith.constant 8 : i32
        %mul3A_2881 = arith.muli %scan3A_11, %mul3A_2880 : i32
        %add3A_2882 = arith.constant 5 : i32
        %add3A_2883 = arith.addi %mul3A_2881, %add3A_2882 : i32
        %get3A_2884 = arith.index_cast %add3A_2883 : i32 to index
        %get3A_2885 = arith.constant 200 : index
        %get3A_2886 = arith.constant 0 : index
        %get3A_2887 = vector.load %arg9[%get3A_2884, %get3A_2885, %get3A_2886] : memref<128x256x1xf32, #tpu.memory_space<vmem>>, vector<1x8x1xf32>
        %get3A_2888 = vector.shape_cast %get3A_2887 : vector<1x8x1xf32> to vector<8x1xf32>
        %sub3A_2889 = vector.broadcast %get3A_2888 : vector<8x1xf32> to vector<8x512xf32>
        %sub3A_2890 = arith.subf %get3A_2814, %sub3A_2889 : vector<8x512xf32>
        %abs3A_2891 = math.absf %sub3A_2890 : vector<8x512xf32>
        %add3A_2892 = arith.addf %add3A_2781, %abs3A_2891 : vector<8x512xf32>
        %mul3A_2893 = arith.constant 8 : i32
        %mul3A_2894 = arith.muli %scan3A_11, %mul3A_2893 : i32
        %add3A_2895 = arith.constant 6 : i32
        %add3A_2896 = arith.addi %mul3A_2894, %add3A_2895 : i32
        %get3A_2897 = arith.index_cast %add3A_2896 : i32 to index
        %get3A_2898 = arith.constant 200 : index
        %get3A_2899 = arith.constant 0 : index
        %get3A_2900 = vector.load %arg9[%get3A_2897, %get3A_2898, %get3A_2899] : memref<128x256x1xf32, #tpu.memory_space<vmem>>, vector<1x8x1xf32>
        %get3A_2901 = vector.shape_cast %get3A_2900 : vector<1x8x1xf32> to vector<8x1xf32>
        %sub3A_2902 = vector.broadcast %get3A_2901 : vector<8x1xf32> to vector<8x512xf32>
        %sub3A_2903 = arith.subf %get3A_2814, %sub3A_2902 : vector<8x512xf32>
        %abs3A_2904 = math.absf %sub3A_2903 : vector<8x512xf32>
        %add3A_2905 = arith.addf %add3A_2794, %abs3A_2904 : vector<8x512xf32>
        %mul3A_2906 = arith.constant 8 : i32
        %mul3A_2907 = arith.muli %scan3A_11, %mul3A_2906 : i32
        %add3A_2908 = arith.constant 7 : i32
        %add3A_2909 = arith.addi %mul3A_2907, %add3A_2908 : i32
        %get3A_2910 = arith.index_cast %add3A_2909 : i32 to index
        %get3A_2911 = arith.constant 200 : index
        %get3A_2912 = arith.constant 0 : index
        %get3A_2913 = vector.load %arg9[%get3A_2910, %get3A_2911, %get3A_2912] : memref<128x256x1xf32, #tpu.memory_space<vmem>>, vector<1x8x1xf32>
        %get3A_2914 = vector.shape_cast %get3A_2913 : vector<1x8x1xf32> to vector<8x1xf32>
        %sub3A_2915 = vector.broadcast %get3A_2914 : vector<8x1xf32> to vector<8x512xf32>
        %sub3A_2916 = arith.subf %get3A_2814, %sub3A_2915 : vector<8x512xf32>
        %abs3A_2917 = math.absf %sub3A_2916 : vector<8x512xf32>
        %add3A_2918 = arith.addf %add3A_2807, %abs3A_2917 : vector<8x512xf32>
        %mul3A_2919 = arith.constant 512 : i32
        %mul3A_2920 = arith.muli %scan3A_17, %mul3A_2919 : i32
        %get3A_2921 = arith.constant 0 : index
        %get3A_2922 = arith.constant 208 : index
        %get3A_2923 = arith.index_cast %mul3A_2920 : i32 to index
        %get3A_2924 = vector.load %arg3[%get3A_2921, %get3A_2922, %get3A_2923] : memref<1x256x2048xf32, #tpu.memory_space<vmem>>, vector<1x8x512xf32>
        %get3A_2925 = vector.shape_cast %get3A_2924 : vector<1x8x512xf32> to vector<8x512xf32>
        %mul3A_2926 = arith.constant 8 : i32
        %mul3A_2927 = arith.muli %scan3A_11, %mul3A_2926 : i32
        %add3A_2928 = arith.constant 0 : i32
        %add3A_2929 = arith.addi %mul3A_2927, %add3A_2928 : i32
        %get3A_2930 = arith.index_cast %add3A_2929 : i32 to index
        %get3A_2931 = arith.constant 208 : index
        %get3A_2932 = arith.constant 0 : index
        %get3A_2933 = vector.load %arg9[%get3A_2930, %get3A_2931, %get3A_2932] : memref<128x256x1xf32, #tpu.memory_space<vmem>>, vector<1x8x1xf32>
        %get3A_2934 = vector.shape_cast %get3A_2933 : vector<1x8x1xf32> to vector<8x1xf32>
        %sub3A_2935 = vector.broadcast %get3A_2934 : vector<8x1xf32> to vector<8x512xf32>
        %sub3A_2936 = arith.subf %get3A_2925, %sub3A_2935 : vector<8x512xf32>
        %abs3A_2937 = math.absf %sub3A_2936 : vector<8x512xf32>
        %add3A_2938 = arith.addf %add3A_2827, %abs3A_2937 : vector<8x512xf32>
        %mul3A_2939 = arith.constant 8 : i32
        %mul3A_2940 = arith.muli %scan3A_11, %mul3A_2939 : i32
        %add3A_2941 = arith.constant 1 : i32
        %add3A_2942 = arith.addi %mul3A_2940, %add3A_2941 : i32
        %get3A_2943 = arith.index_cast %add3A_2942 : i32 to index
        %get3A_2944 = arith.constant 208 : index
        %get3A_2945 = arith.constant 0 : index
        %get3A_2946 = vector.load %arg9[%get3A_2943, %get3A_2944, %get3A_2945] : memref<128x256x1xf32, #tpu.memory_space<vmem>>, vector<1x8x1xf32>
        %get3A_2947 = vector.shape_cast %get3A_2946 : vector<1x8x1xf32> to vector<8x1xf32>
        %sub3A_2948 = vector.broadcast %get3A_2947 : vector<8x1xf32> to vector<8x512xf32>
        %sub3A_2949 = arith.subf %get3A_2925, %sub3A_2948 : vector<8x512xf32>
        %abs3A_2950 = math.absf %sub3A_2949 : vector<8x512xf32>
        %add3A_2951 = arith.addf %add3A_2840, %abs3A_2950 : vector<8x512xf32>
        %mul3A_2952 = arith.constant 8 : i32
        %mul3A_2953 = arith.muli %scan3A_11, %mul3A_2952 : i32
        %add3A_2954 = arith.constant 2 : i32
        %add3A_2955 = arith.addi %mul3A_2953, %add3A_2954 : i32
        %get3A_2956 = arith.index_cast %add3A_2955 : i32 to index
        %get3A_2957 = arith.constant 208 : index
        %get3A_2958 = arith.constant 0 : index
        %get3A_2959 = vector.load %arg9[%get3A_2956, %get3A_2957, %get3A_2958] : memref<128x256x1xf32, #tpu.memory_space<vmem>>, vector<1x8x1xf32>
        %get3A_2960 = vector.shape_cast %get3A_2959 : vector<1x8x1xf32> to vector<8x1xf32>
        %sub3A_2961 = vector.broadcast %get3A_2960 : vector<8x1xf32> to vector<8x512xf32>
        %sub3A_2962 = arith.subf %get3A_2925, %sub3A_2961 : vector<8x512xf32>
        %abs3A_2963 = math.absf %sub3A_2962 : vector<8x512xf32>
        %add3A_2964 = arith.addf %add3A_2853, %abs3A_2963 : vector<8x512xf32>
        %mul3A_2965 = arith.constant 8 : i32
        %mul3A_2966 = arith.muli %scan3A_11, %mul3A_2965 : i32
        %add3A_2967 = arith.constant 3 : i32
        %add3A_2968 = arith.addi %mul3A_2966, %add3A_2967 : i32
        %get3A_2969 = arith.index_cast %add3A_2968 : i32 to index
        %get3A_2970 = arith.constant 208 : index
        %get3A_2971 = arith.constant 0 : index
        %get3A_2972 = vector.load %arg9[%get3A_2969, %get3A_2970, %get3A_2971] : memref<128x256x1xf32, #tpu.memory_space<vmem>>, vector<1x8x1xf32>
        %get3A_2973 = vector.shape_cast %get3A_2972 : vector<1x8x1xf32> to vector<8x1xf32>
        %sub3A_2974 = vector.broadcast %get3A_2973 : vector<8x1xf32> to vector<8x512xf32>
        %sub3A_2975 = arith.subf %get3A_2925, %sub3A_2974 : vector<8x512xf32>
        %abs3A_2976 = math.absf %sub3A_2975 : vector<8x512xf32>
        %add3A_2977 = arith.addf %add3A_2866, %abs3A_2976 : vector<8x512xf32>
        %mul3A_2978 = arith.constant 8 : i32
        %mul3A_2979 = arith.muli %scan3A_11, %mul3A_2978 : i32
        %add3A_2980 = arith.constant 4 : i32
        %add3A_2981 = arith.addi %mul3A_2979, %add3A_2980 : i32
        %get3A_2982 = arith.index_cast %add3A_2981 : i32 to index
        %get3A_2983 = arith.constant 208 : index
        %get3A_2984 = arith.constant 0 : index
        %get3A_2985 = vector.load %arg9[%get3A_2982, %get3A_2983, %get3A_2984] : memref<128x256x1xf32, #tpu.memory_space<vmem>>, vector<1x8x1xf32>
        %get3A_2986 = vector.shape_cast %get3A_2985 : vector<1x8x1xf32> to vector<8x1xf32>
        %sub3A_2987 = vector.broadcast %get3A_2986 : vector<8x1xf32> to vector<8x512xf32>
        %sub3A_2988 = arith.subf %get3A_2925, %sub3A_2987 : vector<8x512xf32>
        %abs3A_2989 = math.absf %sub3A_2988 : vector<8x512xf32>
        %add3A_2990 = arith.addf %add3A_2879, %abs3A_2989 : vector<8x512xf32>
        %mul3A_2991 = arith.constant 8 : i32
        %mul3A_2992 = arith.muli %scan3A_11, %mul3A_2991 : i32
        %add3A_2993 = arith.constant 5 : i32
        %add3A_2994 = arith.addi %mul3A_2992, %add3A_2993 : i32
        %get3A_2995 = arith.index_cast %add3A_2994 : i32 to index
        %get3A_2996 = arith.constant 208 : index
        %get3A_2997 = arith.constant 0 : index
        %get3A_2998 = vector.load %arg9[%get3A_2995, %get3A_2996, %get3A_2997] : memref<128x256x1xf32, #tpu.memory_space<vmem>>, vector<1x8x1xf32>
        %get3A_2999 = vector.shape_cast %get3A_2998 : vector<1x8x1xf32> to vector<8x1xf32>
        %sub3A_3000 = vector.broadcast %get3A_2999 : vector<8x1xf32> to vector<8x512xf32>
        %sub3A_3001 = arith.subf %get3A_2925, %sub3A_3000 : vector<8x512xf32>
        %abs3A_3002 = math.absf %sub3A_3001 : vector<8x512xf32>
        %add3A_3003 = arith.addf %add3A_2892, %abs3A_3002 : vector<8x512xf32>
        %mul3A_3004 = arith.constant 8 : i32
        %mul3A_3005 = arith.muli %scan3A_11, %mul3A_3004 : i32
        %add3A_3006 = arith.constant 6 : i32
        %add3A_3007 = arith.addi %mul3A_3005, %add3A_3006 : i32
        %get3A_3008 = arith.index_cast %add3A_3007 : i32 to index
        %get3A_3009 = arith.constant 208 : index
        %get3A_3010 = arith.constant 0 : index
        %get3A_3011 = vector.load %arg9[%get3A_3008, %get3A_3009, %get3A_3010] : memref<128x256x1xf32, #tpu.memory_space<vmem>>, vector<1x8x1xf32>
        %get3A_3012 = vector.shape_cast %get3A_3011 : vector<1x8x1xf32> to vector<8x1xf32>
        %sub3A_3013 = vector.broadcast %get3A_3012 : vector<8x1xf32> to vector<8x512xf32>
        %sub3A_3014 = arith.subf %get3A_2925, %sub3A_3013 : vector<8x512xf32>
        %abs3A_3015 = math.absf %sub3A_3014 : vector<8x512xf32>
        %add3A_3016 = arith.addf %add3A_2905, %abs3A_3015 : vector<8x512xf32>
        %mul3A_3017 = arith.constant 8 : i32
        %mul3A_3018 = arith.muli %scan3A_11, %mul3A_3017 : i32
        %add3A_3019 = arith.constant 7 : i32
        %add3A_3020 = arith.addi %mul3A_3018, %add3A_3019 : i32
        %get3A_3021 = arith.index_cast %add3A_3020 : i32 to index
        %get3A_3022 = arith.constant 208 : index
        %get3A_3023 = arith.constant 0 : index
        %get3A_3024 = vector.load %arg9[%get3A_3021, %get3A_3022, %get3A_3023] : memref<128x256x1xf32, #tpu.memory_space<vmem>>, vector<1x8x1xf32>
        %get3A_3025 = vector.shape_cast %get3A_3024 : vector<1x8x1xf32> to vector<8x1xf32>
        %sub3A_3026 = vector.broadcast %get3A_3025 : vector<8x1xf32> to vector<8x512xf32>
        %sub3A_3027 = arith.subf %get3A_2925, %sub3A_3026 : vector<8x512xf32>
        %abs3A_3028 = math.absf %sub3A_3027 : vector<8x512xf32>
        %add3A_3029 = arith.addf %add3A_2918, %abs3A_3028 : vector<8x512xf32>
        %mul3A_3030 = arith.constant 512 : i32
        %mul3A_3031 = arith.muli %scan3A_17, %mul3A_3030 : i32
        %get3A_3032 = arith.constant 0 : index
        %get3A_3033 = arith.constant 216 : index
        %get3A_3034 = arith.index_cast %mul3A_3031 : i32 to index
        %get3A_3035 = vector.load %arg3[%get3A_3032, %get3A_3033, %get3A_3034] : memref<1x256x2048xf32, #tpu.memory_space<vmem>>, vector<1x8x512xf32>
        %get3A_3036 = vector.shape_cast %get3A_3035 : vector<1x8x512xf32> to vector<8x512xf32>
        %mul3A_3037 = arith.constant 8 : i32
        %mul3A_3038 = arith.muli %scan3A_11, %mul3A_3037 : i32
        %add3A_3039 = arith.constant 0 : i32
        %add3A_3040 = arith.addi %mul3A_3038, %add3A_3039 : i32
        %get3A_3041 = arith.index_cast %add3A_3040 : i32 to index
        %get3A_3042 = arith.constant 216 : index
        %get3A_3043 = arith.constant 0 : index
        %get3A_3044 = vector.load %arg9[%get3A_3041, %get3A_3042, %get3A_3043] : memref<128x256x1xf32, #tpu.memory_space<vmem>>, vector<1x8x1xf32>
        %get3A_3045 = vector.shape_cast %get3A_3044 : vector<1x8x1xf32> to vector<8x1xf32>
        %sub3A_3046 = vector.broadcast %get3A_3045 : vector<8x1xf32> to vector<8x512xf32>
        %sub3A_3047 = arith.subf %get3A_3036, %sub3A_3046 : vector<8x512xf32>
        %abs3A_3048 = math.absf %sub3A_3047 : vector<8x512xf32>
        %add3A_3049 = arith.addf %add3A_2938, %abs3A_3048 : vector<8x512xf32>
        %mul3A_3050 = arith.constant 8 : i32
        %mul3A_3051 = arith.muli %scan3A_11, %mul3A_3050 : i32
        %add3A_3052 = arith.constant 1 : i32
        %add3A_3053 = arith.addi %mul3A_3051, %add3A_3052 : i32
        %get3A_3054 = arith.index_cast %add3A_3053 : i32 to index
        %get3A_3055 = arith.constant 216 : index
        %get3A_3056 = arith.constant 0 : index
        %get3A_3057 = vector.load %arg9[%get3A_3054, %get3A_3055, %get3A_3056] : memref<128x256x1xf32, #tpu.memory_space<vmem>>, vector<1x8x1xf32>
        %get3A_3058 = vector.shape_cast %get3A_3057 : vector<1x8x1xf32> to vector<8x1xf32>
        %sub3A_3059 = vector.broadcast %get3A_3058 : vector<8x1xf32> to vector<8x512xf32>
        %sub3A_3060 = arith.subf %get3A_3036, %sub3A_3059 : vector<8x512xf32>
        %abs3A_3061 = math.absf %sub3A_3060 : vector<8x512xf32>
        %add3A_3062 = arith.addf %add3A_2951, %abs3A_3061 : vector<8x512xf32>
        %mul3A_3063 = arith.constant 8 : i32
        %mul3A_3064 = arith.muli %scan3A_11, %mul3A_3063 : i32
        %add3A_3065 = arith.constant 2 : i32
        %add3A_3066 = arith.addi %mul3A_3064, %add3A_3065 : i32
        %get3A_3067 = arith.index_cast %add3A_3066 : i32 to index
        %get3A_3068 = arith.constant 216 : index
        %get3A_3069 = arith.constant 0 : index
        %get3A_3070 = vector.load %arg9[%get3A_3067, %get3A_3068, %get3A_3069] : memref<128x256x1xf32, #tpu.memory_space<vmem>>, vector<1x8x1xf32>
        %get3A_3071 = vector.shape_cast %get3A_3070 : vector<1x8x1xf32> to vector<8x1xf32>
        %sub3A_3072 = vector.broadcast %get3A_3071 : vector<8x1xf32> to vector<8x512xf32>
        %sub3A_3073 = arith.subf %get3A_3036, %sub3A_3072 : vector<8x512xf32>
        %abs3A_3074 = math.absf %sub3A_3073 : vector<8x512xf32>
        %add3A_3075 = arith.addf %add3A_2964, %abs3A_3074 : vector<8x512xf32>
        %mul3A_3076 = arith.constant 8 : i32
        %mul3A_3077 = arith.muli %scan3A_11, %mul3A_3076 : i32
        %add3A_3078 = arith.constant 3 : i32
        %add3A_3079 = arith.addi %mul3A_3077, %add3A_3078 : i32
        %get3A_3080 = arith.index_cast %add3A_3079 : i32 to index
        %get3A_3081 = arith.constant 216 : index
        %get3A_3082 = arith.constant 0 : index
        %get3A_3083 = vector.load %arg9[%get3A_3080, %get3A_3081, %get3A_3082] : memref<128x256x1xf32, #tpu.memory_space<vmem>>, vector<1x8x1xf32>
        %get3A_3084 = vector.shape_cast %get3A_3083 : vector<1x8x1xf32> to vector<8x1xf32>
        %sub3A_3085 = vector.broadcast %get3A_3084 : vector<8x1xf32> to vector<8x512xf32>
        %sub3A_3086 = arith.subf %get3A_3036, %sub3A_3085 : vector<8x512xf32>
        %abs3A_3087 = math.absf %sub3A_3086 : vector<8x512xf32>
        %add3A_3088 = arith.addf %add3A_2977, %abs3A_3087 : vector<8x512xf32>
        %mul3A_3089 = arith.constant 8 : i32
        %mul3A_3090 = arith.muli %scan3A_11, %mul3A_3089 : i32
        %add3A_3091 = arith.constant 4 : i32
        %add3A_3092 = arith.addi %mul3A_3090, %add3A_3091 : i32
        %get3A_3093 = arith.index_cast %add3A_3092 : i32 to index
        %get3A_3094 = arith.constant 216 : index
        %get3A_3095 = arith.constant 0 : index
        %get3A_3096 = vector.load %arg9[%get3A_3093, %get3A_3094, %get3A_3095] : memref<128x256x1xf32, #tpu.memory_space<vmem>>, vector<1x8x1xf32>
        %get3A_3097 = vector.shape_cast %get3A_3096 : vector<1x8x1xf32> to vector<8x1xf32>
        %sub3A_3098 = vector.broadcast %get3A_3097 : vector<8x1xf32> to vector<8x512xf32>
        %sub3A_3099 = arith.subf %get3A_3036, %sub3A_3098 : vector<8x512xf32>
        %abs3A_3100 = math.absf %sub3A_3099 : vector<8x512xf32>
        %add3A_3101 = arith.addf %add3A_2990, %abs3A_3100 : vector<8x512xf32>
        %mul3A_3102 = arith.constant 8 : i32
        %mul3A_3103 = arith.muli %scan3A_11, %mul3A_3102 : i32
        %add3A_3104 = arith.constant 5 : i32
        %add3A_3105 = arith.addi %mul3A_3103, %add3A_3104 : i32
        %get3A_3106 = arith.index_cast %add3A_3105 : i32 to index
        %get3A_3107 = arith.constant 216 : index
        %get3A_3108 = arith.constant 0 : index
        %get3A_3109 = vector.load %arg9[%get3A_3106, %get3A_3107, %get3A_3108] : memref<128x256x1xf32, #tpu.memory_space<vmem>>, vector<1x8x1xf32>
        %get3A_3110 = vector.shape_cast %get3A_3109 : vector<1x8x1xf32> to vector<8x1xf32>
        %sub3A_3111 = vector.broadcast %get3A_3110 : vector<8x1xf32> to vector<8x512xf32>
        %sub3A_3112 = arith.subf %get3A_3036, %sub3A_3111 : vector<8x512xf32>
        %abs3A_3113 = math.absf %sub3A_3112 : vector<8x512xf32>
        %add3A_3114 = arith.addf %add3A_3003, %abs3A_3113 : vector<8x512xf32>
        %mul3A_3115 = arith.constant 8 : i32
        %mul3A_3116 = arith.muli %scan3A_11, %mul3A_3115 : i32
        %add3A_3117 = arith.constant 6 : i32
        %add3A_3118 = arith.addi %mul3A_3116, %add3A_3117 : i32
        %get3A_3119 = arith.index_cast %add3A_3118 : i32 to index
        %get3A_3120 = arith.constant 216 : index
        %get3A_3121 = arith.constant 0 : index
        %get3A_3122 = vector.load %arg9[%get3A_3119, %get3A_3120, %get3A_3121] : memref<128x256x1xf32, #tpu.memory_space<vmem>>, vector<1x8x1xf32>
        %get3A_3123 = vector.shape_cast %get3A_3122 : vector<1x8x1xf32> to vector<8x1xf32>
        %sub3A_3124 = vector.broadcast %get3A_3123 : vector<8x1xf32> to vector<8x512xf32>
        %sub3A_3125 = arith.subf %get3A_3036, %sub3A_3124 : vector<8x512xf32>
        %abs3A_3126 = math.absf %sub3A_3125 : vector<8x512xf32>
        %add3A_3127 = arith.addf %add3A_3016, %abs3A_3126 : vector<8x512xf32>
        %mul3A_3128 = arith.constant 8 : i32
        %mul3A_3129 = arith.muli %scan3A_11, %mul3A_3128 : i32
        %add3A_3130 = arith.constant 7 : i32
        %add3A_3131 = arith.addi %mul3A_3129, %add3A_3130 : i32
        %get3A_3132 = arith.index_cast %add3A_3131 : i32 to index
        %get3A_3133 = arith.constant 216 : index
        %get3A_3134 = arith.constant 0 : index
        %get3A_3135 = vector.load %arg9[%get3A_3132, %get3A_3133, %get3A_3134] : memref<128x256x1xf32, #tpu.memory_space<vmem>>, vector<1x8x1xf32>
        %get3A_3136 = vector.shape_cast %get3A_3135 : vector<1x8x1xf32> to vector<8x1xf32>
        %sub3A_3137 = vector.broadcast %get3A_3136 : vector<8x1xf32> to vector<8x512xf32>
        %sub3A_3138 = arith.subf %get3A_3036, %sub3A_3137 : vector<8x512xf32>
        %abs3A_3139 = math.absf %sub3A_3138 : vector<8x512xf32>
        %add3A_3140 = arith.addf %add3A_3029, %abs3A_3139 : vector<8x512xf32>
        %mul3A_3141 = arith.constant 512 : i32
        %mul3A_3142 = arith.muli %scan3A_17, %mul3A_3141 : i32
        %get3A_3143 = arith.constant 0 : index
        %get3A_3144 = arith.constant 224 : index
        %get3A_3145 = arith.index_cast %mul3A_3142 : i32 to index
        %get3A_3146 = vector.load %arg3[%get3A_3143, %get3A_3144, %get3A_3145] : memref<1x256x2048xf32, #tpu.memory_space<vmem>>, vector<1x8x512xf32>
        %get3A_3147 = vector.shape_cast %get3A_3146 : vector<1x8x512xf32> to vector<8x512xf32>
        %mul3A_3148 = arith.constant 8 : i32
        %mul3A_3149 = arith.muli %scan3A_11, %mul3A_3148 : i32
        %add3A_3150 = arith.constant 0 : i32
        %add3A_3151 = arith.addi %mul3A_3149, %add3A_3150 : i32
        %get3A_3152 = arith.index_cast %add3A_3151 : i32 to index
        %get3A_3153 = arith.constant 224 : index
        %get3A_3154 = arith.constant 0 : index
        %get3A_3155 = vector.load %arg9[%get3A_3152, %get3A_3153, %get3A_3154] : memref<128x256x1xf32, #tpu.memory_space<vmem>>, vector<1x8x1xf32>
        %get3A_3156 = vector.shape_cast %get3A_3155 : vector<1x8x1xf32> to vector<8x1xf32>
        %sub3A_3157 = vector.broadcast %get3A_3156 : vector<8x1xf32> to vector<8x512xf32>
        %sub3A_3158 = arith.subf %get3A_3147, %sub3A_3157 : vector<8x512xf32>
        %abs3A_3159 = math.absf %sub3A_3158 : vector<8x512xf32>
        %add3A_3160 = arith.addf %add3A_3049, %abs3A_3159 : vector<8x512xf32>
        %mul3A_3161 = arith.constant 8 : i32
        %mul3A_3162 = arith.muli %scan3A_11, %mul3A_3161 : i32
        %add3A_3163 = arith.constant 1 : i32
        %add3A_3164 = arith.addi %mul3A_3162, %add3A_3163 : i32
        %get3A_3165 = arith.index_cast %add3A_3164 : i32 to index
        %get3A_3166 = arith.constant 224 : index
        %get3A_3167 = arith.constant 0 : index
        %get3A_3168 = vector.load %arg9[%get3A_3165, %get3A_3166, %get3A_3167] : memref<128x256x1xf32, #tpu.memory_space<vmem>>, vector<1x8x1xf32>
        %get3A_3169 = vector.shape_cast %get3A_3168 : vector<1x8x1xf32> to vector<8x1xf32>
        %sub3A_3170 = vector.broadcast %get3A_3169 : vector<8x1xf32> to vector<8x512xf32>
        %sub3A_3171 = arith.subf %get3A_3147, %sub3A_3170 : vector<8x512xf32>
        %abs3A_3172 = math.absf %sub3A_3171 : vector<8x512xf32>
        %add3A_3173 = arith.addf %add3A_3062, %abs3A_3172 : vector<8x512xf32>
        %mul3A_3174 = arith.constant 8 : i32
        %mul3A_3175 = arith.muli %scan3A_11, %mul3A_3174 : i32
        %add3A_3176 = arith.constant 2 : i32
        %add3A_3177 = arith.addi %mul3A_3175, %add3A_3176 : i32
        %get3A_3178 = arith.index_cast %add3A_3177 : i32 to index
        %get3A_3179 = arith.constant 224 : index
        %get3A_3180 = arith.constant 0 : index
        %get3A_3181 = vector.load %arg9[%get3A_3178, %get3A_3179, %get3A_3180] : memref<128x256x1xf32, #tpu.memory_space<vmem>>, vector<1x8x1xf32>
        %get3A_3182 = vector.shape_cast %get3A_3181 : vector<1x8x1xf32> to vector<8x1xf32>
        %sub3A_3183 = vector.broadcast %get3A_3182 : vector<8x1xf32> to vector<8x512xf32>
        %sub3A_3184 = arith.subf %get3A_3147, %sub3A_3183 : vector<8x512xf32>
        %abs3A_3185 = math.absf %sub3A_3184 : vector<8x512xf32>
        %add3A_3186 = arith.addf %add3A_3075, %abs3A_3185 : vector<8x512xf32>
        %mul3A_3187 = arith.constant 8 : i32
        %mul3A_3188 = arith.muli %scan3A_11, %mul3A_3187 : i32
        %add3A_3189 = arith.constant 3 : i32
        %add3A_3190 = arith.addi %mul3A_3188, %add3A_3189 : i32
        %get3A_3191 = arith.index_cast %add3A_3190 : i32 to index
        %get3A_3192 = arith.constant 224 : index
        %get3A_3193 = arith.constant 0 : index
        %get3A_3194 = vector.load %arg9[%get3A_3191, %get3A_3192, %get3A_3193] : memref<128x256x1xf32, #tpu.memory_space<vmem>>, vector<1x8x1xf32>
        %get3A_3195 = vector.shape_cast %get3A_3194 : vector<1x8x1xf32> to vector<8x1xf32>
        %sub3A_3196 = vector.broadcast %get3A_3195 : vector<8x1xf32> to vector<8x512xf32>
        %sub3A_3197 = arith.subf %get3A_3147, %sub3A_3196 : vector<8x512xf32>
        %abs3A_3198 = math.absf %sub3A_3197 : vector<8x512xf32>
        %add3A_3199 = arith.addf %add3A_3088, %abs3A_3198 : vector<8x512xf32>
        %mul3A_3200 = arith.constant 8 : i32
        %mul3A_3201 = arith.muli %scan3A_11, %mul3A_3200 : i32
        %add3A_3202 = arith.constant 4 : i32
        %add3A_3203 = arith.addi %mul3A_3201, %add3A_3202 : i32
        %get3A_3204 = arith.index_cast %add3A_3203 : i32 to index
        %get3A_3205 = arith.constant 224 : index
        %get3A_3206 = arith.constant 0 : index
        %get3A_3207 = vector.load %arg9[%get3A_3204, %get3A_3205, %get3A_3206] : memref<128x256x1xf32, #tpu.memory_space<vmem>>, vector<1x8x1xf32>
        %get3A_3208 = vector.shape_cast %get3A_3207 : vector<1x8x1xf32> to vector<8x1xf32>
        %sub3A_3209 = vector.broadcast %get3A_3208 : vector<8x1xf32> to vector<8x512xf32>
        %sub3A_3210 = arith.subf %get3A_3147, %sub3A_3209 : vector<8x512xf32>
        %abs3A_3211 = math.absf %sub3A_3210 : vector<8x512xf32>
        %add3A_3212 = arith.addf %add3A_3101, %abs3A_3211 : vector<8x512xf32>
        %mul3A_3213 = arith.constant 8 : i32
        %mul3A_3214 = arith.muli %scan3A_11, %mul3A_3213 : i32
        %add3A_3215 = arith.constant 5 : i32
        %add3A_3216 = arith.addi %mul3A_3214, %add3A_3215 : i32
        %get3A_3217 = arith.index_cast %add3A_3216 : i32 to index
        %get3A_3218 = arith.constant 224 : index
        %get3A_3219 = arith.constant 0 : index
        %get3A_3220 = vector.load %arg9[%get3A_3217, %get3A_3218, %get3A_3219] : memref<128x256x1xf32, #tpu.memory_space<vmem>>, vector<1x8x1xf32>
        %get3A_3221 = vector.shape_cast %get3A_3220 : vector<1x8x1xf32> to vector<8x1xf32>
        %sub3A_3222 = vector.broadcast %get3A_3221 : vector<8x1xf32> to vector<8x512xf32>
        %sub3A_3223 = arith.subf %get3A_3147, %sub3A_3222 : vector<8x512xf32>
        %abs3A_3224 = math.absf %sub3A_3223 : vector<8x512xf32>
        %add3A_3225 = arith.addf %add3A_3114, %abs3A_3224 : vector<8x512xf32>
        %mul3A_3226 = arith.constant 8 : i32
        %mul3A_3227 = arith.muli %scan3A_11, %mul3A_3226 : i32
        %add3A_3228 = arith.constant 6 : i32
        %add3A_3229 = arith.addi %mul3A_3227, %add3A_3228 : i32
        %get3A_3230 = arith.index_cast %add3A_3229 : i32 to index
        %get3A_3231 = arith.constant 224 : index
        %get3A_3232 = arith.constant 0 : index
        %get3A_3233 = vector.load %arg9[%get3A_3230, %get3A_3231, %get3A_3232] : memref<128x256x1xf32, #tpu.memory_space<vmem>>, vector<1x8x1xf32>
        %get3A_3234 = vector.shape_cast %get3A_3233 : vector<1x8x1xf32> to vector<8x1xf32>
        %sub3A_3235 = vector.broadcast %get3A_3234 : vector<8x1xf32> to vector<8x512xf32>
        %sub3A_3236 = arith.subf %get3A_3147, %sub3A_3235 : vector<8x512xf32>
        %abs3A_3237 = math.absf %sub3A_3236 : vector<8x512xf32>
        %add3A_3238 = arith.addf %add3A_3127, %abs3A_3237 : vector<8x512xf32>
        %mul3A_3239 = arith.constant 8 : i32
        %mul3A_3240 = arith.muli %scan3A_11, %mul3A_3239 : i32
        %add3A_3241 = arith.constant 7 : i32
        %add3A_3242 = arith.addi %mul3A_3240, %add3A_3241 : i32
        %get3A_3243 = arith.index_cast %add3A_3242 : i32 to index
        %get3A_3244 = arith.constant 224 : index
        %get3A_3245 = arith.constant 0 : index
        %get3A_3246 = vector.load %arg9[%get3A_3243, %get3A_3244, %get3A_3245] : memref<128x256x1xf32, #tpu.memory_space<vmem>>, vector<1x8x1xf32>
        %get3A_3247 = vector.shape_cast %get3A_3246 : vector<1x8x1xf32> to vector<8x1xf32>
        %sub3A_3248 = vector.broadcast %get3A_3247 : vector<8x1xf32> to vector<8x512xf32>
        %sub3A_3249 = arith.subf %get3A_3147, %sub3A_3248 : vector<8x512xf32>
        %abs3A_3250 = math.absf %sub3A_3249 : vector<8x512xf32>
        %add3A_3251 = arith.addf %add3A_3140, %abs3A_3250 : vector<8x512xf32>
        %mul3A_3252 = arith.constant 512 : i32
        %mul3A_3253 = arith.muli %scan3A_17, %mul3A_3252 : i32
        %get3A_3254 = arith.constant 0 : index
        %get3A_3255 = arith.constant 232 : index
        %get3A_3256 = arith.index_cast %mul3A_3253 : i32 to index
        %get3A_3257 = vector.load %arg3[%get3A_3254, %get3A_3255, %get3A_3256] : memref<1x256x2048xf32, #tpu.memory_space<vmem>>, vector<1x8x512xf32>
        %get3A_3258 = vector.shape_cast %get3A_3257 : vector<1x8x512xf32> to vector<8x512xf32>
        %mul3A_3259 = arith.constant 8 : i32
        %mul3A_3260 = arith.muli %scan3A_11, %mul3A_3259 : i32
        %add3A_3261 = arith.constant 0 : i32
        %add3A_3262 = arith.addi %mul3A_3260, %add3A_3261 : i32
        %get3A_3263 = arith.index_cast %add3A_3262 : i32 to index
        %get3A_3264 = arith.constant 232 : index
        %get3A_3265 = arith.constant 0 : index
        %get3A_3266 = vector.load %arg9[%get3A_3263, %get3A_3264, %get3A_3265] : memref<128x256x1xf32, #tpu.memory_space<vmem>>, vector<1x8x1xf32>
        %get3A_3267 = vector.shape_cast %get3A_3266 : vector<1x8x1xf32> to vector<8x1xf32>
        %sub3A_3268 = vector.broadcast %get3A_3267 : vector<8x1xf32> to vector<8x512xf32>
        %sub3A_3269 = arith.subf %get3A_3258, %sub3A_3268 : vector<8x512xf32>
        %abs3A_3270 = math.absf %sub3A_3269 : vector<8x512xf32>
        %add3A_3271 = arith.addf %add3A_3160, %abs3A_3270 : vector<8x512xf32>
        %mul3A_3272 = arith.constant 8 : i32
        %mul3A_3273 = arith.muli %scan3A_11, %mul3A_3272 : i32
        %add3A_3274 = arith.constant 1 : i32
        %add3A_3275 = arith.addi %mul3A_3273, %add3A_3274 : i32
        %get3A_3276 = arith.index_cast %add3A_3275 : i32 to index
        %get3A_3277 = arith.constant 232 : index
        %get3A_3278 = arith.constant 0 : index
        %get3A_3279 = vector.load %arg9[%get3A_3276, %get3A_3277, %get3A_3278] : memref<128x256x1xf32, #tpu.memory_space<vmem>>, vector<1x8x1xf32>
        %get3A_3280 = vector.shape_cast %get3A_3279 : vector<1x8x1xf32> to vector<8x1xf32>
        %sub3A_3281 = vector.broadcast %get3A_3280 : vector<8x1xf32> to vector<8x512xf32>
        %sub3A_3282 = arith.subf %get3A_3258, %sub3A_3281 : vector<8x512xf32>
        %abs3A_3283 = math.absf %sub3A_3282 : vector<8x512xf32>
        %add3A_3284 = arith.addf %add3A_3173, %abs3A_3283 : vector<8x512xf32>
        %mul3A_3285 = arith.constant 8 : i32
        %mul3A_3286 = arith.muli %scan3A_11, %mul3A_3285 : i32
        %add3A_3287 = arith.constant 2 : i32
        %add3A_3288 = arith.addi %mul3A_3286, %add3A_3287 : i32
        %get3A_3289 = arith.index_cast %add3A_3288 : i32 to index
        %get3A_3290 = arith.constant 232 : index
        %get3A_3291 = arith.constant 0 : index
        %get3A_3292 = vector.load %arg9[%get3A_3289, %get3A_3290, %get3A_3291] : memref<128x256x1xf32, #tpu.memory_space<vmem>>, vector<1x8x1xf32>
        %get3A_3293 = vector.shape_cast %get3A_3292 : vector<1x8x1xf32> to vector<8x1xf32>
        %sub3A_3294 = vector.broadcast %get3A_3293 : vector<8x1xf32> to vector<8x512xf32>
        %sub3A_3295 = arith.subf %get3A_3258, %sub3A_3294 : vector<8x512xf32>
        %abs3A_3296 = math.absf %sub3A_3295 : vector<8x512xf32>
        %add3A_3297 = arith.addf %add3A_3186, %abs3A_3296 : vector<8x512xf32>
        %mul3A_3298 = arith.constant 8 : i32
        %mul3A_3299 = arith.muli %scan3A_11, %mul3A_3298 : i32
        %add3A_3300 = arith.constant 3 : i32
        %add3A_3301 = arith.addi %mul3A_3299, %add3A_3300 : i32
        %get3A_3302 = arith.index_cast %add3A_3301 : i32 to index
        %get3A_3303 = arith.constant 232 : index
        %get3A_3304 = arith.constant 0 : index
        %get3A_3305 = vector.load %arg9[%get3A_3302, %get3A_3303, %get3A_3304] : memref<128x256x1xf32, #tpu.memory_space<vmem>>, vector<1x8x1xf32>
        %get3A_3306 = vector.shape_cast %get3A_3305 : vector<1x8x1xf32> to vector<8x1xf32>
        %sub3A_3307 = vector.broadcast %get3A_3306 : vector<8x1xf32> to vector<8x512xf32>
        %sub3A_3308 = arith.subf %get3A_3258, %sub3A_3307 : vector<8x512xf32>
        %abs3A_3309 = math.absf %sub3A_3308 : vector<8x512xf32>
        %add3A_3310 = arith.addf %add3A_3199, %abs3A_3309 : vector<8x512xf32>
        %mul3A_3311 = arith.constant 8 : i32
        %mul3A_3312 = arith.muli %scan3A_11, %mul3A_3311 : i32
        %add3A_3313 = arith.constant 4 : i32
        %add3A_3314 = arith.addi %mul3A_3312, %add3A_3313 : i32
        %get3A_3315 = arith.index_cast %add3A_3314 : i32 to index
        %get3A_3316 = arith.constant 232 : index
        %get3A_3317 = arith.constant 0 : index
        %get3A_3318 = vector.load %arg9[%get3A_3315, %get3A_3316, %get3A_3317] : memref<128x256x1xf32, #tpu.memory_space<vmem>>, vector<1x8x1xf32>
        %get3A_3319 = vector.shape_cast %get3A_3318 : vector<1x8x1xf32> to vector<8x1xf32>
        %sub3A_3320 = vector.broadcast %get3A_3319 : vector<8x1xf32> to vector<8x512xf32>
        %sub3A_3321 = arith.subf %get3A_3258, %sub3A_3320 : vector<8x512xf32>
        %abs3A_3322 = math.absf %sub3A_3321 : vector<8x512xf32>
        %add3A_3323 = arith.addf %add3A_3212, %abs3A_3322 : vector<8x512xf32>
        %mul3A_3324 = arith.constant 8 : i32
        %mul3A_3325 = arith.muli %scan3A_11, %mul3A_3324 : i32
        %add3A_3326 = arith.constant 5 : i32
        %add3A_3327 = arith.addi %mul3A_3325, %add3A_3326 : i32
        %get3A_3328 = arith.index_cast %add3A_3327 : i32 to index
        %get3A_3329 = arith.constant 232 : index
        %get3A_3330 = arith.constant 0 : index
        %get3A_3331 = vector.load %arg9[%get3A_3328, %get3A_3329, %get3A_3330] : memref<128x256x1xf32, #tpu.memory_space<vmem>>, vector<1x8x1xf32>
        %get3A_3332 = vector.shape_cast %get3A_3331 : vector<1x8x1xf32> to vector<8x1xf32>
        %sub3A_3333 = vector.broadcast %get3A_3332 : vector<8x1xf32> to vector<8x512xf32>
        %sub3A_3334 = arith.subf %get3A_3258, %sub3A_3333 : vector<8x512xf32>
        %abs3A_3335 = math.absf %sub3A_3334 : vector<8x512xf32>
        %add3A_3336 = arith.addf %add3A_3225, %abs3A_3335 : vector<8x512xf32>
        %mul3A_3337 = arith.constant 8 : i32
        %mul3A_3338 = arith.muli %scan3A_11, %mul3A_3337 : i32
        %add3A_3339 = arith.constant 6 : i32
        %add3A_3340 = arith.addi %mul3A_3338, %add3A_3339 : i32
        %get3A_3341 = arith.index_cast %add3A_3340 : i32 to index
        %get3A_3342 = arith.constant 232 : index
        %get3A_3343 = arith.constant 0 : index
        %get3A_3344 = vector.load %arg9[%get3A_3341, %get3A_3342, %get3A_3343] : memref<128x256x1xf32, #tpu.memory_space<vmem>>, vector<1x8x1xf32>
        %get3A_3345 = vector.shape_cast %get3A_3344 : vector<1x8x1xf32> to vector<8x1xf32>
        %sub3A_3346 = vector.broadcast %get3A_3345 : vector<8x1xf32> to vector<8x512xf32>
        %sub3A_3347 = arith.subf %get3A_3258, %sub3A_3346 : vector<8x512xf32>
        %abs3A_3348 = math.absf %sub3A_3347 : vector<8x512xf32>
        %add3A_3349 = arith.addf %add3A_3238, %abs3A_3348 : vector<8x512xf32>
        %mul3A_3350 = arith.constant 8 : i32
        %mul3A_3351 = arith.muli %scan3A_11, %mul3A_3350 : i32
        %add3A_3352 = arith.constant 7 : i32
        %add3A_3353 = arith.addi %mul3A_3351, %add3A_3352 : i32
        %get3A_3354 = arith.index_cast %add3A_3353 : i32 to index
        %get3A_3355 = arith.constant 232 : index
        %get3A_3356 = arith.constant 0 : index
        %get3A_3357 = vector.load %arg9[%get3A_3354, %get3A_3355, %get3A_3356] : memref<128x256x1xf32, #tpu.memory_space<vmem>>, vector<1x8x1xf32>
        %get3A_3358 = vector.shape_cast %get3A_3357 : vector<1x8x1xf32> to vector<8x1xf32>
        %sub3A_3359 = vector.broadcast %get3A_3358 : vector<8x1xf32> to vector<8x512xf32>
        %sub3A_3360 = arith.subf %get3A_3258, %sub3A_3359 : vector<8x512xf32>
        %abs3A_3361 = math.absf %sub3A_3360 : vector<8x512xf32>
        %add3A_3362 = arith.addf %add3A_3251, %abs3A_3361 : vector<8x512xf32>
        %mul3A_3363 = arith.constant 512 : i32
        %mul3A_3364 = arith.muli %scan3A_17, %mul3A_3363 : i32
        %get3A_3365 = arith.constant 0 : index
        %get3A_3366 = arith.constant 240 : index
        %get3A_3367 = arith.index_cast %mul3A_3364 : i32 to index
        %get3A_3368 = vector.load %arg3[%get3A_3365, %get3A_3366, %get3A_3367] : memref<1x256x2048xf32, #tpu.memory_space<vmem>>, vector<1x8x512xf32>
        %get3A_3369 = vector.shape_cast %get3A_3368 : vector<1x8x512xf32> to vector<8x512xf32>
        %mul3A_3370 = arith.constant 8 : i32
        %mul3A_3371 = arith.muli %scan3A_11, %mul3A_3370 : i32
        %add3A_3372 = arith.constant 0 : i32
        %add3A_3373 = arith.addi %mul3A_3371, %add3A_3372 : i32
        %get3A_3374 = arith.index_cast %add3A_3373 : i32 to index
        %get3A_3375 = arith.constant 240 : index
        %get3A_3376 = arith.constant 0 : index
        %get3A_3377 = vector.load %arg9[%get3A_3374, %get3A_3375, %get3A_3376] : memref<128x256x1xf32, #tpu.memory_space<vmem>>, vector<1x8x1xf32>
        %get3A_3378 = vector.shape_cast %get3A_3377 : vector<1x8x1xf32> to vector<8x1xf32>
        %sub3A_3379 = vector.broadcast %get3A_3378 : vector<8x1xf32> to vector<8x512xf32>
        %sub3A_3380 = arith.subf %get3A_3369, %sub3A_3379 : vector<8x512xf32>
        %abs3A_3381 = math.absf %sub3A_3380 : vector<8x512xf32>
        %add3A_3382 = arith.addf %add3A_3271, %abs3A_3381 : vector<8x512xf32>
        %mul3A_3383 = arith.constant 8 : i32
        %mul3A_3384 = arith.muli %scan3A_11, %mul3A_3383 : i32
        %add3A_3385 = arith.constant 1 : i32
        %add3A_3386 = arith.addi %mul3A_3384, %add3A_3385 : i32
        %get3A_3387 = arith.index_cast %add3A_3386 : i32 to index
        %get3A_3388 = arith.constant 240 : index
        %get3A_3389 = arith.constant 0 : index
        %get3A_3390 = vector.load %arg9[%get3A_3387, %get3A_3388, %get3A_3389] : memref<128x256x1xf32, #tpu.memory_space<vmem>>, vector<1x8x1xf32>
        %get3A_3391 = vector.shape_cast %get3A_3390 : vector<1x8x1xf32> to vector<8x1xf32>
        %sub3A_3392 = vector.broadcast %get3A_3391 : vector<8x1xf32> to vector<8x512xf32>
        %sub3A_3393 = arith.subf %get3A_3369, %sub3A_3392 : vector<8x512xf32>
        %abs3A_3394 = math.absf %sub3A_3393 : vector<8x512xf32>
        %add3A_3395 = arith.addf %add3A_3284, %abs3A_3394 : vector<8x512xf32>
        %mul3A_3396 = arith.constant 8 : i32
        %mul3A_3397 = arith.muli %scan3A_11, %mul3A_3396 : i32
        %add3A_3398 = arith.constant 2 : i32
        %add3A_3399 = arith.addi %mul3A_3397, %add3A_3398 : i32
        %get3A_3400 = arith.index_cast %add3A_3399 : i32 to index
        %get3A_3401 = arith.constant 240 : index
        %get3A_3402 = arith.constant 0 : index
        %get3A_3403 = vector.load %arg9[%get3A_3400, %get3A_3401, %get3A_3402] : memref<128x256x1xf32, #tpu.memory_space<vmem>>, vector<1x8x1xf32>
        %get3A_3404 = vector.shape_cast %get3A_3403 : vector<1x8x1xf32> to vector<8x1xf32>
        %sub3A_3405 = vector.broadcast %get3A_3404 : vector<8x1xf32> to vector<8x512xf32>
        %sub3A_3406 = arith.subf %get3A_3369, %sub3A_3405 : vector<8x512xf32>
        %abs3A_3407 = math.absf %sub3A_3406 : vector<8x512xf32>
        %add3A_3408 = arith.addf %add3A_3297, %abs3A_3407 : vector<8x512xf32>
        %mul3A_3409 = arith.constant 8 : i32
        %mul3A_3410 = arith.muli %scan3A_11, %mul3A_3409 : i32
        %add3A_3411 = arith.constant 3 : i32
        %add3A_3412 = arith.addi %mul3A_3410, %add3A_3411 : i32
        %get3A_3413 = arith.index_cast %add3A_3412 : i32 to index
        %get3A_3414 = arith.constant 240 : index
        %get3A_3415 = arith.constant 0 : index
        %get3A_3416 = vector.load %arg9[%get3A_3413, %get3A_3414, %get3A_3415] : memref<128x256x1xf32, #tpu.memory_space<vmem>>, vector<1x8x1xf32>
        %get3A_3417 = vector.shape_cast %get3A_3416 : vector<1x8x1xf32> to vector<8x1xf32>
        %sub3A_3418 = vector.broadcast %get3A_3417 : vector<8x1xf32> to vector<8x512xf32>
        %sub3A_3419 = arith.subf %get3A_3369, %sub3A_3418 : vector<8x512xf32>
        %abs3A_3420 = math.absf %sub3A_3419 : vector<8x512xf32>
        %add3A_3421 = arith.addf %add3A_3310, %abs3A_3420 : vector<8x512xf32>
        %mul3A_3422 = arith.constant 8 : i32
        %mul3A_3423 = arith.muli %scan3A_11, %mul3A_3422 : i32
        %add3A_3424 = arith.constant 4 : i32
        %add3A_3425 = arith.addi %mul3A_3423, %add3A_3424 : i32
        %get3A_3426 = arith.index_cast %add3A_3425 : i32 to index
        %get3A_3427 = arith.constant 240 : index
        %get3A_3428 = arith.constant 0 : index
        %get3A_3429 = vector.load %arg9[%get3A_3426, %get3A_3427, %get3A_3428] : memref<128x256x1xf32, #tpu.memory_space<vmem>>, vector<1x8x1xf32>
        %get3A_3430 = vector.shape_cast %get3A_3429 : vector<1x8x1xf32> to vector<8x1xf32>
        %sub3A_3431 = vector.broadcast %get3A_3430 : vector<8x1xf32> to vector<8x512xf32>
        %sub3A_3432 = arith.subf %get3A_3369, %sub3A_3431 : vector<8x512xf32>
        %abs3A_3433 = math.absf %sub3A_3432 : vector<8x512xf32>
        %add3A_3434 = arith.addf %add3A_3323, %abs3A_3433 : vector<8x512xf32>
        %mul3A_3435 = arith.constant 8 : i32
        %mul3A_3436 = arith.muli %scan3A_11, %mul3A_3435 : i32
        %add3A_3437 = arith.constant 5 : i32
        %add3A_3438 = arith.addi %mul3A_3436, %add3A_3437 : i32
        %get3A_3439 = arith.index_cast %add3A_3438 : i32 to index
        %get3A_3440 = arith.constant 240 : index
        %get3A_3441 = arith.constant 0 : index
        %get3A_3442 = vector.load %arg9[%get3A_3439, %get3A_3440, %get3A_3441] : memref<128x256x1xf32, #tpu.memory_space<vmem>>, vector<1x8x1xf32>
        %get3A_3443 = vector.shape_cast %get3A_3442 : vector<1x8x1xf32> to vector<8x1xf32>
        %sub3A_3444 = vector.broadcast %get3A_3443 : vector<8x1xf32> to vector<8x512xf32>
        %sub3A_3445 = arith.subf %get3A_3369, %sub3A_3444 : vector<8x512xf32>
        %abs3A_3446 = math.absf %sub3A_3445 : vector<8x512xf32>
        %add3A_3447 = arith.addf %add3A_3336, %abs3A_3446 : vector<8x512xf32>
        %mul3A_3448 = arith.constant 8 : i32
        %mul3A_3449 = arith.muli %scan3A_11, %mul3A_3448 : i32
        %add3A_3450 = arith.constant 6 : i32
        %add3A_3451 = arith.addi %mul3A_3449, %add3A_3450 : i32
        %get3A_3452 = arith.index_cast %add3A_3451 : i32 to index
        %get3A_3453 = arith.constant 240 : index
        %get3A_3454 = arith.constant 0 : index
        %get3A_3455 = vector.load %arg9[%get3A_3452, %get3A_3453, %get3A_3454] : memref<128x256x1xf32, #tpu.memory_space<vmem>>, vector<1x8x1xf32>
        %get3A_3456 = vector.shape_cast %get3A_3455 : vector<1x8x1xf32> to vector<8x1xf32>
        %sub3A_3457 = vector.broadcast %get3A_3456 : vector<8x1xf32> to vector<8x512xf32>
        %sub3A_3458 = arith.subf %get3A_3369, %sub3A_3457 : vector<8x512xf32>
        %abs3A_3459 = math.absf %sub3A_3458 : vector<8x512xf32>
        %add3A_3460 = arith.addf %add3A_3349, %abs3A_3459 : vector<8x512xf32>
        %mul3A_3461 = arith.constant 8 : i32
        %mul3A_3462 = arith.muli %scan3A_11, %mul3A_3461 : i32
        %add3A_3463 = arith.constant 7 : i32
        %add3A_3464 = arith.addi %mul3A_3462, %add3A_3463 : i32
        %get3A_3465 = arith.index_cast %add3A_3464 : i32 to index
        %get3A_3466 = arith.constant 240 : index
        %get3A_3467 = arith.constant 0 : index
        %get3A_3468 = vector.load %arg9[%get3A_3465, %get3A_3466, %get3A_3467] : memref<128x256x1xf32, #tpu.memory_space<vmem>>, vector<1x8x1xf32>
        %get3A_3469 = vector.shape_cast %get3A_3468 : vector<1x8x1xf32> to vector<8x1xf32>
        %sub3A_3470 = vector.broadcast %get3A_3469 : vector<8x1xf32> to vector<8x512xf32>
        %sub3A_3471 = arith.subf %get3A_3369, %sub3A_3470 : vector<8x512xf32>
        %abs3A_3472 = math.absf %sub3A_3471 : vector<8x512xf32>
        %add3A_3473 = arith.addf %add3A_3362, %abs3A_3472 : vector<8x512xf32>
        %mul3A_3474 = arith.constant 512 : i32
        %mul3A_3475 = arith.muli %scan3A_17, %mul3A_3474 : i32
        %get3A_3476 = arith.constant 0 : index
        %get3A_3477 = arith.constant 248 : index
        %get3A_3478 = arith.index_cast %mul3A_3475 : i32 to index
        %get3A_3479 = vector.load %arg3[%get3A_3476, %get3A_3477, %get3A_3478] : memref<1x256x2048xf32, #tpu.memory_space<vmem>>, vector<1x8x512xf32>
        %get3A_3480 = vector.shape_cast %get3A_3479 : vector<1x8x512xf32> to vector<8x512xf32>
        %mul3A_3481 = arith.constant 8 : i32
        %mul3A_3482 = arith.muli %scan3A_11, %mul3A_3481 : i32
        %add3A_3483 = arith.constant 0 : i32
        %add3A_3484 = arith.addi %mul3A_3482, %add3A_3483 : i32
        %get3A_3485 = arith.index_cast %add3A_3484 : i32 to index
        %get3A_3486 = arith.constant 248 : index
        %get3A_3487 = arith.constant 0 : index
        %get3A_3488 = vector.load %arg9[%get3A_3485, %get3A_3486, %get3A_3487] : memref<128x256x1xf32, #tpu.memory_space<vmem>>, vector<1x8x1xf32>
        %get3A_3489 = vector.shape_cast %get3A_3488 : vector<1x8x1xf32> to vector<8x1xf32>
        %sub3A_3490 = vector.broadcast %get3A_3489 : vector<8x1xf32> to vector<8x512xf32>
        %sub3A_3491 = arith.subf %get3A_3480, %sub3A_3490 : vector<8x512xf32>
        %abs3A_3492 = math.absf %sub3A_3491 : vector<8x512xf32>
        %add3A_3493 = arith.addf %add3A_3382, %abs3A_3492 : vector<8x512xf32>
        %mul3A_3494 = arith.constant 8 : i32
        %mul3A_3495 = arith.muli %scan3A_11, %mul3A_3494 : i32
        %add3A_3496 = arith.constant 1 : i32
        %add3A_3497 = arith.addi %mul3A_3495, %add3A_3496 : i32
        %get3A_3498 = arith.index_cast %add3A_3497 : i32 to index
        %get3A_3499 = arith.constant 248 : index
        %get3A_3500 = arith.constant 0 : index
        %get3A_3501 = vector.load %arg9[%get3A_3498, %get3A_3499, %get3A_3500] : memref<128x256x1xf32, #tpu.memory_space<vmem>>, vector<1x8x1xf32>
        %get3A_3502 = vector.shape_cast %get3A_3501 : vector<1x8x1xf32> to vector<8x1xf32>
        %sub3A_3503 = vector.broadcast %get3A_3502 : vector<8x1xf32> to vector<8x512xf32>
        %sub3A_3504 = arith.subf %get3A_3480, %sub3A_3503 : vector<8x512xf32>
        %abs3A_3505 = math.absf %sub3A_3504 : vector<8x512xf32>
        %add3A_3506 = arith.addf %add3A_3395, %abs3A_3505 : vector<8x512xf32>
        %mul3A_3507 = arith.constant 8 : i32
        %mul3A_3508 = arith.muli %scan3A_11, %mul3A_3507 : i32
        %add3A_3509 = arith.constant 2 : i32
        %add3A_3510 = arith.addi %mul3A_3508, %add3A_3509 : i32
        %get3A_3511 = arith.index_cast %add3A_3510 : i32 to index
        %get3A_3512 = arith.constant 248 : index
        %get3A_3513 = arith.constant 0 : index
        %get3A_3514 = vector.load %arg9[%get3A_3511, %get3A_3512, %get3A_3513] : memref<128x256x1xf32, #tpu.memory_space<vmem>>, vector<1x8x1xf32>
        %get3A_3515 = vector.shape_cast %get3A_3514 : vector<1x8x1xf32> to vector<8x1xf32>
        %sub3A_3516 = vector.broadcast %get3A_3515 : vector<8x1xf32> to vector<8x512xf32>
        %sub3A_3517 = arith.subf %get3A_3480, %sub3A_3516 : vector<8x512xf32>
        %abs3A_3518 = math.absf %sub3A_3517 : vector<8x512xf32>
        %add3A_3519 = arith.addf %add3A_3408, %abs3A_3518 : vector<8x512xf32>
        %mul3A_3520 = arith.constant 8 : i32
        %mul3A_3521 = arith.muli %scan3A_11, %mul3A_3520 : i32
        %add3A_3522 = arith.constant 3 : i32
        %add3A_3523 = arith.addi %mul3A_3521, %add3A_3522 : i32
        %get3A_3524 = arith.index_cast %add3A_3523 : i32 to index
        %get3A_3525 = arith.constant 248 : index
        %get3A_3526 = arith.constant 0 : index
        %get3A_3527 = vector.load %arg9[%get3A_3524, %get3A_3525, %get3A_3526] : memref<128x256x1xf32, #tpu.memory_space<vmem>>, vector<1x8x1xf32>
        %get3A_3528 = vector.shape_cast %get3A_3527 : vector<1x8x1xf32> to vector<8x1xf32>
        %sub3A_3529 = vector.broadcast %get3A_3528 : vector<8x1xf32> to vector<8x512xf32>
        %sub3A_3530 = arith.subf %get3A_3480, %sub3A_3529 : vector<8x512xf32>
        %abs3A_3531 = math.absf %sub3A_3530 : vector<8x512xf32>
        %add3A_3532 = arith.addf %add3A_3421, %abs3A_3531 : vector<8x512xf32>
        %mul3A_3533 = arith.constant 8 : i32
        %mul3A_3534 = arith.muli %scan3A_11, %mul3A_3533 : i32
        %add3A_3535 = arith.constant 4 : i32
        %add3A_3536 = arith.addi %mul3A_3534, %add3A_3535 : i32
        %get3A_3537 = arith.index_cast %add3A_3536 : i32 to index
        %get3A_3538 = arith.constant 248 : index
        %get3A_3539 = arith.constant 0 : index
        %get3A_3540 = vector.load %arg9[%get3A_3537, %get3A_3538, %get3A_3539] : memref<128x256x1xf32, #tpu.memory_space<vmem>>, vector<1x8x1xf32>
        %get3A_3541 = vector.shape_cast %get3A_3540 : vector<1x8x1xf32> to vector<8x1xf32>
        %sub3A_3542 = vector.broadcast %get3A_3541 : vector<8x1xf32> to vector<8x512xf32>
        %sub3A_3543 = arith.subf %get3A_3480, %sub3A_3542 : vector<8x512xf32>
        %abs3A_3544 = math.absf %sub3A_3543 : vector<8x512xf32>
        %add3A_3545 = arith.addf %add3A_3434, %abs3A_3544 : vector<8x512xf32>
        %mul3A_3546 = arith.constant 8 : i32
        %mul3A_3547 = arith.muli %scan3A_11, %mul3A_3546 : i32
        %add3A_3548 = arith.constant 5 : i32
        %add3A_3549 = arith.addi %mul3A_3547, %add3A_3548 : i32
        %get3A_3550 = arith.index_cast %add3A_3549 : i32 to index
        %get3A_3551 = arith.constant 248 : index
        %get3A_3552 = arith.constant 0 : index
        %get3A_3553 = vector.load %arg9[%get3A_3550, %get3A_3551, %get3A_3552] : memref<128x256x1xf32, #tpu.memory_space<vmem>>, vector<1x8x1xf32>
        %get3A_3554 = vector.shape_cast %get3A_3553 : vector<1x8x1xf32> to vector<8x1xf32>
        %sub3A_3555 = vector.broadcast %get3A_3554 : vector<8x1xf32> to vector<8x512xf32>
        %sub3A_3556 = arith.subf %get3A_3480, %sub3A_3555 : vector<8x512xf32>
        %abs3A_3557 = math.absf %sub3A_3556 : vector<8x512xf32>
        %add3A_3558 = arith.addf %add3A_3447, %abs3A_3557 : vector<8x512xf32>
        %mul3A_3559 = arith.constant 8 : i32
        %mul3A_3560 = arith.muli %scan3A_11, %mul3A_3559 : i32
        %add3A_3561 = arith.constant 6 : i32
        %add3A_3562 = arith.addi %mul3A_3560, %add3A_3561 : i32
        %get3A_3563 = arith.index_cast %add3A_3562 : i32 to index
        %get3A_3564 = arith.constant 248 : index
        %get3A_3565 = arith.constant 0 : index
        %get3A_3566 = vector.load %arg9[%get3A_3563, %get3A_3564, %get3A_3565] : memref<128x256x1xf32, #tpu.memory_space<vmem>>, vector<1x8x1xf32>
        %get3A_3567 = vector.shape_cast %get3A_3566 : vector<1x8x1xf32> to vector<8x1xf32>
        %sub3A_3568 = vector.broadcast %get3A_3567 : vector<8x1xf32> to vector<8x512xf32>
        %sub3A_3569 = arith.subf %get3A_3480, %sub3A_3568 : vector<8x512xf32>
        %abs3A_3570 = math.absf %sub3A_3569 : vector<8x512xf32>
        %add3A_3571 = arith.addf %add3A_3460, %abs3A_3570 : vector<8x512xf32>
        %mul3A_3572 = arith.constant 8 : i32
        %mul3A_3573 = arith.muli %scan3A_11, %mul3A_3572 : i32
        %add3A_3574 = arith.constant 7 : i32
        %add3A_3575 = arith.addi %mul3A_3573, %add3A_3574 : i32
        %get3A_3576 = arith.index_cast %add3A_3575 : i32 to index
        %get3A_3577 = arith.constant 248 : index
        %get3A_3578 = arith.constant 0 : index
        %get3A_3579 = vector.load %arg9[%get3A_3576, %get3A_3577, %get3A_3578] : memref<128x256x1xf32, #tpu.memory_space<vmem>>, vector<1x8x1xf32>
        %get3A_3580 = vector.shape_cast %get3A_3579 : vector<1x8x1xf32> to vector<8x1xf32>
        %sub3A_3581 = vector.broadcast %get3A_3580 : vector<8x1xf32> to vector<8x512xf32>
        %sub3A_3582 = arith.subf %get3A_3480, %sub3A_3581 : vector<8x512xf32>
        %abs3A_3583 = math.absf %sub3A_3582 : vector<8x512xf32>
        %add3A_3584 = arith.addf %add3A_3473, %abs3A_3583 : vector<8x512xf32>
        %reduce_sum3A = arith.constant dense<0.000000e+00> : vector<512xf32>
        %reduce_sum3A_3585 = vector.multi_reduction <add>, %add3A_3493, %reduce_sum3A [0] : vector<8x512xf32> to vector<512xf32>
        %broadcast_in_dim3A_3586 = vector.shape_cast %reduce_sum3A_3585 : vector<512xf32> to vector<1x512xf32>
        %reduce_sum3A_3587 = arith.constant dense<0.000000e+00> : vector<512xf32>
        %reduce_sum3A_3588 = vector.multi_reduction <add>, %add3A_3506, %reduce_sum3A_3587 [0] : vector<8x512xf32> to vector<512xf32>
        %broadcast_in_dim3A_3589 = vector.shape_cast %reduce_sum3A_3588 : vector<512xf32> to vector<1x512xf32>
        %reduce_sum3A_3590 = arith.constant dense<0.000000e+00> : vector<512xf32>
        %reduce_sum3A_3591 = vector.multi_reduction <add>, %add3A_3519, %reduce_sum3A_3590 [0] : vector<8x512xf32> to vector<512xf32>
        %broadcast_in_dim3A_3592 = vector.shape_cast %reduce_sum3A_3591 : vector<512xf32> to vector<1x512xf32>
        %reduce_sum3A_3593 = arith.constant dense<0.000000e+00> : vector<512xf32>
        %reduce_sum3A_3594 = vector.multi_reduction <add>, %add3A_3532, %reduce_sum3A_3593 [0] : vector<8x512xf32> to vector<512xf32>
        %broadcast_in_dim3A_3595 = vector.shape_cast %reduce_sum3A_3594 : vector<512xf32> to vector<1x512xf32>
        %reduce_sum3A_3596 = arith.constant dense<0.000000e+00> : vector<512xf32>
        %reduce_sum3A_3597 = vector.multi_reduction <add>, %add3A_3545, %reduce_sum3A_3596 [0] : vector<8x512xf32> to vector<512xf32>
        %broadcast_in_dim3A_3598 = vector.shape_cast %reduce_sum3A_3597 : vector<512xf32> to vector<1x512xf32>
        %reduce_sum3A_3599 = arith.constant dense<0.000000e+00> : vector<512xf32>
        %reduce_sum3A_3600 = vector.multi_reduction <add>, %add3A_3558, %reduce_sum3A_3599 [0] : vector<8x512xf32> to vector<512xf32>
        %broadcast_in_dim3A_3601 = vector.shape_cast %reduce_sum3A_3600 : vector<512xf32> to vector<1x512xf32>
        %reduce_sum3A_3602 = arith.constant dense<0.000000e+00> : vector<512xf32>
        %reduce_sum3A_3603 = vector.multi_reduction <add>, %add3A_3571, %reduce_sum3A_3602 [0] : vector<8x512xf32> to vector<512xf32>
        %broadcast_in_dim3A_3604 = vector.shape_cast %reduce_sum3A_3603 : vector<512xf32> to vector<1x512xf32>
        %reduce_sum3A_3605 = arith.constant dense<0.000000e+00> : vector<512xf32>
        %reduce_sum3A_3606 = vector.multi_reduction <add>, %add3A_3584, %reduce_sum3A_3605 [0] : vector<8x512xf32> to vector<512xf32>
        %broadcast_in_dim3A_3607 = vector.shape_cast %reduce_sum3A_3606 : vector<512xf32> to vector<1x512xf32>
        %concatenate3A = tpu.concatenate %broadcast_in_dim3A_3586, %broadcast_in_dim3A_3589, %broadcast_in_dim3A_3592, %broadcast_in_dim3A_3595, %broadcast_in_dim3A_3598, %broadcast_in_dim3A_3601, %broadcast_in_dim3A_3604, %broadcast_in_dim3A_3607 in 0 : vector<1x512xf32>, vector<1x512xf32>, vector<1x512xf32>, vector<1x512xf32>, vector<1x512xf32>, vector<1x512xf32>, vector<1x512xf32>, vector<1x512xf32> -> vector<8x512xf32>
        %mul3A_3608 = arith.constant 8 : i32
        %mul3A_3609 = arith.muli %scan3A_11, %mul3A_3608 : i32
        %multiple_of3A = tpu.assume_multiple %mul3A_3609, 8 : i32
        %swap3A = arith.index_cast %multiple_of3A : i32 to index
        %swap3A_3610 = arith.index_cast %add3A : i32 to index
        %swap3A_3611 = vector.load %arg8[%swap3A, %swap3A_3610] : memref<128x10240xf32, #tpu.memory_space<vmem>>, vector<8x512xf32>
        tpu.vector_store %arg8[%swap3A, %swap3A_3610], %concatenate3A {strides = array<i32>} : memref<128x10240xf32, #tpu.memory_space<vmem>>, vector<8x512xf32>,
      }
      %scan3A_16 = arith.constant 4 : i32
    }
    %scan3A_5 = arith.constant 16 : i32
    %eq3A_6 = arith.constant 4 : i32
    %eq3A_7 = arith.cmpi eq, %arg2, %eq3A_6 : i32
    %convert_element_type3A_8 = arith.extui %eq3A_7 : i1 to i32
    %cond3A_9 = arith.constant 0 : i32
    %cond3A_10 = arith.cmpi ne, %convert_element_type3A_8, %cond3A_9 : i32
    scf.if %cond3A_10 {
      %get3A = arith.constant 0 : index
      %get3A_11 = arith.constant 0 : index
      %get3A_12 = vector.load %arg5[%get3A, %get3A_11] : memref<128x256xf32, #tpu.memory_space<vmem>>, vector<128x256xf32>
      %get3A_13 = arith.constant 0 : index
      %get3A_14 = arith.constant 0 : index
      %get3A_15 = vector.load %arg6[%get3A_13, %get3A_14] : memref<128x256xf32, #tpu.memory_space<vmem>>, vector<128x256xf32>
      %sub3A = arith.subf %get3A_12, %get3A_15 : vector<128x256xf32>
      %abs3A = math.absf %sub3A : vector<128x256xf32>
      %reduce_sum3A = arith.constant dense<0.000000e+00> : vector<128xf32>
      %reduce_sum3A_16 = vector.multi_reduction <add>, %abs3A, %reduce_sum3A [1] : vector<128x256xf32> to vector<128xf32>
      %broadcast_in_dim3A = vector.shape_cast %reduce_sum3A_16 : vector<128xf32> to vector<128x1xf32>
      %add3A = arith.constant 1.000000e+00 : f32
      %add3A_17 = vector.broadcast %add3A : f32 to vector<128x1xf32>
      %add3A_18 = arith.addf %add3A_17, %broadcast_in_dim3A : vector<128x1xf32>
      %get3A_19 = arith.constant 0 : index
      %get3A_20 = arith.constant 0 : index
      %get3A_21 = vector.load %arg8[%get3A_19, %get3A_20] : memref<128x10240xf32, #tpu.memory_space<vmem>>, vector<128x10240xf32>
      %bitcast_convert_type3A = tpu.bitcast %get3A_21 : vector<128x10240xf32> -> vector<128x10240xi32>
      %reduce_min3A = arith.constant dense<2147483647> : vector<128xi32>
      %reduce_min3A_22 = vector.multi_reduction <minsi>, %bitcast_convert_type3A, %reduce_min3A [1] : vector<128x10240xi32> to vector<128xi32>
      %broadcast_in_dim3A_23 = vector.shape_cast %reduce_min3A_22 : vector<128xi32> to vector<128x1xi32>
      %get3A_24 = arith.constant 0 : index
      %get3A_25 = arith.constant 0 : index
      %get3A_26 = vector.load %arg8[%get3A_24, %get3A_25] : memref<128x10240xf32, #tpu.memory_space<vmem>>, vector<128x10240xf32>
      %bitcast_convert_type3A_27 = tpu.bitcast %get3A_26 : vector<128x10240xf32> -> vector<128x10240xi32>
      %reduce_max3A = arith.constant dense<-2147483648> : vector<128xi32>
      %reduce_max3A_28 = vector.multi_reduction <maxsi>, %bitcast_convert_type3A_27, %reduce_max3A [1] : vector<128x10240xi32> to vector<128xi32>
      %broadcast_in_dim3A_29 = vector.shape_cast %reduce_max3A_28 : vector<128xi32> to vector<128x1xi32>
      %while3A:2 = scf.while (%while3A_62 = %broadcast_in_dim3A_23, %while3A_63 = %broadcast_in_dim3A_29) : (vector<128x1xi32>, vector<128x1xi32>) -> (vector<128x1xi32>, vector<128x1xi32>) {
        %lt3A_64 = arith.cmpi slt, %while3A_62, %while3A_63 : vector<128x1xi32>
        %reduce_or3A = arith.constant 1.000000e+00 : f32
        %reduce_or3A_65 = arith.constant 0.000000e+00 : f32
        %reduce_or3A_66 = vector.broadcast %reduce_or3A : f32 to vector<128x1xf32>
        %reduce_or3A_67 = vector.broadcast %reduce_or3A_65 : f32 to vector<128x1xf32>
        %reduce_or3A_68 = arith.select %lt3A_64, %reduce_or3A_66, %reduce_or3A_67 : vector<128x1xi1>, vector<128x1xf32>
        %reduce_or3A_69 = vector.shape_cast %reduce_or3A_68 : vector<128x1xf32> to vector<1x128x1xf32>
        %reduce_or3A_70 = arith.constant dense<0xFF800000> : vector<1xf32>
        %reduce_or3A_71 = vector.multi_reduction <maximumf>, %reduce_or3A_69, %reduce_or3A_70 [1, 2] : vector<1x128x1xf32> to vector<1xf32>
        %reduce_or3A_72 = vector.shape_cast %reduce_or3A_71 : vector<1xf32> to vector<1x1x1xf32>
        %reduce_or3A_73 = vector.extract %reduce_or3A_72[0, 0, 0] : f32 from vector<1x1x1xf32>
        %reduce_or3A_74 = arith.constant 0.000000e+00 : f32
        %reduce_or3A_75 = arith.cmpf ogt, %reduce_or3A_73, %reduce_or3A_74 : f32
        scf.condition(%reduce_or3A_75) %while3A_62, %while3A_63 : vector<128x1xi32>, vector<128x1xi32>
      } do {
      ^bb0(%while3A_62: vector<128x1xi32>, %while3A_63: vector<128x1xi32>):
        %sub3A_64 = arith.subi %while3A_63, %while3A_62 : vector<128x1xi32>
        %shift_right_arithmetic3A = arith.constant 1 : i32
        %shift_right_arithmetic3A_65 = vector.broadcast %shift_right_arithmetic3A : i32 to vector<128x1xi32>
        %shift_right_arithmetic3A_66 = arith.shrsi %sub3A_64, %shift_right_arithmetic3A_65 : vector<128x1xi32>
        %add3A_67 = arith.addi %while3A_62, %shift_right_arithmetic3A_66 : vector<128x1xi32>
        %get3A_68 = arith.constant 0 : index
        %get3A_69 = arith.constant 0 : index
        %get3A_70 = vector.load %arg8[%get3A_68, %get3A_69] : memref<128x10240xf32, #tpu.memory_space<vmem>>, vector<128x10240xf32>
        %bitcast_convert_type3A_71 = tpu.bitcast %get3A_70 : vector<128x10240xf32> -> vector<128x10240xi32>
        %le3A = vector.broadcast %add3A_67 : vector<128x1xi32> to vector<128x10240xi32>
        %le3A_72 = arith.cmpi sle, %bitcast_convert_type3A_71, %le3A : vector<128x10240xi32>
        %convert_element_type3A_73 = arith.extui %le3A_72 : vector<128x10240xi1> to vector<128x10240xi32>
        %reduce_sum3A_74 = arith.constant dense<0> : vector<128xi32>
        %reduce_sum3A_75 = vector.multi_reduction <add>, %convert_element_type3A_73, %reduce_sum3A_74 [1] : vector<128x10240xi32> to vector<128xi32>
        %broadcast_in_dim3A_76 = vector.shape_cast %reduce_sum3A_75 : vector<128xi32> to vector<128x1xi32>
        %ge3A = arith.constant 64 : i32
        %ge3A_77 = vector.broadcast %ge3A : i32 to vector<128x1xi32>
        %ge3A_78 = arith.cmpi sge, %broadcast_in_dim3A_76, %ge3A_77 : vector<128x1xi32>
        %add3A_79 = arith.constant 1 : i32
        %add3A_80 = vector.broadcast %add3A_79 : i32 to vector<128x1xi32>
        %add3A_81 = arith.addi %add3A_67, %add3A_80 : vector<128x1xi32>
        %select_n3A_82 = arith.select %ge3A_78, %while3A_62, %add3A_81 : vector<128x1xi1>, vector<128x1xi32>
        %select_n3A_83 = arith.select %ge3A_78, %add3A_67, %while3A_63 : vector<128x1xi1>, vector<128x1xi32>
        scf.yield %select_n3A_82, %select_n3A_83 : vector<128x1xi32>, vector<128x1xi32>
      }
      %bitcast_convert_type3A_30 = tpu.bitcast %while3A#0 : vector<128x1xi32> -> vector<128x1xf32>
      %get3A_31 = arith.constant 0 : index
      %get3A_32 = arith.constant 0 : index
      %get3A_33 = vector.load %arg8[%get3A_31, %get3A_32] : memref<128x10240xf32, #tpu.memory_space<vmem>>, vector<128x10240xf32>
      %get3A_34 = arith.constant 0 : index
      %get3A_35 = arith.constant 0 : index
      %get3A_36 = vector.load %arg8[%get3A_34, %get3A_35] : memref<128x10240xf32, #tpu.memory_space<vmem>>, vector<128x10240xf32>
      %bitcast_convert_type3A_37 = tpu.bitcast %get3A_36 : vector<128x10240xf32> -> vector<128x10240xi32>
      %lt3A = vector.broadcast %while3A#0 : vector<128x1xi32> to vector<128x10240xi32>
      %lt3A_38 = arith.cmpi slt, %bitcast_convert_type3A_37, %lt3A : vector<128x10240xi32>
      %convert_element_type3A_39 = arith.extui %lt3A_38 : vector<128x10240xi1> to vector<128x10240xi32>
      %reduce_sum3A_40 = arith.constant dense<0> : vector<128xi32>
      %reduce_sum3A_41 = vector.multi_reduction <add>, %convert_element_type3A_39, %reduce_sum3A_40 [1] : vector<128x10240xi32> to vector<128xi32>
      %broadcast_in_dim3A_42 = vector.shape_cast %reduce_sum3A_41 : vector<128xi32> to vector<128x1xi32>
      %sub3A_43 = vector.broadcast %add3A_18 : vector<128x1xf32> to vector<128x10240xf32>
      %sub3A_44 = arith.subf %sub3A_43, %get3A_33 : vector<128x10240xf32>
      %max3A = arith.constant 0.000000e+00 : f32
      %max3A_45 = vector.broadcast %max3A : f32 to vector<128x10240xf32>
      %max3A_46 = arith.maximumf %sub3A_44, %max3A_45 : vector<128x10240xf32>
      %jit3A = arith.constant 0.000000e+00 : f32
      %broadcast_in_dim3A_47 = vector.broadcast %jit3A : f32 to vector<128x10240xf32>
      %select_n3A = arith.select %lt3A_38, %max3A_46, %broadcast_in_dim3A_47 : vector<128x10240xi1>, vector<128x10240xf32>
      %reduce_sum3A_48 = arith.constant dense<0.000000e+00> : vector<128xf32>
      %reduce_sum3A_49 = vector.multi_reduction <add>, %select_n3A, %reduce_sum3A_48 [1] : vector<128x10240xf32> to vector<128xf32>
      %broadcast_in_dim3A_50 = vector.shape_cast %reduce_sum3A_49 : vector<128xf32> to vector<128x1xf32>
      %sub3A_51 = arith.constant 64 : i32
      %sub3A_52 = vector.broadcast %sub3A_51 : i32 to vector<128x1xi32>
      %sub3A_53 = arith.subi %sub3A_52, %broadcast_in_dim3A_42 : vector<128x1xi32>
      %convert_element_type3A_54 = arith.sitofp %sub3A_53 : vector<128x1xi32> to vector<128x1xf32>
      %sub3A_55 = arith.subf %add3A_18, %bitcast_convert_type3A_30 : vector<128x1xf32>
      %max3A_56 = arith.constant 0.000000e+00 : f32
      %max3A_57 = vector.broadcast %max3A_56 : f32 to vector<128x1xf32>
      %max3A_58 = arith.maximumf %sub3A_55, %max3A_57 : vector<128x1xf32>
      %mul3A = arith.mulf %convert_element_type3A_54, %max3A_58 : vector<128x1xf32>
      %add3A_59 = arith.addf %broadcast_in_dim3A_50, %mul3A : vector<128x1xf32>
      %swap3A = arith.constant 0 : index
      %swap3A_60 = arith.constant 0 : index
      %swap3A_61 = vector.load %arg7[%swap3A, %swap3A_60] : memref<128x1xf32, #tpu.memory_space<vmem>>, vector<128x1xf32>
      tpu.vector_store %arg7[%swap3A, %swap3A_60], %add3A_59 {strides = array<i32>} : memref<128x1xf32, #tpu.memory_space<vmem>>, vector<128x1xf32>,
    } else {
    }
    return
  }
  func.func @transform_0(%arg0: i32, %arg1: i32, %arg2: i32) -> (i32, i32, i32) {
    %c0_i32 = arith.constant 0 : i32
    %c0_i32_0 = arith.constant 0 : i32
    return %arg0, %c0_i32, %arg2 : i32, i32, i32
  }
  func.func @transform_1(%arg0: i32, %arg1: i32, %arg2: i32) -> (i32, i32, i32) {
    %c0_i32 = arith.constant 0 : i32
    %c0_i32_0 = arith.constant 0 : i32
    return %arg0, %c0_i32, %arg1 : i32, i32, i32
  }
  func.func @transform_2(%arg0: i32, %arg1: i32, %arg2: i32) -> (i32, i32) {
    %c0_i32 = arith.constant 0 : i32
    %c0_i32_0 = arith.constant 0 : i32
    return %arg1, %c0_i32 : i32, i32
  }
  func.func @transform_3(%arg0: i32, %arg1: i32, %arg2: i32) -> (i32, i32) {
    %c0_i32 = arith.constant 0 : i32
    %c0_i32_0 = arith.constant 0 : i32
    return %arg1, %c0_i32 : i32, i32
  }
  func.func @transform_4(%arg0: i32, %arg1: i32, %arg2: i32) -> (i32, i32) {
    %mul3A = arith.constant 8 : i32
    %mul3A_0 = arith.muli %arg0, %mul3A : i32
    %add3A = arith.addi %mul3A_0, %arg1 : i32
    %c0_i32 = arith.constant 0 : i32
    %c0_i32_1 = arith.constant 0 : i32
    return %add3A, %c0_i32 : i32, i32
  }
}

</mosaic_0001>

<sc_bundles>
// kernel: kernel.4.cloned.1.call-start
scs
__scs_entry_jumppad:
0x0: {  	(pc) =	sbr.rel $0x88, $3  }
0x1: {  	(tag) =	ssettag $0x0;
	lr =	simm.s32 $0x1  }
0x2: {  	[smem:$0x3F9D] =	sst lr;
	_ =	strace $0xD0000000  }
0x3: {  	_ = 	snop  }
0x4: {  	_ = 	snop  }
0x5: {  	_ = 	snop  }
0x6: {  	_ = 	snop  }
0x7: {  	_ = 	snop  }
__scs_overlays_trampoline_lowered:
0x8: {  	[smem:$0x3FAC] =	sst s0  }
0x9: {  	[smem:$0x3FAD] =	sst s1  }
0xa: {  	[smem:$0x3FAE] =	sst s2  }
0xb: {  	[smem:$0x3FAF] =	sst s3  }
0xc: {  	[smem:$0x3FB0] =	sst s4  }
0xd: {  	[smem:$0x3FB1] =	sst s5  }
0xe: {  	[smem:$0x3FB2] =	sst s6  }
0xf: {  	[smem:$0x3FB3] =	sst s7  }
0x10: {  	[smem:$0x3FB4] =	sst s8  }
0x11: {  	[smem:$0x3FB5] =	sst s9;
	s0 =	simm.s32 @!p0 $0x0  }
0x12: {  	s1 =	sld [smem:$0x3F9B];
	s0 =	simm.s32 @p0 $0x1  }
0x13: {  	[smem:$0x3FB6] =	sst s0;
	s0 =	simm.s32 @!p1 $0x0  }
0x14: {  	s2 =	sld [smem:$0x3F9A];
	s0 =	simm.s32 @p1 $0x1  }
0x15: {  	[smem:$0x3FB7] =	sst s0;
	s0 =	simm.s32 @!p2 $0x0  }
0x16: {  	s3 =	sld [smem:$0x3FDB];
	s0 =	simm.s32 @p2 $0x1  }
0x17: {  	s4 =	simm.s32 $0x1BF5;
	[smem:$0x3FB9] =	sst s0  }
0x18: {  	s0 =	sld [smem:$0x3F9C];
	_ =	swait.ge [sflag:s4], $0x0  }
0x19: {  	s7 =	sld [smem:$0x3F9D]  }
0x1a: {  	s8 =	sadd.s32 $0xFFFFE003, lr  }
0x1b: {  	s9 =	sadd.s32 $0xFFFFFEF7, lr;
	s5 =	simm.s32 $0xFFFFFFFF;
	p2 =	slt.u32 s8, $0xFFFFF086  }
0x1c: {  	p1 =	slt.u32 s9, $0xF7A;
	s5 =	simm.s32 @!p2 $0x0  }
0x1d: {  	s5 =	simm.s32 @p1 $0x1;
	p0 =	seq.s32 s7, s2  }
0x1e: {  	s7 =	smul.u32 @!p0 $0xF7A, s2;
	p2 =	seq.s32 @!p0 s5, $0x0  }
0x1f: {  	s9 =	smul.u32 $0xF7A, s1;
	s8 =	simm.s32 @!p0 $0x1BF5;
	p2 =	por !p2, p0  }
0x20: {  	[sflag:s8] =	ssyncset.s32 @!p0 $0xFFFFF086;
	s6 =	sadd.s32 @!p0 s3, s7;
	s7 =	simm.s32 @!p0 $0x108  }
0x21: {  	s3 =	sadd.s32 s3, s9;
	s6 =	sadd.s32 @!p0 $0x88, s6;
	s7 =	simm.s32 @p2 $0x1082  }
0x22: {  	[simem:s7], [sflag:s8] =	dma.local @!p0 [hbm:s6], $0xF7A  }
0x23: {  	s9 =	sor.u32 $0xD0000000, s2;
	s6 =	simm.s32 $0x108;
	_ =	swait.ge @!p0 [sflag:s8], $0x0  }
0x24: {  	s3 =	sadd.s32 $0x88, s3;
	s6 =	simm.s32 @!p1 $0x1082;
	[sflag:s4] =	ssyncset.s32 $0xFFFFF086  }
0x25: {  	[simem:s6], [sflag:s4] =	dma.local [hbm:s3], $0xF7A  }
0x26: {  	[smem:$0x3F9D] =	sst s1;
	(tag) =	ssettag s2;
	_ =	strace s9  }
0x27: {  	s1 =	sld [smem:$0x3FAD]  }
0x28: {  	s2 =	sld [smem:$0x3FAE]  }
0x29: {  	s4 =	sld [smem:$0x3FB0]  }
0x2a: {  	p0 =	seq.s32 s5, $0x0;
	s5 =	sld [smem:$0x3FB1]  }
0x2b: {  	s6 =	sld [smem:$0x3FB2]  }
0x2c: {  	s7 =	sld [smem:$0x3FB3]  }
0x2d: {  	s3 =	simm.s32 $0x108;
	s8 =	sld [smem:$0x3FB4]  }
0x2e: {  	s3 =	simm.s32 @!p0 $0x1082;
	s9 =	sld [smem:$0x3FB5]  }
0x2f: {  	lr =	sadd.s32 s0, s3;
	s0 =	sld [smem:$0x3FAC]  }
0x30: {  	s3 =	sld [smem:$0x3FAF]  }
0x31: {  	[smem:$0x3FB8] =	sst s10  }
0x32: {  	s10 =	sld [smem:$0x3FB6];
	_ =	sdelay $0x3  }
0x33: {  	p0 =	seq.s32 s10, $0x1;
	s10 =	sld [smem:$0x3FB8];
	_ =	sdelay $0x3  }
0x34: {  	[smem:$0x3FB8] =	sst s10  }
0x35: {  	s10 =	sld [smem:$0x3FB7];
	_ =	sdelay $0x3  }
0x36: {  	p1 =	seq.s32 s10, $0x1;
	s10 =	sld [smem:$0x3FB8];
	_ =	sdelay $0x3  }
0x37: {  	[smem:$0x3FB8] =	sst s10  }
0x38: {  	s10 =	sld [smem:$0x3FB9]  }
0x39: {  	_ = 	snop;
	(pc) =	sbr.ind lr, $3  }
0x3a: {  	_ = 	snop  }
0x3b: {  	_ = 	snop  }
0x3c: {  	p2 =	seq.s32 s10, $0x1;
	s10 =	sld [smem:$0x3FB8]  }
0x3d: {  	_ =	shalt  }
0x3e: {  	_ =	shalt  }
0x3f: {  	_ =	shalt  }
0x40: {  	_ =	shalt  }
0x41: {  	_ =	shalt  }
0x42: {  	_ =	shalt  }
0x43: {  	_ =	shalt  }
0x44: {  	_ =	shalt  }
0x45: {  	_ =	shalt  }
0x46: {  	_ =	shalt  }
0x47: {  	_ =	shalt  }
0x48: {  	_ =	shalt  }
0x49: {  	_ =	shalt  }
0x4a: {  	_ =	shalt  }
0x4b: {  	_ =	shalt  }
0x4c: {  	_ =	shalt  }
0x4d: {  	_ =	shalt  }
0x4e: {  	_ =	shalt  }
0x4f: {  	_ =	shalt  }
0x50: {  	_ =	shalt  }
0x51: {  	_ =	shalt  }
0x52: {  	_ =	shalt  }
0x53: {  	_ =	shalt  }
0x54: {  	_ =	shalt  }
0x55: {  	_ =	shalt  }
0x56: {  	_ =	shalt  }
0x57: {  	_ =	shalt  }
0x58: {  	_ =	shalt  }
0x59: {  	_ =	shalt  }
0x5a: {  	_ =	shalt  }
0x5b: {  	_ =	shalt  }
0x5c: {  	_ =	shalt  }
0x5d: {  	_ =	shalt  }
0x5e: {  	_ =	shalt  }
0x5f: {  	_ =	shalt  }
0x60: {  	_ =	shalt  }
0x61: {  	_ =	shalt  }
0x62: {  	_ =	shalt  }
0x63: {  	_ =	shalt  }
0x64: {  	_ =	shalt  }
0x65: {  	_ =	shalt  }
0x66: {  	_ =	shalt  }
0x67: {  	_ =	shalt  }
0x68: {  	_ =	shalt  }
0x69: {  	_ =	shalt  }
0x6a: {  	_ =	shalt  }
0x6b: {  	_ =	shalt  }
0x6c: {  	_ =	shalt  }
0x6d: {  	_ =	shalt  }
0x6e: {  	_ =	shalt  }
0x6f: {  	_ =	shalt  }
0x70: {  	_ =	shalt  }
0x71: {  	_ =	shalt  }
0x72: {  	_ =	shalt  }
0x73: {  	_ =	shalt  }
0x74: {  	_ =	shalt  }
0x75: {  	_ =	shalt  }
0x76: {  	_ =	shalt  }
0x77: {  	_ =	shalt  }
0x78: {  	_ =	shalt  }
0x79: {  	_ =	shalt  }
0x7a: {  	_ =	shalt  }
0x7b: {  	_ =	shalt  }
0x7c: {  	_ =	shalt  }
0x7d: {  	_ =	shalt  }
0x7e: {  	_ =	shalt  }
0x7f: {  	_ =	shalt  }
0x80: {  	_ =	shalt  }
0x81: {  	_ =	shalt  }
0x82: {  	_ =	shalt  }
0x83: {  	_ =	shalt  }
0x84: {  	_ =	shalt  }
0x85: {  	_ =	shalt  }
0x86: {  	_ =	shalt  }
0x87: {  	_ =	shalt  }
.Lfunc_end0:
.L_simem_size_0:
called_computation_lowered:
.L_overlay_start_0:
0x88: {  	s2 =	sld [smem:$0x3FD9]  }
0x89: {  	s3 =	sld [smem:$0x3FFE];
	_ =	sdelay $0x1  }
0x8a: {  	s1 =	srdreg.scid  }
0x8b: {  	s0 =	sand.u32 $0x1, s1  }
0x8c: {  	s17 =	sshll.u32 s0, $0xA;
	s2 =	sadd.s32 s3, s2  }
0x8d: {  	s2 =	sadd.s32 s2, s17  }
0x8e: {  	[smem:$0x3FC4] =	sst s2  }
0x8f: {  	_ = 	snop  }
0x90: {  	s2 =	sld [smem:$0x3FC9]  }
0x91: {  	s18 =	sld [smem:$0x3FC8]  }
0x92: {  	s4 =	sld [smem:$0x3FC7]  }
0x93: {  	s5 =	sld [smem:$0x3FC6];
	(tm) =	ssettm $0x1  }
0x94: {  	s6 =	sld [smem:$0x3FFB];
	_ =	sdelay $0x3  }
0x95: {  	_ =	strace s6  }
0x96: {  	s6 =	sld [smem:$0x3FFC];
	_ =	sdelay $0x3  }
0x97: {  	_ =	strace s6  }
0x98: {  	s6 =	sld [smem:$0x3FFD];
	_ =	sdelay $0x3  }
0x99: {  	_ =	strace s6  }
0x9a: {  	_ =	strace $0x8FFFFFFF  }
0x9b: {  	s19 =	sld [smem:$0x3FDB];
	_ =	sdelay $0x1  }
0x9c: {  	s7 =	simm.s32 $_scs_section_size  }
0x9d: {  	s8 =	simm.s32 $_size__tile_overlayer_lowered;
	s9 =	simm.s32 $_tile_overlayer_lowered  }
0x9e: {  	s22 =	simm.s32 $0x1BFF;
	s21 =	sshll.u32 s9, $0x1;
	s6 =	sadd.s32 s7, s19  }
0x9f: {  	s10 =	simm.s32 $0x0;
	s20 =	sshll.u32 s8, $0x1;
	s8 =	sadd.s32 s21, s6  }
0xa0: {  	[timem:s10], [sflag:s22] =	dma.local [hbm:s8], s20  }
0xa1: {  	_ =	swait.ge [sflag:s22], s20  }
0xa2: {  	s7 =	ssub.s32 $0x0, s20;
	[sflag:s22] =	ssyncset.done $0x0  }
0xa3: {  	[sflag:s22] =	ssyncadd.s32 s7;
	_ =	sdelay $0x1  }
0xa4: {  	s23 =	simm.s32 $0x1B8B  }
0xa5: {  	_ =	swait.ge [sflag:s23], $0x1  }
0xa6: {  	[sflag:s23] =	ssyncset.done $0x0  }
0xa7: {  	s25 =	simm.s32 $0x1B8E;
	s24 =	sld [smem:$0x3FFE];
	[sflag:s23] =	ssyncadd.s32 $0xFFFFFFFF  }
0xa8: {  	s26 =	simm.s32 $execute0_lowered;
	[smem:$0x3FD2] =	sst s25  }
0xa9: {  	s8 =	sshll.u32 s26, $0x1;
	_ =	strace $0x80000046;
	[dreg:$0x1] =	wrdreg $0xFFFFFFFF  }
0xaa: {  	s28 =	simm.s32 $_size_execute0_lowered;
	s6 =	sadd.s32 s6, s8;
	[dreg:$0x0] =	wrdreg $0x0  }
0xab: {  	s8 =	sshll.u32 s28, $0x1;
	[dreg:$0x2] =	wrdreg s6  }
0xac: {  	[dreg:$0x3] =	wrdreg s8  }
0xad: {  	[dreg:$0x4] =	wrdreg $0xC0  }
0xae: {  	_ =	task [dreg:s10], $0x5FFFF  }
0xaf: {  	[dreg:$0x1] =	wrdreg $0xFFFFFFFF  }
0xb0: {  	[dreg:$0x0] =	wrdreg $0x60  }
0xb1: {  	[dreg:$0x2] =	wrdreg s2  }
0xb2: {  	[dreg:$0x3] =	wrdreg s18  }
0xb3: {  	[dreg:$0x4] =	wrdreg s4  }
0xb4: {  	[dreg:$0x5] =	wrdreg s5  }
0xb5: {  	[dreg:$0x6] =	wrdreg s24  }
0xb6: {  	[dreg:$0x7] =	wrdreg $0x9  }
0xb7: {  	_ =	task.clear_ibuf [dreg:s10], $0x8FFFF;
	_ =	strace $0x90000046  }
0xb8: {  	s29 =	simm.s32 $0x9;
	_ =	strace $0x80000048  }
0xb9: {  	_ =	swait.ge [sflag:s29], $0x1  }
0xba: {  	[sflag:s29] =	ssyncadd.s32 $0xFFFFFFFF  }
0xbb: {  	_ =	strace $0x90000048  }
0xbc: {  	_ =	sfence  }
0xbd: {  	s30 =	sld [smem:$0x0];
	_ =	sdelay $0x2  }
0xbe: {  	s31 =	sshll.u32 s1, $0xD;
	s1 =	sshrl.u32 s1, $0x2  }
0xbf: {  	s3 =	sand.u32 $0x4000, s31;
	s1 =	sadd.s32 s1, s30  }
0xc0: {  	s0 =	sor.u32 s3, s0;
	s1 =	sshll.u32 s1, $0x11  }
0xc1: {  	s0 =	sor.u32 s1, s0  }
0xc2: {  	s0 =	sadd.s32 $0x8F2B, s0  }
0xc3: {  	[sflag:s0] =	ssyncadd.remote.s32 $0x1  }
0xc4: {  	_ =	sfence.sel $0xFFFF  }
0xc5: {  	[dreg:$0x0] =	wrdreg $0xFFFFFFFF;
	(pc) =	sbr.abs _section_cstart, $3  }
0xc6: {  	[dreg:$0x1] =	wrdreg $0xFFFFFFFF  }
0xc7: {  	_ =	task.clear_ibuf [dreg:s10], $0x2FFFF;
	_ =	strace $0x9FFFFFFF  }
0xc8: {  	(tm) =	ssettm $0x7FFFFFFF  }
0xc9: {  	_ =	shalt  }
tec
execute0_lowered:
.L_overlay_start_1:
0x0: {  	(tag) =	ssettag $0x1  }
0x1: {  	s1 =	rddreg [dreg:$0x0]  }
0x2: {  	s2 =	rddreg [dreg:$0x1]  }
0x3: {  	s5 =	rddreg [dreg:$0x2]  }
0x4: {  	s7 =	rddreg [dreg:$0x3]  }
0x5: {  	s6 =	rddreg [dreg:$0x4];
	s4 =	srdreg.scid  }
0x6: {  	s0 =	rddreg [dreg:$0x5];
	s3 =	stileid.u32  }
0x7: {  	s12 =	simm.s32 $0x880;
	s13 =	simm.s32 $0x1080;
	s14 =	simm.s32 $0x1880  }
0x8: {  	s15 =	simm.s32 $0x1;
	s8 =	sand.u32 $0x1, s4;
	s4 =	simm.s32 $0x0  }
0x9: {  	s9 =	sshll.u32 s3, $0x6;
	s10 =	sshll.u32 s8, $0x5;
	[smem:$0x7FF] =	sst s4  }
0xa: {  	s8 =	ssub.s32 $0x2, s8;
	s9 =	sor.u32 s10, s9;
	_ =	strace $0x80000047  }
0xb: {  	s31 =	sshrl.u32 s8, $0x1;
	s10 =	sshll.u32 s9, $0x5;
	s9 =	sshrl.u32 s9, $0x3  }
0xc: {  	v2 =	vlaneseq.u32;
	s11 =	ssub.s32 s8, s31;
	s10 =	sadd.s32 s10, s6;
	s5 =	sadd.s32 s5, s9  }
0xd: {  	vm0 =	vmmov $0xffff;
	v1 =	vshrl.u32 v2, $0x3;
	s7 =	sadd.s32 s7, s9;
	s9 =	smax.u32 s11, $0x1;
	s11 =	simm.s32 $0x80  }
0xe: {  	v0 =	vand.u32 $0x7, v2;
	v2 =	vor.u32 $0x8, v2;
	v1 =	vmul.u32 $0x8, v1;
	s6 =	sadd.s32 $0xE00, s10;
	s8 =	sadd.s32 $0x8E00, s10;
	s10 =	simm.s32 $0x2  }
.LBB2_1:
0xf: {  	[tilespmem:s4], [sflag:$0x2] =	stream.linear.gather [hbm4b:s5+s4], $0x20, $0x38;
	[tilespmem:$0x2080] =	vst v63  }
0x10: {  	_ =	swait.ge [sflag:s10], $0x20  }
0x11: {  	[sflag:s10] =	ssyncset.done $0x0  }
0x12: {  	[sflag:s10] =	ssyncadd.s32 $0xFFFFFFE0  }
0x13: {  	v3 =	vld [tilespmem:$0x0];
	_ =	sdelay $0x4  }
0x14: {  	v4 =	vshll.u32 v3, $0x1  }
0x15: {  	v3 =	vand.u32 $0x7, v3;
	v4 =	vand.u32 $0xFFFFFFF0, v4  }
0x16: {  	v3 =	vor.u32 v3, v4  }
0x17: {  	v4 =	vperm.xlane v3, v0;
	_ =	sdelay $0x1  }
0x18: {  	v3 =	vperm.xlane v3, v2;
	v4 =	vadd.s32 v1, v4;
	_ =	sdelay $0x1  }
0x19: {  	v3 =	vadd.s32 v1, v3;
	_ =	sdelay $0x2  }
0x1a: {  	[tilespmem:s11], [sflag:$0x1] =	stream.indirect_vreg.gather [hbm4b:s1+s4], $0x80, v4, vm0, $0xb8;
	[tilespmem:$0x2080] =	vst v63  }
0x1b: {  	_ = 	snop  }
0x1c: {  	[tilespmem:s12], [sflag:$0x1] =	stream.indirect_vreg.gather [hbm4b:s1+s4], $0x80, v3, vm0, $0xb8;
	[tilespmem:$0x2080] =	vst v63  }
0x1d: {  	v3 =	vld [tilespmem:$0x10];
	_ =	sdelay $0x4  }
0x1e: {  	v61 =	vshll.u32 v3, $0x1  }
0x1f: {  	v3 =	vand.u32 $0x7, v3;
	v4 =	vand.u32 $0xFFFFFFF0, v61  }
0x20: {  	v3 =	vor.u32 v3, v4  }
0x21: {  	v4 =	vperm.xlane v3, v0;
	_ =	sdelay $0x1  }
0x22: {  	v3 =	vperm.xlane v3, v2;
	v4 =	vadd.s32 v1, v4;
	_ =	sdelay $0x1  }
0x23: {  	v3 =	vadd.s32 v1, v3;
	_ =	sdelay $0x2  }
0x24: {  	[tilespmem:s13], [sflag:$0x1] =	stream.indirect_vreg.gather [hbm4b:s1+s4], $0x80, v4, vm0, $0xb8;
	[tilespmem:$0x2080] =	vst v63  }
0x25: {  	_ = 	snop  }
0x26: {  	[tilespmem:s14], [sflag:$0x1] =	stream.indirect_vreg.gather [hbm4b:s1+s4], $0x80, v3, vm0, $0xb8;
	[tilespmem:$0x2080] =	vst v63  }
0x27: {  	_ =	swait.ge [sflag:s15], $0x2000  }
0x28: {  	[sflag:s15] =	ssyncset.done $0x0  }
0x29: {  	[sflag:s15] =	ssyncadd.s32 $0xFFFFE000  }
0x2a: {  	[hbm4b:s6+s4] =	stream.linear.scatter [tilespmem:s11], [sflag:$0x2], $0x2000, $0x38;
	[tilespmem:$0x2080] =	vst v63  }
0x2b: {  	_ =	swait.ge [sflag:s10], $0x2000  }
0x2c: {  	[sflag:s10] =	ssyncset.done $0x0  }
0x2d: {  	[sflag:s10] =	ssyncadd.s32 $0xFFFFE000  }
0x2e: {  	[tilespmem:s4], [sflag:$0x2] =	stream.linear.gather [hbm4b:s7+s4], $0x20, $0x38;
	[tilespmem:$0x2080] =	vst v63  }
0x2f: {  	_ =	swait.ge [sflag:s10], $0x20  }
0x30: {  	[sflag:s10] =	ssyncset.done $0x0  }
0x31: {  	[sflag:s10] =	ssyncadd.s32 $0xFFFFFFE0  }
0x32: {  	v3 =	vld [tilespmem:$0x0];
	_ =	sdelay $0x4  }
0x33: {  	v62 =	vshll.u32 v3, $0x1  }
0x34: {  	v3 =	vand.u32 $0x7, v3;
	v4 =	vand.u32 $0xFFFFFFF0, v62  }
0x35: {  	v3 =	vor.u32 v3, v4  }
0x36: {  	v4 =	vperm.xlane v3, v0;
	_ =	sdelay $0x1  }
0x37: {  	v3 =	vperm.xlane v3, v2;
	v4 =	vadd.s32 v1, v4;
	_ =	sdelay $0x1  }
0x38: {  	v3 =	vadd.s32 v1, v3;
	_ =	sdelay $0x2  }
0x39: {  	[tilespmem:s11], [sflag:$0x1] =	stream.indirect_vreg.gather [hbm4b:s2+s4], $0x80, v4, vm0, $0xb8;
	[tilespmem:$0x2080] =	vst v63  }
0x3a: {  	_ = 	snop  }
0x3b: {  	[tilespmem:s12], [sflag:$0x1] =	stream.indirect_vreg.gather [hbm4b:s2+s4], $0x80, v3, vm0, $0xb8;
	[tilespmem:$0x2080] =	vst v63  }
0x3c: {  	v3 =	vld [tilespmem:$0x10];
	_ =	sdelay $0x4  }
0x3d: {  	v63 =	vshll.u32 v3, $0x1  }
0x3e: {  	v3 =	vand.u32 $0x7, v3;
	v4 =	vand.u32 $0xFFFFFFF0, v63  }
0x3f: {  	v3 =	vor.u32 v3, v4  }
0x40: {  	v4 =	vperm.xlane v3, v0;
	_ =	sdelay $0x1  }
0x41: {  	v3 =	vperm.xlane v3, v2;
	v4 =	vadd.s32 v1, v4;
	_ =	sdelay $0x1  }
0x42: {  	v3 =	vadd.s32 v1, v3;
	_ =	sdelay $0x2  }
0x43: {  	[tilespmem:s13], [sflag:$0x1] =	stream.indirect_vreg.gather [hbm4b:s2+s4], $0x80, v4, vm0, $0xb8;
	[tilespmem:$0x2080] =	vst v63  }
0x44: {  	_ = 	snop  }
0x45: {  	[tilespmem:s14], [sflag:$0x1] =	stream.indirect_vreg.gather [hbm4b:s2+s4], $0x80, v3, vm0, $0xb8;
	[tilespmem:$0x2080] =	vst v63  }
0x46: {  	_ =	swait.ge [sflag:s15], $0x2000  }
0x47: {  	p0 =	sne.s32 s9, $0x1;
	[sflag:s15] =	ssyncset.done $0x0  }
.Ltmp0:
0x48: {  	[sflag:s15] =	ssyncadd.s32 $0xFFFFE000;
	(pc) =	sbr.rel @p0 .LBB2_1-.Ltmp0, $4  }
0x49: {  	[hbm4b:s8+s4] =	stream.linear.scatter [tilespmem:s11], [sflag:$0x2], $0x2000, $0x38;
	[tilespmem:$0x2080] =	vst v63  }
0x4a: {  	_ =	swait.ge [sflag:s10], $0x2000  }
0x4b: {  	[sflag:s10] =	ssyncset.done $0x0  }
0x4c: {  	s9 =	sadd.s32 $0xFFFFFFFF, s9;
	[sflag:s10] =	ssyncadd.s32 $0xFFFFE000  }
0x4d: {  	_ =	sfence.sel $0x180000  }
0x4e: {  	[bflag:$0x0] =	sbarrier.arrive $0xFFFF  }
0x4f: {  	p0 =	sne.s32 s3, $0x0;
	_ =	strace $0x90000047  }
0x50: {  	s0 =	sadd.s32 @!p0 $0x100000, s0;
	[bflag:$0x2] =	sbarrier.arrive $0xFFFF  }
0x51: {  	[sflag:s0] =	ssyncadd.tile.s32 @!p0 $0x1;
	_ =	shalt  }
.Lfunc_end2:
_tile_overlayer_lowered:
.L_overlay_start_2:
0x52: {  	(tag) =	ssettag $0x2  }
0x53: {  	s0 =	rddreg [dreg:$0x0];
	s2 =	stileid.u32  }
0x54: {  	s1 =	rddreg [dreg:$0x1];
	p0 =	sne.s32 s2, $0x0  }
0x55: {  	s3 =	rddreg [dreg:$0x2];
	[bflag:$0x3] =	sbarrier.arrive $0xFFFF;
	s2 =	simm.s32 @!p0 $0x1C02  }
0x56: {  	[timem:s3], [sflag:s2] =	dma.local @!p0 [hbm:s0], s1  }
0x57: {  	s0 =	simm.s32 @!p0 $0x2  }
0x58: {  	_ =	swait.ge @!p0 [sflag:s0], s1  }
0x59: {  	s1 =	ssub.s32 @!p0 $0x0, s1;
	[sflag:s0] =	ssyncset.done @!p0 $0x0  }
0x5a: {  	[sflag:s0] =	ssyncadd.s32 @!p0 s1  }
0x5b: {  	[bflag:$0x3] =	sbarrier.arrive $0xFFFF  }
0x5c: {  	_ =	shalt  }

</sc_bundles>
